<compile_context>
chip_gen: v7x
topology: tpu7x:2x2x1
jax: 0.10.2.dev20260603
libtpu: 0.0.44.dev20260713+nightly
codegen_flags: <defaults>
</compile_context>

<pallas_src>
import jax
import jax.numpy as jnp
from jax import lax
from jax.experimental import pallas as pl
from jax.experimental.pallas import tpu as pltpu
from jax.experimental.pallas import tpu_sc as plsc

B = 16384
D = 64
NC = 2
NS = 16
NW = NC * NS
BPW = B // NW
NCHUNK = 4
CHUNK = BPW // NCHUNK
NG = BPW // 16

U_CHK = 131072
M_CHK = 65536

U_ROWS, U_FULL, U_TAIL = 1000000, 999936, 64
U_NFULL = U_FULL // U_CHK
U_REM = U_FULL - U_NFULL * U_CHK
U_S = 1000448

M_ROWS, M_FULL_C, M_TAIL = 100000, 99968, 32
M_NFULL = M_FULL_C // M_CHK
M_REM = M_FULL_C - M_NFULL * M_CHK
M_S = 100352


def _detile_body(chk, rem, tail_w, stride, src_ref, tail_ref, out_ref,
                 buf, tbuf, ebuf, sem_in, sem_out):
    a = pl.program_id(0)
    k = pl.program_id(1)
    nfull = pl.num_programs(1) - 1
    edge = ebuf.shape[1]
    CHK = chk

    def start_main(kk, b):
        pltpu.make_async_copy(
            src_ref.at[pl.ds(a * 8, 8), pl.ds(kk * CHK, CHK)],
            buf.at[b], sem_in).start()

    @pl.when(k == 0)
    def _prime():
        start_main(0, 0)
        if nfull > 1:
            start_main(1, 1)

    @pl.when(k >= 1)
    def _drain_prev():
        for i in range(8):
            pltpu.make_async_copy(buf.at[0].at[i], out_ref.at[pl.ds(0, CHK)],
                                  sem_out).wait()

    @pl.when(k + 2 < nfull)
    def _prefetch_main():
        start_main(k + 2, (k + 2) % 3)

    @pl.when(k + 1 == nfull)
    def _prefetch_edge():
        pltpu.make_async_copy(
            src_ref.at[pl.ds(a * 8, 8), pl.ds(nfull * CHK, rem)],
            ebuf.at[:, pl.ds(0, rem)], sem_in).start()
        pltpu.make_async_copy(tail_ref.at[pl.ds(a * 8, 8)], tbuf,
                              sem_in).start()

    @pl.when(k < nfull)
    def _main():
        b = k % 3
        pltpu.make_async_copy(
            src_ref.at[pl.ds(a * 8, 8), pl.ds(k * CHK, CHK)],
            buf.at[b], sem_in).wait()
        for i in range(8):
            dst = pl.ds((a * 8 + i) * stride + k * CHK, CHK)
            pltpu.make_async_copy(buf.at[b].at[i], out_ref.at[dst],
                                  sem_out).start()

    @pl.when(k == nfull)
    def _edge():
        pltpu.make_async_copy(
            src_ref.at[pl.ds(a * 8, 8), pl.ds(nfull * CHK, rem)],
            ebuf.at[:, pl.ds(0, rem)], sem_in).wait()
        pltpu.make_async_copy(tail_ref.at[pl.ds(a * 8, 8)], tbuf,
                              sem_in).wait()
        ebuf[:, pl.ds(rem, tail_w)] = tbuf[...]
        descs = []
        for i in range(8):
            dst = pl.ds((a * 8 + i) * stride + nfull * CHK, edge)
            descs.append(pltpu.async_copy(ebuf.at[i], out_ref.at[dst],
                                          sem_out))
        for dsc in descs:
            dsc.wait()


def _detile(table_t, tail_t, chk, nfull, rem, tail_w, stride):
    import functools
    body = functools.partial(_detile_body, chk, rem, tail_w, stride)
    CHK = chk
    edge = stride - nfull * CHK
    return pl.pallas_call(
        body,
        grid=(8, nfull + 1),
        in_specs=[pl.BlockSpec(memory_space=pl.ANY),
                  pl.BlockSpec(memory_space=pl.ANY)],
        out_specs=pl.BlockSpec(memory_space=pl.ANY),
        out_shape=jax.ShapeDtypeStruct((D * stride,), jnp.float32),
        scratch_shapes=[
            pltpu.VMEM((3, 8, CHK), jnp.float32),
            pltpu.VMEM((8, tail_w), jnp.float32),
            pltpu.VMEM((8, edge), jnp.float32),
            pltpu.SemaphoreType.DMA,
            pltpu.SemaphoreType.DMA,
        ],
    )(table_t, tail_t)


def _rsqrt(x):
    i = plsc.bitcast(x, jnp.int32)
    i = jnp.int32(0x5F3759DF) - (i >> 1)
    y = plsc.bitcast(i, jnp.float32)
    for _ in range(3):
        y = y * (1.5 - 0.5 * x * y * y)
    return y


def _body(uT_h, mT_h, gT_h, yT_h, uidx_h, midx_h, gidx_h, yidx_h,
          ubias_h, mbias_h,
          out_h,
          uidx_v, midx_v, gidx_v, yidx_v,
          ubuf, mbuf, gtbl, ytbl, ub_v, mb_v, out_v, sem):
    wid = lax.axis_index("s") * NC + lax.axis_index("c")

    pltpu.sync_copy(uidx_h.at[wid], uidx_v)
    pltpu.sync_copy(midx_h.at[wid], midx_v)
    pltpu.sync_copy(gidx_h.at[wid], gidx_v)
    pltpu.sync_copy(yidx_h.at[wid], yidx_v)

    descs = [
        pltpu.async_copy(gT_h, gtbl, sem),
        pltpu.async_copy(yT_h, ytbl, sem),
    ]
    for j in range(NCHUNK):
        dst = pl.ds(j * CHUNK, CHUNK)
        descs.append(pltpu.async_copy(ubias_h.at[0].at[uidx_v.at[j]],
                                      ub_v.at[dst], sem))
        descs.append(pltpu.async_copy(mbias_h.at[0].at[midx_v.at[j]],
                                      mb_v.at[dst], sem))

    def plane(c, _):
        for j in range(NCHUNK):
            dst = pl.ds(j * CHUNK, CHUNK)
            pltpu.async_copy(uT_h.at[c].at[uidx_v.at[j]],
                             ubuf.at[c].at[dst], sem)
            pltpu.async_copy(mT_h.at[c].at[midx_v.at[j]],
                             mbuf.at[c].at[dst], sem)
        return 0

    lax.fori_loop(0, D, plane, 0)

    for dsc in descs:
        dsc.wait()
    pltpu.make_async_copy(uT_h.at[:, pl.ds(0, BPW)], ubuf, sem).wait()
    pltpu.make_async_copy(mT_h.at[:, pl.ds(0, BPW)], mbuf, sem).wait()

    def group(g, _):
        rows = g * 16 + lax.iota(jnp.int32, 16)
        base = g * 16
        giv = plsc.load_gather(gidx_v, [rows])
        yiv = plsc.load_gather(yidx_v, [rows])

        def col(c, carry):
            s_um, s_uu, s_mm = carry
            cv = jnp.broadcast_to(c, (16,))
            u = ubuf[c, pl.ds(base, 16)]
            mv = mbuf[c, pl.ds(base, 16)]
            gv = plsc.load_gather(gtbl, [cv, giv])
            yv = plsc.load_gather(ytbl, [cv, yiv])
            m = mv + gv + yv
            return (s_um + u * m, s_uu + u * u, s_mm + m * m)

        zeros = jnp.zeros((16,), jnp.float32)
        s_um, s_uu, s_mm = lax.fori_loop(
            0, D, col, (zeros, zeros, zeros), unroll=8)

        inv = _rsqrt(jnp.maximum(s_uu, 1e-16)) * _rsqrt(jnp.maximum(s_mm, 1e-16))
        ub = plsc.load_gather(ub_v, [rows])
        mb = plsc.load_gather(mb_v, [rows])
        pred = s_um * inv * 2.5 + 2.75 + ub + mb
        plsc.store_scatter(out_v, [rows], pred)
        return 0

    lax.fori_loop(0, NG, group, 0)

    base = pl.multiple_of(wid * BPW, BPW)
    pltpu.sync_copy(out_v, out_h.at[pl.ds(base, BPW)])


def kernel(user_idx, movie_idx, genre_idx, year_idx,
           user_embeds, movie_embeds, genre_embeds, year_embeds,
           user_biases, movie_biases):
    mesh = plsc.VectorSubcoreMesh(core_axis_name="c", subcore_axis_name="s",
                                  num_cores=NC, num_subcores=NS)
    f32 = jnp.float32
    i32 = jnp.int32
    k = pl.kernel(
        _body,
        out_type=jax.ShapeDtypeStruct((B,), f32),
        mesh=mesh,
        compiler_params=pltpu.CompilerParams(needs_layout_passes=False,
                                             use_tc_tiling_on_sc=False),
        scratch_types=[
            pltpu.VMEM((NCHUNK, CHUNK), i32),
            pltpu.VMEM((NCHUNK, CHUNK), i32),
            pltpu.VMEM((BPW,), i32),
            pltpu.VMEM((BPW,), i32),
            pltpu.VMEM((D, BPW), f32),
            pltpu.VMEM((D, BPW), f32),
            pltpu.VMEM((D, 20), f32),
            pltpu.VMEM((D, 100), f32),
            pltpu.VMEM((BPW,), f32),
            pltpu.VMEM((BPW,), f32),
            pltpu.VMEM((BPW,), f32),
            pltpu.SemaphoreType.DMA,
        ],
    )
    uLin = _detile(user_embeds.T, user_embeds[U_FULL:].T,
                   U_CHK, U_NFULL, U_REM, U_TAIL, U_S)
    mLin = _detile(movie_embeds.T, movie_embeds[M_FULL_C:].T,
                   M_CHK, M_NFULL, M_REM, M_TAIL, M_S)
    return k(uLin.reshape(D, U_S), mLin.reshape(D, M_S),
             genre_embeds.T, year_embeds.T,
             user_idx.astype(i32).reshape(NW, NCHUNK, CHUNK),
             movie_idx.astype(i32).reshape(NW, NCHUNK, CHUNK),
             genre_idx.astype(i32).reshape(NW, BPW),
             year_idx.astype(i32).reshape(NW, BPW),
             user_biases.T, movie_biases.T)

# --- scband reference (transcript-rebuilt; emitter-appended) ---
"""Pipeline reference for scband-mfside-features-56487409877450 (READ-ONLY COPY).

The authoritative reference and input builder live on the scoring server;
editing this copy changes nothing except your own understanding.
"""

import jax, jax.numpy as jnp
import numpy as np

B = 16384
D = 64
NUM_USERS = 1000000
NUM_MOVIES = 100000
NUM_GENRES = 20
NUM_YEARS = 100


def setup_inputs(seed: int = 0) -> dict:
    key = jax.random.key(seed)
    ks = jax.random.split(key, 10)
    return {
        "user_idx": jax.random.randint(ks[0], (B,), 0, NUM_USERS),
        "movie_idx": jax.random.randint(ks[1], (B,), 0, NUM_MOVIES),
        "genre_idx": jax.random.randint(ks[2], (B,), 0, NUM_GENRES),
        "year_idx": jax.random.randint(ks[3], (B,), 0, NUM_YEARS),
        "user_embeds": jax.random.normal(ks[4], (NUM_USERS, D), dtype=jnp.float32) * 0.05,
        "movie_embeds": jax.random.normal(ks[5], (NUM_MOVIES, D), dtype=jnp.float32) * 0.05,
        "genre_embeds": jax.random.normal(ks[6], (NUM_GENRES, D), dtype=jnp.float32) * 0.05,
        "year_embeds": jax.random.normal(ks[7], (NUM_YEARS, D), dtype=jnp.float32) * 0.05,
        "user_biases": jax.random.normal(ks[8], (NUM_USERS, 1), dtype=jnp.float32) * 0.05,
        "movie_biases": jax.random.normal(ks[9], (NUM_MOVIES, 1), dtype=jnp.float32) * 0.05,
    }


def reference(user_idx, movie_idx, genre_idx, year_idx,
              user_embeds, movie_embeds, genre_embeds, year_embeds,
              user_biases, movie_biases):
    user = jnp.take(user_embeds, user_idx, axis=0)
    movie = jnp.take(movie_embeds, movie_idx, axis=0)
    genre = jnp.take(genre_embeds, genre_idx, axis=0)
    year = jnp.take(year_embeds, year_idx, axis=0)
    movie_bias = jnp.take(movie_biases, movie_idx, axis=0).squeeze(-1)
    user_bias = jnp.take(user_biases, user_idx, axis=0).squeeze(-1)
    # add_dropout is False -> no dropout applied (eval mode)
    movie = movie + genre + year
    eps = 1e-8
    un = jnp.maximum(jnp.linalg.norm(user, axis=-1), eps)
    mn = jnp.maximum(jnp.linalg.norm(movie, axis=-1), eps)
    similarity = jnp.sum(user * movie, axis=-1) / (un * mn)
    similarity = similarity * 2.5 + 2.75
    prediction = similarity + user_bias + movie_bias
    return prediction

if __name__ == "__main__":
    import jax
    _d = setup_inputs()
    print(jax.jit(kernel)(*tuple(_d.values())))

</pallas_src>

<mosaic_0001>
#map = affine_map<(d0, d1) -> (0, 0)>
#map1 = affine_map<(d0, d1) -> (0, 0, 0)>
#map2 = affine_map<(d0, d1) -> (0)>
module attributes {stable_mosaic.version = 14 : i64} {
  func.func @_body(%arg0: i32, %arg1: i32, %arg2: memref<64x1000448xf32, #tpu.memory_space<hbm>>, %arg3: memref<64x100352xf32, #tpu.memory_space<hbm>>, %arg4: memref<64x20xf32, #tpu.memory_space<hbm>>, %arg5: memref<64x100xf32, #tpu.memory_space<hbm>>, %arg6: memref<32x4x128xi32, #tpu.memory_space<hbm>>, %arg7: memref<32x4x128xi32, #tpu.memory_space<hbm>>, %arg8: memref<32x512xi32, #tpu.memory_space<hbm>>, %arg9: memref<32x512xi32, #tpu.memory_space<hbm>>, %arg10: memref<1x1000000xf32, #tpu.memory_space<hbm>>, %arg11: memref<1x100000xf32, #tpu.memory_space<hbm>>, %arg12: memref<16384xf32, #tpu.memory_space<hbm>>, %arg13: memref<4x128xi32, #tpu.memory_space<vmem>>, %arg14: memref<4x128xi32, #tpu.memory_space<vmem>>, %arg15: memref<512xi32, #tpu.memory_space<vmem>>, %arg16: memref<512xi32, #tpu.memory_space<vmem>>, %arg17: memref<64x512xf32, #tpu.memory_space<vmem>>, %arg18: memref<64x512xf32, #tpu.memory_space<vmem>>, %arg19: memref<64x20xf32, #tpu.memory_space<vmem>>, %arg20: memref<64x100xf32, #tpu.memory_space<vmem>>, %arg21: memref<512xf32, #tpu.memory_space<vmem>>, %arg22: memref<512xf32, #tpu.memory_space<vmem>>, %arg23: memref<512xf32, #tpu.memory_space<vmem>>, %arg24: memref<!tpu.dma_semaphore, #tpu.memory_space<semaphore_mem>>) attributes {dimension_semantics = [#tpu.dimension_semantics<core_parallel>, #tpu.dimension_semantics<subcore_parallel>], iteration_bounds = array<i64: 2, 16>, scalar_prefetch = 0 : i64, scratch_operands = 12 : i64, tpu.core_type = #tpu.core_type<sc_vector_subcore>, window_params = [{transform_indices = #map}, {transform_indices = #map}, {transform_indices = #map}, {transform_indices = #map}, {transform_indices = #map1}, {transform_indices = #map1}, {transform_indices = #map}, {transform_indices = #map}, {transform_indices = #map}, {transform_indices = #map}, {transform_indices = #map2}]} {
    %mul3A = arith.constant 2 : i32
    %mul3A_0 = arith.muli %arg1, %mul3A : i32
    %add3A = arith.addi %mul3A_0, %arg0 : i32
    "tpu.region"() ({
      %run_scoped3A = tpu.sem_alloc : memref<!tpu.dma_semaphore, #tpu.memory_space<semaphore_mem>>
      %dma_start3A_218 = arith.constant 0 : i32
      %dma_start3A_219 = arith.constant 0 : i32
      %dma_start3A_220 = tpu.memref_slice %arg6[%add3A, %dma_start3A_218, %dma_start3A_219] : memref<32x4x128xi32, #tpu.memory_space<hbm>> -> memref<1x4x128xi32, #tpu.memory_space<hbm>>
      %dma_start3A_221 = tpu.memref_squeeze %dma_start3A_220 : memref<1x4x128xi32, #tpu.memory_space<hbm>> -> memref<4x128xi32, #tpu.memory_space<hbm>>
      %dma_start3A_222 = arith.constant 0 : i32
      %dma_start3A_223 = arith.constant 0 : i32
      %dma_start3A_224 = tpu.memref_slice %arg6[%add3A, %dma_start3A_222, %dma_start3A_223] : memref<32x4x128xi32, #tpu.memory_space<hbm>> -> memref<1x4x128xi32, #tpu.memory_space<hbm>>
      %dma_start3A_225 = tpu.memref_squeeze %dma_start3A_224 : memref<1x4x128xi32, #tpu.memory_space<hbm>> -> memref<4x128xi32, #tpu.memory_space<hbm>>
      tpu.enqueue_dma source(%dma_start3A_225 : memref<4x128xi32, #tpu.memory_space<hbm>>) target(%arg13 : memref<4x128xi32, #tpu.memory_space<vmem>>) target_semaphore(%run_scoped3A : memref<!tpu.dma_semaphore, #tpu.memory_space<semaphore_mem>>)
      %dma_wait3A_226 = arith.constant 0 : i32
      %dma_wait3A_227 = arith.constant 0 : i32
      %dma_wait3A_228 = tpu.memref_slice %arg6[%add3A, %dma_wait3A_226, %dma_wait3A_227] : memref<32x4x128xi32, #tpu.memory_space<hbm>> -> memref<1x4x128xi32, #tpu.memory_space<hbm>>
      %dma_wait3A_229 = tpu.memref_squeeze %dma_wait3A_228 : memref<1x4x128xi32, #tpu.memory_space<hbm>> -> memref<4x128xi32, #tpu.memory_space<hbm>>
      %dma_wait3A_230 = arith.constant 0 : i32
      %dma_wait3A_231 = arith.constant 0 : i32
      %dma_wait3A_232 = tpu.memref_slice %arg6[%add3A, %dma_wait3A_230, %dma_wait3A_231] : memref<32x4x128xi32, #tpu.memory_space<hbm>> -> memref<1x4x128xi32, #tpu.memory_space<hbm>>
      %dma_wait3A_233 = tpu.memref_squeeze %dma_wait3A_232 : memref<1x4x128xi32, #tpu.memory_space<hbm>> -> memref<4x128xi32, #tpu.memory_space<hbm>>
      tpu.wait_dma2 semaphore(%run_scoped3A : memref<!tpu.dma_semaphore, #tpu.memory_space<semaphore_mem>>) src(%dma_wait3A_233 : memref<4x128xi32, #tpu.memory_space<hbm>>) dst(%arg13 : memref<4x128xi32, #tpu.memory_space<vmem>>)
      tpu.yield
    }) : () -> ()
    "tpu.region"() ({
      %run_scoped3A = tpu.sem_alloc : memref<!tpu.dma_semaphore, #tpu.memory_space<semaphore_mem>>
      %dma_start3A_218 = arith.constant 0 : i32
      %dma_start3A_219 = arith.constant 0 : i32
      %dma_start3A_220 = tpu.memref_slice %arg7[%add3A, %dma_start3A_218, %dma_start3A_219] : memref<32x4x128xi32, #tpu.memory_space<hbm>> -> memref<1x4x128xi32, #tpu.memory_space<hbm>>
      %dma_start3A_221 = tpu.memref_squeeze %dma_start3A_220 : memref<1x4x128xi32, #tpu.memory_space<hbm>> -> memref<4x128xi32, #tpu.memory_space<hbm>>
      %dma_start3A_222 = arith.constant 0 : i32
      %dma_start3A_223 = arith.constant 0 : i32
      %dma_start3A_224 = tpu.memref_slice %arg7[%add3A, %dma_start3A_222, %dma_start3A_223] : memref<32x4x128xi32, #tpu.memory_space<hbm>> -> memref<1x4x128xi32, #tpu.memory_space<hbm>>
      %dma_start3A_225 = tpu.memref_squeeze %dma_start3A_224 : memref<1x4x128xi32, #tpu.memory_space<hbm>> -> memref<4x128xi32, #tpu.memory_space<hbm>>
      tpu.enqueue_dma source(%dma_start3A_225 : memref<4x128xi32, #tpu.memory_space<hbm>>) target(%arg14 : memref<4x128xi32, #tpu.memory_space<vmem>>) target_semaphore(%run_scoped3A : memref<!tpu.dma_semaphore, #tpu.memory_space<semaphore_mem>>)
      %dma_wait3A_226 = arith.constant 0 : i32
      %dma_wait3A_227 = arith.constant 0 : i32
      %dma_wait3A_228 = tpu.memref_slice %arg7[%add3A, %dma_wait3A_226, %dma_wait3A_227] : memref<32x4x128xi32, #tpu.memory_space<hbm>> -> memref<1x4x128xi32, #tpu.memory_space<hbm>>
      %dma_wait3A_229 = tpu.memref_squeeze %dma_wait3A_228 : memref<1x4x128xi32, #tpu.memory_space<hbm>> -> memref<4x128xi32, #tpu.memory_space<hbm>>
      %dma_wait3A_230 = arith.constant 0 : i32
      %dma_wait3A_231 = arith.constant 0 : i32
      %dma_wait3A_232 = tpu.memref_slice %arg7[%add3A, %dma_wait3A_230, %dma_wait3A_231] : memref<32x4x128xi32, #tpu.memory_space<hbm>> -> memref<1x4x128xi32, #tpu.memory_space<hbm>>
      %dma_wait3A_233 = tpu.memref_squeeze %dma_wait3A_232 : memref<1x4x128xi32, #tpu.memory_space<hbm>> -> memref<4x128xi32, #tpu.memory_space<hbm>>
      tpu.wait_dma2 semaphore(%run_scoped3A : memref<!tpu.dma_semaphore, #tpu.memory_space<semaphore_mem>>) src(%dma_wait3A_233 : memref<4x128xi32, #tpu.memory_space<hbm>>) dst(%arg14 : memref<4x128xi32, #tpu.memory_space<vmem>>)
      tpu.yield
    }) : () -> ()
    "tpu.region"() ({
      %run_scoped3A = tpu.sem_alloc : memref<!tpu.dma_semaphore, #tpu.memory_space<semaphore_mem>>
      %dma_start3A_218 = arith.constant 0 : i32
      %dma_start3A_219 = tpu.memref_slice %arg8[%add3A, %dma_start3A_218] : memref<32x512xi32, #tpu.memory_space<hbm>> -> memref<1x512xi32, #tpu.memory_space<hbm>>
      %dma_start3A_220 = tpu.memref_squeeze %dma_start3A_219 : memref<1x512xi32, #tpu.memory_space<hbm>> -> memref<512xi32, #tpu.memory_space<hbm>>
      %dma_start3A_221 = arith.constant 0 : i32
      %dma_start3A_222 = tpu.memref_slice %arg8[%add3A, %dma_start3A_221] : memref<32x512xi32, #tpu.memory_space<hbm>> -> memref<1x512xi32, #tpu.memory_space<hbm>>
      %dma_start3A_223 = tpu.memref_squeeze %dma_start3A_222 : memref<1x512xi32, #tpu.memory_space<hbm>> -> memref<512xi32, #tpu.memory_space<hbm>>
      tpu.enqueue_dma source(%dma_start3A_223 : memref<512xi32, #tpu.memory_space<hbm>>) target(%arg15 : memref<512xi32, #tpu.memory_space<vmem>>) target_semaphore(%run_scoped3A : memref<!tpu.dma_semaphore, #tpu.memory_space<semaphore_mem>>)
      %dma_wait3A_224 = arith.constant 0 : i32
      %dma_wait3A_225 = tpu.memref_slice %arg8[%add3A, %dma_wait3A_224] : memref<32x512xi32, #tpu.memory_space<hbm>> -> memref<1x512xi32, #tpu.memory_space<hbm>>
      %dma_wait3A_226 = tpu.memref_squeeze %dma_wait3A_225 : memref<1x512xi32, #tpu.memory_space<hbm>> -> memref<512xi32, #tpu.memory_space<hbm>>
      %dma_wait3A_227 = arith.constant 0 : i32
      %dma_wait3A_228 = tpu.memref_slice %arg8[%add3A, %dma_wait3A_227] : memref<32x512xi32, #tpu.memory_space<hbm>> -> memref<1x512xi32, #tpu.memory_space<hbm>>
      %dma_wait3A_229 = tpu.memref_squeeze %dma_wait3A_228 : memref<1x512xi32, #tpu.memory_space<hbm>> -> memref<512xi32, #tpu.memory_space<hbm>>
      tpu.wait_dma2 semaphore(%run_scoped3A : memref<!tpu.dma_semaphore, #tpu.memory_space<semaphore_mem>>) src(%dma_wait3A_229 : memref<512xi32, #tpu.memory_space<hbm>>) dst(%arg15 : memref<512xi32, #tpu.memory_space<vmem>>)
      tpu.yield
    }) : () -> ()
    "tpu.region"() ({
      %run_scoped3A = tpu.sem_alloc : memref<!tpu.dma_semaphore, #tpu.memory_space<semaphore_mem>>
      %dma_start3A_218 = arith.constant 0 : i32
      %dma_start3A_219 = tpu.memref_slice %arg9[%add3A, %dma_start3A_218] : memref<32x512xi32, #tpu.memory_space<hbm>> -> memref<1x512xi32, #tpu.memory_space<hbm>>
      %dma_start3A_220 = tpu.memref_squeeze %dma_start3A_219 : memref<1x512xi32, #tpu.memory_space<hbm>> -> memref<512xi32, #tpu.memory_space<hbm>>
      %dma_start3A_221 = arith.constant 0 : i32
      %dma_start3A_222 = tpu.memref_slice %arg9[%add3A, %dma_start3A_221] : memref<32x512xi32, #tpu.memory_space<hbm>> -> memref<1x512xi32, #tpu.memory_space<hbm>>
      %dma_start3A_223 = tpu.memref_squeeze %dma_start3A_222 : memref<1x512xi32, #tpu.memory_space<hbm>> -> memref<512xi32, #tpu.memory_space<hbm>>
      tpu.enqueue_dma source(%dma_start3A_223 : memref<512xi32, #tpu.memory_space<hbm>>) target(%arg16 : memref<512xi32, #tpu.memory_space<vmem>>) target_semaphore(%run_scoped3A : memref<!tpu.dma_semaphore, #tpu.memory_space<semaphore_mem>>)
      %dma_wait3A_224 = arith.constant 0 : i32
      %dma_wait3A_225 = tpu.memref_slice %arg9[%add3A, %dma_wait3A_224] : memref<32x512xi32, #tpu.memory_space<hbm>> -> memref<1x512xi32, #tpu.memory_space<hbm>>
      %dma_wait3A_226 = tpu.memref_squeeze %dma_wait3A_225 : memref<1x512xi32, #tpu.memory_space<hbm>> -> memref<512xi32, #tpu.memory_space<hbm>>
      %dma_wait3A_227 = arith.constant 0 : i32
      %dma_wait3A_228 = tpu.memref_slice %arg9[%add3A, %dma_wait3A_227] : memref<32x512xi32, #tpu.memory_space<hbm>> -> memref<1x512xi32, #tpu.memory_space<hbm>>
      %dma_wait3A_229 = tpu.memref_squeeze %dma_wait3A_228 : memref<1x512xi32, #tpu.memory_space<hbm>> -> memref<512xi32, #tpu.memory_space<hbm>>
      tpu.wait_dma2 semaphore(%run_scoped3A : memref<!tpu.dma_semaphore, #tpu.memory_space<semaphore_mem>>) src(%dma_wait3A_229 : memref<512xi32, #tpu.memory_space<hbm>>) dst(%arg16 : memref<512xi32, #tpu.memory_space<vmem>>)
      tpu.yield
    }) : () -> ()
    tpu.enqueue_dma source(%arg4 : memref<64x20xf32, #tpu.memory_space<hbm>>) target(%arg19 : memref<64x20xf32, #tpu.memory_space<vmem>>) target_semaphore(%arg24 : memref<!tpu.dma_semaphore, #tpu.memory_space<semaphore_mem>>)
    tpu.enqueue_dma source(%arg5 : memref<64x100xf32, #tpu.memory_space<hbm>>) target(%arg20 : memref<64x100xf32, #tpu.memory_space<vmem>>) target_semaphore(%arg24 : memref<!tpu.dma_semaphore, #tpu.memory_space<semaphore_mem>>)
    %dma_start3A = arith.constant 0 : i32
    %dma_start3A_1 = arith.constant 0 : i32
    %dma_start3A_2 = arith.constant 0 : i32
    %dma_start3A_3 = tpu.memref_slice %arg21[%dma_start3A_2] : memref<512xf32, #tpu.memory_space<vmem>> -> memref<128xf32, #tpu.memory_space<vmem>>
    %dma_start3A_4 = arith.constant 0 : i32
    %dma_start3A_5 = tpu.memref_slice %arg13[%dma_start3A_1, %dma_start3A_4] : memref<4x128xi32, #tpu.memory_space<vmem>> -> memref<1x128xi32, #tpu.memory_space<vmem>>
    %dma_start3A_6 = tpu.memref_squeeze %dma_start3A_5 : memref<1x128xi32, #tpu.memory_space<vmem>> -> memref<128xi32, #tpu.memory_space<vmem>>
    %dma_start3A_7 = arith.constant 0 : i32
    %dma_start3A_8 = tpu.memref_slice %arg10[%dma_start3A, %dma_start3A_7] : memref<1x1000000xf32, #tpu.memory_space<hbm>> -> memref<1x1000000xf32, #tpu.memory_space<hbm>>
    %dma_start3A_9 = tpu.memref_squeeze %dma_start3A_8 : memref<1x1000000xf32, #tpu.memory_space<hbm>> -> memref<1000000xf32, #tpu.memory_space<hbm>>
    %dma_start3A_10 = arith.constant 0 : i32
    %dma_start3A_11 = tpu.memref_slice %dma_start3A_9[%dma_start3A_10] : memref<1000000xf32, #tpu.memory_space<hbm>> -> memref<1000000xf32, #tpu.memory_space<hbm>>
    tpu.enqueue_indirect_dma source(%dma_start3A_11 : memref<1000000xf32, #tpu.memory_space<hbm>>) target(%dma_start3A_3 : memref<128xf32, #tpu.memory_space<vmem>>) offsets(%dma_start3A_6 : memref<128xi32, #tpu.memory_space<vmem>>) semaphore(%arg24 : memref<!tpu.dma_semaphore, #tpu.memory_space<semaphore_mem>>)
    %dma_start3A_12 = arith.constant 0 : i32
    %dma_start3A_13 = arith.constant 0 : i32
    %dma_start3A_14 = arith.constant 0 : i32
    %dma_start3A_15 = tpu.memref_slice %arg22[%dma_start3A_14] : memref<512xf32, #tpu.memory_space<vmem>> -> memref<128xf32, #tpu.memory_space<vmem>>
    %dma_start3A_16 = arith.constant 0 : i32
    %dma_start3A_17 = tpu.memref_slice %arg14[%dma_start3A_13, %dma_start3A_16] : memref<4x128xi32, #tpu.memory_space<vmem>> -> memref<1x128xi32, #tpu.memory_space<vmem>>
    %dma_start3A_18 = tpu.memref_squeeze %dma_start3A_17 : memref<1x128xi32, #tpu.memory_space<vmem>> -> memref<128xi32, #tpu.memory_space<vmem>>
    %dma_start3A_19 = arith.constant 0 : i32
    %dma_start3A_20 = tpu.memref_slice %arg11[%dma_start3A_12, %dma_start3A_19] : memref<1x100000xf32, #tpu.memory_space<hbm>> -> memref<1x100000xf32, #tpu.memory_space<hbm>>
    %dma_start3A_21 = tpu.memref_squeeze %dma_start3A_20 : memref<1x100000xf32, #tpu.memory_space<hbm>> -> memref<100000xf32, #tpu.memory_space<hbm>>
    %dma_start3A_22 = arith.constant 0 : i32
    %dma_start3A_23 = tpu.memref_slice %dma_start3A_21[%dma_start3A_22] : memref<100000xf32, #tpu.memory_space<hbm>> -> memref<100000xf32, #tpu.memory_space<hbm>>
    tpu.enqueue_indirect_dma source(%dma_start3A_23 : memref<100000xf32, #tpu.memory_space<hbm>>) target(%dma_start3A_15 : memref<128xf32, #tpu.memory_space<vmem>>) offsets(%dma_start3A_18 : memref<128xi32, #tpu.memory_space<vmem>>) semaphore(%arg24 : memref<!tpu.dma_semaphore, #tpu.memory_space<semaphore_mem>>)
    %dma_start3A_24 = arith.constant 0 : i32
    %dma_start3A_25 = arith.constant 1 : i32
    %dma_start3A_26 = arith.constant 128 : i32
    %dma_start3A_27 = tpu.memref_slice %arg21[%dma_start3A_26] : memref<512xf32, #tpu.memory_space<vmem>> -> memref<128xf32, #tpu.memory_space<vmem>>
    %dma_start3A_28 = arith.constant 0 : i32
    %dma_start3A_29 = tpu.memref_slice %arg13[%dma_start3A_25, %dma_start3A_28] : memref<4x128xi32, #tpu.memory_space<vmem>> -> memref<1x128xi32, #tpu.memory_space<vmem>>
    %dma_start3A_30 = tpu.memref_squeeze %dma_start3A_29 : memref<1x128xi32, #tpu.memory_space<vmem>> -> memref<128xi32, #tpu.memory_space<vmem>>
    %dma_start3A_31 = arith.constant 0 : i32
    %dma_start3A_32 = tpu.memref_slice %arg10[%dma_start3A_24, %dma_start3A_31] : memref<1x1000000xf32, #tpu.memory_space<hbm>> -> memref<1x1000000xf32, #tpu.memory_space<hbm>>
    %dma_start3A_33 = tpu.memref_squeeze %dma_start3A_32 : memref<1x1000000xf32, #tpu.memory_space<hbm>> -> memref<1000000xf32, #tpu.memory_space<hbm>>
    %dma_start3A_34 = arith.constant 0 : i32
    %dma_start3A_35 = tpu.memref_slice %dma_start3A_33[%dma_start3A_34] : memref<1000000xf32, #tpu.memory_space<hbm>> -> memref<1000000xf32, #tpu.memory_space<hbm>>
    tpu.enqueue_indirect_dma source(%dma_start3A_35 : memref<1000000xf32, #tpu.memory_space<hbm>>) target(%dma_start3A_27 : memref<128xf32, #tpu.memory_space<vmem>>) offsets(%dma_start3A_30 : memref<128xi32, #tpu.memory_space<vmem>>) semaphore(%arg24 : memref<!tpu.dma_semaphore, #tpu.memory_space<semaphore_mem>>)
    %dma_start3A_36 = arith.constant 0 : i32
    %dma_start3A_37 = arith.constant 1 : i32
    %dma_start3A_38 = arith.constant 128 : i32
    %dma_start3A_39 = tpu.memref_slice %arg22[%dma_start3A_38] : memref<512xf32, #tpu.memory_space<vmem>> -> memref<128xf32, #tpu.memory_space<vmem>>
    %dma_start3A_40 = arith.constant 0 : i32
    %dma_start3A_41 = tpu.memref_slice %arg14[%dma_start3A_37, %dma_start3A_40] : memref<4x128xi32, #tpu.memory_space<vmem>> -> memref<1x128xi32, #tpu.memory_space<vmem>>
    %dma_start3A_42 = tpu.memref_squeeze %dma_start3A_41 : memref<1x128xi32, #tpu.memory_space<vmem>> -> memref<128xi32, #tpu.memory_space<vmem>>
    %dma_start3A_43 = arith.constant 0 : i32
    %dma_start3A_44 = tpu.memref_slice %arg11[%dma_start3A_36, %dma_start3A_43] : memref<1x100000xf32, #tpu.memory_space<hbm>> -> memref<1x100000xf32, #tpu.memory_space<hbm>>
    %dma_start3A_45 = tpu.memref_squeeze %dma_start3A_44 : memref<1x100000xf32, #tpu.memory_space<hbm>> -> memref<100000xf32, #tpu.memory_space<hbm>>
    %dma_start3A_46 = arith.constant 0 : i32
    %dma_start3A_47 = tpu.memref_slice %dma_start3A_45[%dma_start3A_46] : memref<100000xf32, #tpu.memory_space<hbm>> -> memref<100000xf32, #tpu.memory_space<hbm>>
    tpu.enqueue_indirect_dma source(%dma_start3A_47 : memref<100000xf32, #tpu.memory_space<hbm>>) target(%dma_start3A_39 : memref<128xf32, #tpu.memory_space<vmem>>) offsets(%dma_start3A_42 : memref<128xi32, #tpu.memory_space<vmem>>) semaphore(%arg24 : memref<!tpu.dma_semaphore, #tpu.memory_space<semaphore_mem>>)
    %dma_start3A_48 = arith.constant 0 : i32
    %dma_start3A_49 = arith.constant 2 : i32
    %dma_start3A_50 = arith.constant 256 : i32
    %dma_start3A_51 = tpu.memref_slice %arg21[%dma_start3A_50] : memref<512xf32, #tpu.memory_space<vmem>> -> memref<128xf32, #tpu.memory_space<vmem>>
    %dma_start3A_52 = arith.constant 0 : i32
    %dma_start3A_53 = tpu.memref_slice %arg13[%dma_start3A_49, %dma_start3A_52] : memref<4x128xi32, #tpu.memory_space<vmem>> -> memref<1x128xi32, #tpu.memory_space<vmem>>
    %dma_start3A_54 = tpu.memref_squeeze %dma_start3A_53 : memref<1x128xi32, #tpu.memory_space<vmem>> -> memref<128xi32, #tpu.memory_space<vmem>>
    %dma_start3A_55 = arith.constant 0 : i32
    %dma_start3A_56 = tpu.memref_slice %arg10[%dma_start3A_48, %dma_start3A_55] : memref<1x1000000xf32, #tpu.memory_space<hbm>> -> memref<1x1000000xf32, #tpu.memory_space<hbm>>
    %dma_start3A_57 = tpu.memref_squeeze %dma_start3A_56 : memref<1x1000000xf32, #tpu.memory_space<hbm>> -> memref<1000000xf32, #tpu.memory_space<hbm>>
    %dma_start3A_58 = arith.constant 0 : i32
    %dma_start3A_59 = tpu.memref_slice %dma_start3A_57[%dma_start3A_58] : memref<1000000xf32, #tpu.memory_space<hbm>> -> memref<1000000xf32, #tpu.memory_space<hbm>>
    tpu.enqueue_indirect_dma source(%dma_start3A_59 : memref<1000000xf32, #tpu.memory_space<hbm>>) target(%dma_start3A_51 : memref<128xf32, #tpu.memory_space<vmem>>) offsets(%dma_start3A_54 : memref<128xi32, #tpu.memory_space<vmem>>) semaphore(%arg24 : memref<!tpu.dma_semaphore, #tpu.memory_space<semaphore_mem>>)
    %dma_start3A_60 = arith.constant 0 : i32
    %dma_start3A_61 = arith.constant 2 : i32
    %dma_start3A_62 = arith.constant 256 : i32
    %dma_start3A_63 = tpu.memref_slice %arg22[%dma_start3A_62] : memref<512xf32, #tpu.memory_space<vmem>> -> memref<128xf32, #tpu.memory_space<vmem>>
    %dma_start3A_64 = arith.constant 0 : i32
    %dma_start3A_65 = tpu.memref_slice %arg14[%dma_start3A_61, %dma_start3A_64] : memref<4x128xi32, #tpu.memory_space<vmem>> -> memref<1x128xi32, #tpu.memory_space<vmem>>
    %dma_start3A_66 = tpu.memref_squeeze %dma_start3A_65 : memref<1x128xi32, #tpu.memory_space<vmem>> -> memref<128xi32, #tpu.memory_space<vmem>>
    %dma_start3A_67 = arith.constant 0 : i32
    %dma_start3A_68 = tpu.memref_slice %arg11[%dma_start3A_60, %dma_start3A_67] : memref<1x100000xf32, #tpu.memory_space<hbm>> -> memref<1x100000xf32, #tpu.memory_space<hbm>>
    %dma_start3A_69 = tpu.memref_squeeze %dma_start3A_68 : memref<1x100000xf32, #tpu.memory_space<hbm>> -> memref<100000xf32, #tpu.memory_space<hbm>>
    %dma_start3A_70 = arith.constant 0 : i32
    %dma_start3A_71 = tpu.memref_slice %dma_start3A_69[%dma_start3A_70] : memref<100000xf32, #tpu.memory_space<hbm>> -> memref<100000xf32, #tpu.memory_space<hbm>>
    tpu.enqueue_indirect_dma source(%dma_start3A_71 : memref<100000xf32, #tpu.memory_space<hbm>>) target(%dma_start3A_63 : memref<128xf32, #tpu.memory_space<vmem>>) offsets(%dma_start3A_66 : memref<128xi32, #tpu.memory_space<vmem>>) semaphore(%arg24 : memref<!tpu.dma_semaphore, #tpu.memory_space<semaphore_mem>>)
    %dma_start3A_72 = arith.constant 0 : i32
    %dma_start3A_73 = arith.constant 3 : i32
    %dma_start3A_74 = arith.constant 384 : i32
    %dma_start3A_75 = tpu.memref_slice %arg21[%dma_start3A_74] : memref<512xf32, #tpu.memory_space<vmem>> -> memref<128xf32, #tpu.memory_space<vmem>>
    %dma_start3A_76 = arith.constant 0 : i32
    %dma_start3A_77 = tpu.memref_slice %arg13[%dma_start3A_73, %dma_start3A_76] : memref<4x128xi32, #tpu.memory_space<vmem>> -> memref<1x128xi32, #tpu.memory_space<vmem>>
    %dma_start3A_78 = tpu.memref_squeeze %dma_start3A_77 : memref<1x128xi32, #tpu.memory_space<vmem>> -> memref<128xi32, #tpu.memory_space<vmem>>
    %dma_start3A_79 = arith.constant 0 : i32
    %dma_start3A_80 = tpu.memref_slice %arg10[%dma_start3A_72, %dma_start3A_79] : memref<1x1000000xf32, #tpu.memory_space<hbm>> -> memref<1x1000000xf32, #tpu.memory_space<hbm>>
    %dma_start3A_81 = tpu.memref_squeeze %dma_start3A_80 : memref<1x1000000xf32, #tpu.memory_space<hbm>> -> memref<1000000xf32, #tpu.memory_space<hbm>>
    %dma_start3A_82 = arith.constant 0 : i32
    %dma_start3A_83 = tpu.memref_slice %dma_start3A_81[%dma_start3A_82] : memref<1000000xf32, #tpu.memory_space<hbm>> -> memref<1000000xf32, #tpu.memory_space<hbm>>
    tpu.enqueue_indirect_dma source(%dma_start3A_83 : memref<1000000xf32, #tpu.memory_space<hbm>>) target(%dma_start3A_75 : memref<128xf32, #tpu.memory_space<vmem>>) offsets(%dma_start3A_78 : memref<128xi32, #tpu.memory_space<vmem>>) semaphore(%arg24 : memref<!tpu.dma_semaphore, #tpu.memory_space<semaphore_mem>>)
    %dma_start3A_84 = arith.constant 0 : i32
    %dma_start3A_85 = arith.constant 3 : i32
    %dma_start3A_86 = arith.constant 384 : i32
    %dma_start3A_87 = tpu.memref_slice %arg22[%dma_start3A_86] : memref<512xf32, #tpu.memory_space<vmem>> -> memref<128xf32, #tpu.memory_space<vmem>>
    %dma_start3A_88 = arith.constant 0 : i32
    %dma_start3A_89 = tpu.memref_slice %arg14[%dma_start3A_85, %dma_start3A_88] : memref<4x128xi32, #tpu.memory_space<vmem>> -> memref<1x128xi32, #tpu.memory_space<vmem>>
    %dma_start3A_90 = tpu.memref_squeeze %dma_start3A_89 : memref<1x128xi32, #tpu.memory_space<vmem>> -> memref<128xi32, #tpu.memory_space<vmem>>
    %dma_start3A_91 = arith.constant 0 : i32
    %dma_start3A_92 = tpu.memref_slice %arg11[%dma_start3A_84, %dma_start3A_91] : memref<1x100000xf32, #tpu.memory_space<hbm>> -> memref<1x100000xf32, #tpu.memory_space<hbm>>
    %dma_start3A_93 = tpu.memref_squeeze %dma_start3A_92 : memref<1x100000xf32, #tpu.memory_space<hbm>> -> memref<100000xf32, #tpu.memory_space<hbm>>
    %dma_start3A_94 = arith.constant 0 : i32
    %dma_start3A_95 = tpu.memref_slice %dma_start3A_93[%dma_start3A_94] : memref<100000xf32, #tpu.memory_space<hbm>> -> memref<100000xf32, #tpu.memory_space<hbm>>
    tpu.enqueue_indirect_dma source(%dma_start3A_95 : memref<100000xf32, #tpu.memory_space<hbm>>) target(%dma_start3A_87 : memref<128xf32, #tpu.memory_space<vmem>>) offsets(%dma_start3A_90 : memref<128xi32, #tpu.memory_space<vmem>>) semaphore(%arg24 : memref<!tpu.dma_semaphore, #tpu.memory_space<semaphore_mem>>)
    %scan3A = arith.constant 0 : i32
    %scan3A_96 = arith.constant 0 : i32
    %scan3A_97 = arith.constant 64 : i32
    %scan3A_98 = arith.addi %scan3A_96, %scan3A_97 : i32
    %scan3A_99 = arith.constant 1 : i32
    %scan3A_100 = scf.for %scan3A_218 = %scan3A_96 to %scan3A_98 step %scan3A_99 iter_args(%scan3A_219 = %scan3A) -> (i32)  : i32 {
      %dma_start3A_220 = arith.constant 0 : i32
      %dma_start3A_221 = arith.constant 0 : i32
      %dma_start3A_222 = tpu.memref_slice %arg17[%scan3A_218, %dma_start3A_221] : memref<64x512xf32, #tpu.memory_space<vmem>> -> memref<1x512xf32, #tpu.memory_space<vmem>>
      %dma_start3A_223 = tpu.memref_squeeze %dma_start3A_222 : memref<1x512xf32, #tpu.memory_space<vmem>> -> memref<512xf32, #tpu.memory_space<vmem>>
      %dma_start3A_224 = arith.constant 0 : i32
      %dma_start3A_225 = tpu.memref_slice %dma_start3A_223[%dma_start3A_224] : memref<512xf32, #tpu.memory_space<vmem>> -> memref<128xf32, #tpu.memory_space<vmem>>
      %dma_start3A_226 = arith.constant 0 : i32
      %dma_start3A_227 = tpu.memref_slice %arg13[%dma_start3A_220, %dma_start3A_226] : memref<4x128xi32, #tpu.memory_space<vmem>> -> memref<1x128xi32, #tpu.memory_space<vmem>>
      %dma_start3A_228 = tpu.memref_squeeze %dma_start3A_227 : memref<1x128xi32, #tpu.memory_space<vmem>> -> memref<128xi32, #tpu.memory_space<vmem>>
      %dma_start3A_229 = arith.constant 0 : i32
      %dma_start3A_230 = tpu.memref_slice %arg2[%scan3A_218, %dma_start3A_229] : memref<64x1000448xf32, #tpu.memory_space<hbm>> -> memref<1x1000448xf32, #tpu.memory_space<hbm>>
      %dma_start3A_231 = tpu.memref_squeeze %dma_start3A_230 : memref<1x1000448xf32, #tpu.memory_space<hbm>> -> memref<1000448xf32, #tpu.memory_space<hbm>>
      %dma_start3A_232 = arith.constant 0 : i32
      %dma_start3A_233 = tpu.memref_slice %dma_start3A_231[%dma_start3A_232] : memref<1000448xf32, #tpu.memory_space<hbm>> -> memref<1000448xf32, #tpu.memory_space<hbm>>
      tpu.enqueue_indirect_dma source(%dma_start3A_233 : memref<1000448xf32, #tpu.memory_space<hbm>>) target(%dma_start3A_225 : memref<128xf32, #tpu.memory_space<vmem>>) offsets(%dma_start3A_228 : memref<128xi32, #tpu.memory_space<vmem>>) semaphore(%arg24 : memref<!tpu.dma_semaphore, #tpu.memory_space<semaphore_mem>>)
      %dma_start3A_234 = arith.constant 0 : i32
      %dma_start3A_235 = arith.constant 0 : i32
      %dma_start3A_236 = tpu.memref_slice %arg18[%scan3A_218, %dma_start3A_235] : memref<64x512xf32, #tpu.memory_space<vmem>> -> memref<1x512xf32, #tpu.memory_space<vmem>>
      %dma_start3A_237 = tpu.memref_squeeze %dma_start3A_236 : memref<1x512xf32, #tpu.memory_space<vmem>> -> memref<512xf32, #tpu.memory_space<vmem>>
      %dma_start3A_238 = arith.constant 0 : i32
      %dma_start3A_239 = tpu.memref_slice %dma_start3A_237[%dma_start3A_238] : memref<512xf32, #tpu.memory_space<vmem>> -> memref<128xf32, #tpu.memory_space<vmem>>
      %dma_start3A_240 = arith.constant 0 : i32
      %dma_start3A_241 = tpu.memref_slice %arg14[%dma_start3A_234, %dma_start3A_240] : memref<4x128xi32, #tpu.memory_space<vmem>> -> memref<1x128xi32, #tpu.memory_space<vmem>>
      %dma_start3A_242 = tpu.memref_squeeze %dma_start3A_241 : memref<1x128xi32, #tpu.memory_space<vmem>> -> memref<128xi32, #tpu.memory_space<vmem>>
      %dma_start3A_243 = arith.constant 0 : i32
      %dma_start3A_244 = tpu.memref_slice %arg3[%scan3A_218, %dma_start3A_243] : memref<64x100352xf32, #tpu.memory_space<hbm>> -> memref<1x100352xf32, #tpu.memory_space<hbm>>
      %dma_start3A_245 = tpu.memref_squeeze %dma_start3A_244 : memref<1x100352xf32, #tpu.memory_space<hbm>> -> memref<100352xf32, #tpu.memory_space<hbm>>
      %dma_start3A_246 = arith.constant 0 : i32
      %dma_start3A_247 = tpu.memref_slice %dma_start3A_245[%dma_start3A_246] : memref<100352xf32, #tpu.memory_space<hbm>> -> memref<100352xf32, #tpu.memory_space<hbm>>
      tpu.enqueue_indirect_dma source(%dma_start3A_247 : memref<100352xf32, #tpu.memory_space<hbm>>) target(%dma_start3A_239 : memref<128xf32, #tpu.memory_space<vmem>>) offsets(%dma_start3A_242 : memref<128xi32, #tpu.memory_space<vmem>>) semaphore(%arg24 : memref<!tpu.dma_semaphore, #tpu.memory_space<semaphore_mem>>)
      %dma_start3A_248 = arith.constant 1 : i32
      %dma_start3A_249 = arith.constant 0 : i32
      %dma_start3A_250 = tpu.memref_slice %arg17[%scan3A_218, %dma_start3A_249] : memref<64x512xf32, #tpu.memory_space<vmem>> -> memref<1x512xf32, #tpu.memory_space<vmem>>
      %dma_start3A_251 = tpu.memref_squeeze %dma_start3A_250 : memref<1x512xf32, #tpu.memory_space<vmem>> -> memref<512xf32, #tpu.memory_space<vmem>>
      %dma_start3A_252 = arith.constant 128 : i32
      %dma_start3A_253 = tpu.memref_slice %dma_start3A_251[%dma_start3A_252] : memref<512xf32, #tpu.memory_space<vmem>> -> memref<128xf32, #tpu.memory_space<vmem>>
      %dma_start3A_254 = arith.constant 0 : i32
      %dma_start3A_255 = tpu.memref_slice %arg13[%dma_start3A_248, %dma_start3A_254] : memref<4x128xi32, #tpu.memory_space<vmem>> -> memref<1x128xi32, #tpu.memory_space<vmem>>
      %dma_start3A_256 = tpu.memref_squeeze %dma_start3A_255 : memref<1x128xi32, #tpu.memory_space<vmem>> -> memref<128xi32, #tpu.memory_space<vmem>>
      %dma_start3A_257 = arith.constant 0 : i32
      %dma_start3A_258 = tpu.memref_slice %arg2[%scan3A_218, %dma_start3A_257] : memref<64x1000448xf32, #tpu.memory_space<hbm>> -> memref<1x1000448xf32, #tpu.memory_space<hbm>>
      %dma_start3A_259 = tpu.memref_squeeze %dma_start3A_258 : memref<1x1000448xf32, #tpu.memory_space<hbm>> -> memref<1000448xf32, #tpu.memory_space<hbm>>
      %dma_start3A_260 = arith.constant 0 : i32
      %dma_start3A_261 = tpu.memref_slice %dma_start3A_259[%dma_start3A_260] : memref<1000448xf32, #tpu.memory_space<hbm>> -> memref<1000448xf32, #tpu.memory_space<hbm>>
      tpu.enqueue_indirect_dma source(%dma_start3A_261 : memref<1000448xf32, #tpu.memory_space<hbm>>) target(%dma_start3A_253 : memref<128xf32, #tpu.memory_space<vmem>>) offsets(%dma_start3A_256 : memref<128xi32, #tpu.memory_space<vmem>>) semaphore(%arg24 : memref<!tpu.dma_semaphore, #tpu.memory_space<semaphore_mem>>)
      %dma_start3A_262 = arith.constant 1 : i32
      %dma_start3A_263 = arith.constant 0 : i32
      %dma_start3A_264 = tpu.memref_slice %arg18[%scan3A_218, %dma_start3A_263] : memref<64x512xf32, #tpu.memory_space<vmem>> -> memref<1x512xf32, #tpu.memory_space<vmem>>
      %dma_start3A_265 = tpu.memref_squeeze %dma_start3A_264 : memref<1x512xf32, #tpu.memory_space<vmem>> -> memref<512xf32, #tpu.memory_space<vmem>>
      %dma_start3A_266 = arith.constant 128 : i32
      %dma_start3A_267 = tpu.memref_slice %dma_start3A_265[%dma_start3A_266] : memref<512xf32, #tpu.memory_space<vmem>> -> memref<128xf32, #tpu.memory_space<vmem>>
      %dma_start3A_268 = arith.constant 0 : i32
      %dma_start3A_269 = tpu.memref_slice %arg14[%dma_start3A_262, %dma_start3A_268] : memref<4x128xi32, #tpu.memory_space<vmem>> -> memref<1x128xi32, #tpu.memory_space<vmem>>
      %dma_start3A_270 = tpu.memref_squeeze %dma_start3A_269 : memref<1x128xi32, #tpu.memory_space<vmem>> -> memref<128xi32, #tpu.memory_space<vmem>>
      %dma_start3A_271 = arith.constant 0 : i32
      %dma_start3A_272 = tpu.memref_slice %arg3[%scan3A_218, %dma_start3A_271] : memref<64x100352xf32, #tpu.memory_space<hbm>> -> memref<1x100352xf32, #tpu.memory_space<hbm>>
      %dma_start3A_273 = tpu.memref_squeeze %dma_start3A_272 : memref<1x100352xf32, #tpu.memory_space<hbm>> -> memref<100352xf32, #tpu.memory_space<hbm>>
      %dma_start3A_274 = arith.constant 0 : i32
      %dma_start3A_275 = tpu.memref_slice %dma_start3A_273[%dma_start3A_274] : memref<100352xf32, #tpu.memory_space<hbm>> -> memref<100352xf32, #tpu.memory_space<hbm>>
      tpu.enqueue_indirect_dma source(%dma_start3A_275 : memref<100352xf32, #tpu.memory_space<hbm>>) target(%dma_start3A_267 : memref<128xf32, #tpu.memory_space<vmem>>) offsets(%dma_start3A_270 : memref<128xi32, #tpu.memory_space<vmem>>) semaphore(%arg24 : memref<!tpu.dma_semaphore, #tpu.memory_space<semaphore_mem>>)
      %dma_start3A_276 = arith.constant 2 : i32
      %dma_start3A_277 = arith.constant 0 : i32
      %dma_start3A_278 = tpu.memref_slice %arg17[%scan3A_218, %dma_start3A_277] : memref<64x512xf32, #tpu.memory_space<vmem>> -> memref<1x512xf32, #tpu.memory_space<vmem>>
      %dma_start3A_279 = tpu.memref_squeeze %dma_start3A_278 : memref<1x512xf32, #tpu.memory_space<vmem>> -> memref<512xf32, #tpu.memory_space<vmem>>
      %dma_start3A_280 = arith.constant 256 : i32
      %dma_start3A_281 = tpu.memref_slice %dma_start3A_279[%dma_start3A_280] : memref<512xf32, #tpu.memory_space<vmem>> -> memref<128xf32, #tpu.memory_space<vmem>>
      %dma_start3A_282 = arith.constant 0 : i32
      %dma_start3A_283 = tpu.memref_slice %arg13[%dma_start3A_276, %dma_start3A_282] : memref<4x128xi32, #tpu.memory_space<vmem>> -> memref<1x128xi32, #tpu.memory_space<vmem>>
      %dma_start3A_284 = tpu.memref_squeeze %dma_start3A_283 : memref<1x128xi32, #tpu.memory_space<vmem>> -> memref<128xi32, #tpu.memory_space<vmem>>
      %dma_start3A_285 = arith.constant 0 : i32
      %dma_start3A_286 = tpu.memref_slice %arg2[%scan3A_218, %dma_start3A_285] : memref<64x1000448xf32, #tpu.memory_space<hbm>> -> memref<1x1000448xf32, #tpu.memory_space<hbm>>
      %dma_start3A_287 = tpu.memref_squeeze %dma_start3A_286 : memref<1x1000448xf32, #tpu.memory_space<hbm>> -> memref<1000448xf32, #tpu.memory_space<hbm>>
      %dma_start3A_288 = arith.constant 0 : i32
      %dma_start3A_289 = tpu.memref_slice %dma_start3A_287[%dma_start3A_288] : memref<1000448xf32, #tpu.memory_space<hbm>> -> memref<1000448xf32, #tpu.memory_space<hbm>>
      tpu.enqueue_indirect_dma source(%dma_start3A_289 : memref<1000448xf32, #tpu.memory_space<hbm>>) target(%dma_start3A_281 : memref<128xf32, #tpu.memory_space<vmem>>) offsets(%dma_start3A_284 : memref<128xi32, #tpu.memory_space<vmem>>) semaphore(%arg24 : memref<!tpu.dma_semaphore, #tpu.memory_space<semaphore_mem>>)
      %dma_start3A_290 = arith.constant 2 : i32
      %dma_start3A_291 = arith.constant 0 : i32
      %dma_start3A_292 = tpu.memref_slice %arg18[%scan3A_218, %dma_start3A_291] : memref<64x512xf32, #tpu.memory_space<vmem>> -> memref<1x512xf32, #tpu.memory_space<vmem>>
      %dma_start3A_293 = tpu.memref_squeeze %dma_start3A_292 : memref<1x512xf32, #tpu.memory_space<vmem>> -> memref<512xf32, #tpu.memory_space<vmem>>
      %dma_start3A_294 = arith.constant 256 : i32
      %dma_start3A_295 = tpu.memref_slice %dma_start3A_293[%dma_start3A_294] : memref<512xf32, #tpu.memory_space<vmem>> -> memref<128xf32, #tpu.memory_space<vmem>>
      %dma_start3A_296 = arith.constant 0 : i32
      %dma_start3A_297 = tpu.memref_slice %arg14[%dma_start3A_290, %dma_start3A_296] : memref<4x128xi32, #tpu.memory_space<vmem>> -> memref<1x128xi32, #tpu.memory_space<vmem>>
      %dma_start3A_298 = tpu.memref_squeeze %dma_start3A_297 : memref<1x128xi32, #tpu.memory_space<vmem>> -> memref<128xi32, #tpu.memory_space<vmem>>
      %dma_start3A_299 = arith.constant 0 : i32
      %dma_start3A_300 = tpu.memref_slice %arg3[%scan3A_218, %dma_start3A_299] : memref<64x100352xf32, #tpu.memory_space<hbm>> -> memref<1x100352xf32, #tpu.memory_space<hbm>>
      %dma_start3A_301 = tpu.memref_squeeze %dma_start3A_300 : memref<1x100352xf32, #tpu.memory_space<hbm>> -> memref<100352xf32, #tpu.memory_space<hbm>>
      %dma_start3A_302 = arith.constant 0 : i32
      %dma_start3A_303 = tpu.memref_slice %dma_start3A_301[%dma_start3A_302] : memref<100352xf32, #tpu.memory_space<hbm>> -> memref<100352xf32, #tpu.memory_space<hbm>>
      tpu.enqueue_indirect_dma source(%dma_start3A_303 : memref<100352xf32, #tpu.memory_space<hbm>>) target(%dma_start3A_295 : memref<128xf32, #tpu.memory_space<vmem>>) offsets(%dma_start3A_298 : memref<128xi32, #tpu.memory_space<vmem>>) semaphore(%arg24 : memref<!tpu.dma_semaphore, #tpu.memory_space<semaphore_mem>>)
      %dma_start3A_304 = arith.constant 3 : i32
      %dma_start3A_305 = arith.constant 0 : i32
      %dma_start3A_306 = tpu.memref_slice %arg17[%scan3A_218, %dma_start3A_305] : memref<64x512xf32, #tpu.memory_space<vmem>> -> memref<1x512xf32, #tpu.memory_space<vmem>>
      %dma_start3A_307 = tpu.memref_squeeze %dma_start3A_306 : memref<1x512xf32, #tpu.memory_space<vmem>> -> memref<512xf32, #tpu.memory_space<vmem>>
      %dma_start3A_308 = arith.constant 384 : i32
      %dma_start3A_309 = tpu.memref_slice %dma_start3A_307[%dma_start3A_308] : memref<512xf32, #tpu.memory_space<vmem>> -> memref<128xf32, #tpu.memory_space<vmem>>
      %dma_start3A_310 = arith.constant 0 : i32
      %dma_start3A_311 = tpu.memref_slice %arg13[%dma_start3A_304, %dma_start3A_310] : memref<4x128xi32, #tpu.memory_space<vmem>> -> memref<1x128xi32, #tpu.memory_space<vmem>>
      %dma_start3A_312 = tpu.memref_squeeze %dma_start3A_311 : memref<1x128xi32, #tpu.memory_space<vmem>> -> memref<128xi32, #tpu.memory_space<vmem>>
      %dma_start3A_313 = arith.constant 0 : i32
      %dma_start3A_314 = tpu.memref_slice %arg2[%scan3A_218, %dma_start3A_313] : memref<64x1000448xf32, #tpu.memory_space<hbm>> -> memref<1x1000448xf32, #tpu.memory_space<hbm>>
      %dma_start3A_315 = tpu.memref_squeeze %dma_start3A_314 : memref<1x1000448xf32, #tpu.memory_space<hbm>> -> memref<1000448xf32, #tpu.memory_space<hbm>>
      %dma_start3A_316 = arith.constant 0 : i32
      %dma_start3A_317 = tpu.memref_slice %dma_start3A_315[%dma_start3A_316] : memref<1000448xf32, #tpu.memory_space<hbm>> -> memref<1000448xf32, #tpu.memory_space<hbm>>
      tpu.enqueue_indirect_dma source(%dma_start3A_317 : memref<1000448xf32, #tpu.memory_space<hbm>>) target(%dma_start3A_309 : memref<128xf32, #tpu.memory_space<vmem>>) offsets(%dma_start3A_312 : memref<128xi32, #tpu.memory_space<vmem>>) semaphore(%arg24 : memref<!tpu.dma_semaphore, #tpu.memory_space<semaphore_mem>>)
      %dma_start3A_318 = arith.constant 3 : i32
      %dma_start3A_319 = arith.constant 0 : i32
      %dma_start3A_320 = tpu.memref_slice %arg18[%scan3A_218, %dma_start3A_319] : memref<64x512xf32, #tpu.memory_space<vmem>> -> memref<1x512xf32, #tpu.memory_space<vmem>>
      %dma_start3A_321 = tpu.memref_squeeze %dma_start3A_320 : memref<1x512xf32, #tpu.memory_space<vmem>> -> memref<512xf32, #tpu.memory_space<vmem>>
      %dma_start3A_322 = arith.constant 384 : i32
      %dma_start3A_323 = tpu.memref_slice %dma_start3A_321[%dma_start3A_322] : memref<512xf32, #tpu.memory_space<vmem>> -> memref<128xf32, #tpu.memory_space<vmem>>
      %dma_start3A_324 = arith.constant 0 : i32
      %dma_start3A_325 = tpu.memref_slice %arg14[%dma_start3A_318, %dma_start3A_324] : memref<4x128xi32, #tpu.memory_space<vmem>> -> memref<1x128xi32, #tpu.memory_space<vmem>>
      %dma_start3A_326 = tpu.memref_squeeze %dma_start3A_325 : memref<1x128xi32, #tpu.memory_space<vmem>> -> memref<128xi32, #tpu.memory_space<vmem>>
      %dma_start3A_327 = arith.constant 0 : i32
      %dma_start3A_328 = tpu.memref_slice %arg3[%scan3A_218, %dma_start3A_327] : memref<64x100352xf32, #tpu.memory_space<hbm>> -> memref<1x100352xf32, #tpu.memory_space<hbm>>
      %dma_start3A_329 = tpu.memref_squeeze %dma_start3A_328 : memref<1x100352xf32, #tpu.memory_space<hbm>> -> memref<100352xf32, #tpu.memory_space<hbm>>
      %dma_start3A_330 = arith.constant 0 : i32
      %dma_start3A_331 = tpu.memref_slice %dma_start3A_329[%dma_start3A_330] : memref<100352xf32, #tpu.memory_space<hbm>> -> memref<100352xf32, #tpu.memory_space<hbm>>
      tpu.enqueue_indirect_dma source(%dma_start3A_331 : memref<100352xf32, #tpu.memory_space<hbm>>) target(%dma_start3A_323 : memref<128xf32, #tpu.memory_space<vmem>>) offsets(%dma_start3A_326 : memref<128xi32, #tpu.memory_space<vmem>>) semaphore(%arg24 : memref<!tpu.dma_semaphore, #tpu.memory_space<semaphore_mem>>)
      %scan3A_332 = arith.constant 0 : i32
      scf.yield %scan3A_332 : i32
    }
    %scan3A_101 = arith.constant 64 : i32
    tpu.wait_dma2 semaphore(%arg24 : memref<!tpu.dma_semaphore, #tpu.memory_space<semaphore_mem>>) src(%arg4 : memref<64x20xf32, #tpu.memory_space<hbm>>) dst(%arg19 : memref<64x20xf32, #tpu.memory_space<vmem>>)
    tpu.wait_dma2 semaphore(%arg24 : memref<!tpu.dma_semaphore, #tpu.memory_space<semaphore_mem>>) src(%arg5 : memref<64x100xf32, #tpu.memory_space<hbm>>) dst(%arg20 : memref<64x100xf32, #tpu.memory_space<vmem>>)
    %dma_wait3A = arith.constant 0 : i32
    %dma_wait3A_102 = arith.constant 0 : i32
    %dma_wait3A_103 = arith.constant 0 : i32
    %dma_wait3A_104 = tpu.memref_slice %arg21[%dma_wait3A_103] : memref<512xf32, #tpu.memory_space<vmem>> -> memref<128xf32, #tpu.memory_space<vmem>>
    %dma_wait3A_105 = arith.constant 0 : i32
    %dma_wait3A_106 = tpu.memref_slice %arg13[%dma_wait3A_102, %dma_wait3A_105] : memref<4x128xi32, #tpu.memory_space<vmem>> -> memref<1x128xi32, #tpu.memory_space<vmem>>
    %dma_wait3A_107 = tpu.memref_squeeze %dma_wait3A_106 : memref<1x128xi32, #tpu.memory_space<vmem>> -> memref<128xi32, #tpu.memory_space<vmem>>
    %dma_wait3A_108 = arith.constant 0 : i32
    %dma_wait3A_109 = tpu.memref_slice %arg10[%dma_wait3A, %dma_wait3A_108] : memref<1x1000000xf32, #tpu.memory_space<hbm>> -> memref<1x1000000xf32, #tpu.memory_space<hbm>>
    %dma_wait3A_110 = tpu.memref_squeeze %dma_wait3A_109 : memref<1x1000000xf32, #tpu.memory_space<hbm>> -> memref<1000000xf32, #tpu.memory_space<hbm>>
    %dma_wait3A_111 = arith.constant 0 : i32
    %dma_wait3A_112 = tpu.memref_slice %dma_wait3A_110[%dma_wait3A_111] : memref<1000000xf32, #tpu.memory_space<hbm>> -> memref<1000000xf32, #tpu.memory_space<hbm>>
    tpu.wait_indirect_dma semaphore(%arg24 : memref<!tpu.dma_semaphore, #tpu.memory_space<semaphore_mem>>) src(%dma_wait3A_112 : memref<1000000xf32, #tpu.memory_space<hbm>>) dst(%dma_wait3A_104 : memref<128xf32, #tpu.memory_space<vmem>>)
    %dma_wait3A_113 = arith.constant 0 : i32
    %dma_wait3A_114 = arith.constant 0 : i32
    %dma_wait3A_115 = arith.constant 0 : i32
    %dma_wait3A_116 = tpu.memref_slice %arg22[%dma_wait3A_115] : memref<512xf32, #tpu.memory_space<vmem>> -> memref<128xf32, #tpu.memory_space<vmem>>
    %dma_wait3A_117 = arith.constant 0 : i32
    %dma_wait3A_118 = tpu.memref_slice %arg14[%dma_wait3A_114, %dma_wait3A_117] : memref<4x128xi32, #tpu.memory_space<vmem>> -> memref<1x128xi32, #tpu.memory_space<vmem>>
    %dma_wait3A_119 = tpu.memref_squeeze %dma_wait3A_118 : memref<1x128xi32, #tpu.memory_space<vmem>> -> memref<128xi32, #tpu.memory_space<vmem>>
    %dma_wait3A_120 = arith.constant 0 : i32
    %dma_wait3A_121 = tpu.memref_slice %arg11[%dma_wait3A_113, %dma_wait3A_120] : memref<1x100000xf32, #tpu.memory_space<hbm>> -> memref<1x100000xf32, #tpu.memory_space<hbm>>
    %dma_wait3A_122 = tpu.memref_squeeze %dma_wait3A_121 : memref<1x100000xf32, #tpu.memory_space<hbm>> -> memref<100000xf32, #tpu.memory_space<hbm>>
    %dma_wait3A_123 = arith.constant 0 : i32
    %dma_wait3A_124 = tpu.memref_slice %dma_wait3A_122[%dma_wait3A_123] : memref<100000xf32, #tpu.memory_space<hbm>> -> memref<100000xf32, #tpu.memory_space<hbm>>
    tpu.wait_indirect_dma semaphore(%arg24 : memref<!tpu.dma_semaphore, #tpu.memory_space<semaphore_mem>>) src(%dma_wait3A_124 : memref<100000xf32, #tpu.memory_space<hbm>>) dst(%dma_wait3A_116 : memref<128xf32, #tpu.memory_space<vmem>>)
    %dma_wait3A_125 = arith.constant 0 : i32
    %dma_wait3A_126 = arith.constant 1 : i32
    %dma_wait3A_127 = arith.constant 128 : i32
    %dma_wait3A_128 = tpu.memref_slice %arg21[%dma_wait3A_127] : memref<512xf32, #tpu.memory_space<vmem>> -> memref<128xf32, #tpu.memory_space<vmem>>
    %dma_wait3A_129 = arith.constant 0 : i32
    %dma_wait3A_130 = tpu.memref_slice %arg13[%dma_wait3A_126, %dma_wait3A_129] : memref<4x128xi32, #tpu.memory_space<vmem>> -> memref<1x128xi32, #tpu.memory_space<vmem>>
    %dma_wait3A_131 = tpu.memref_squeeze %dma_wait3A_130 : memref<1x128xi32, #tpu.memory_space<vmem>> -> memref<128xi32, #tpu.memory_space<vmem>>
    %dma_wait3A_132 = arith.constant 0 : i32
    %dma_wait3A_133 = tpu.memref_slice %arg10[%dma_wait3A_125, %dma_wait3A_132] : memref<1x1000000xf32, #tpu.memory_space<hbm>> -> memref<1x1000000xf32, #tpu.memory_space<hbm>>
    %dma_wait3A_134 = tpu.memref_squeeze %dma_wait3A_133 : memref<1x1000000xf32, #tpu.memory_space<hbm>> -> memref<1000000xf32, #tpu.memory_space<hbm>>
    %dma_wait3A_135 = arith.constant 0 : i32
    %dma_wait3A_136 = tpu.memref_slice %dma_wait3A_134[%dma_wait3A_135] : memref<1000000xf32, #tpu.memory_space<hbm>> -> memref<1000000xf32, #tpu.memory_space<hbm>>
    tpu.wait_indirect_dma semaphore(%arg24 : memref<!tpu.dma_semaphore, #tpu.memory_space<semaphore_mem>>) src(%dma_wait3A_136 : memref<1000000xf32, #tpu.memory_space<hbm>>) dst(%dma_wait3A_128 : memref<128xf32, #tpu.memory_space<vmem>>)
    %dma_wait3A_137 = arith.constant 0 : i32
    %dma_wait3A_138 = arith.constant 1 : i32
    %dma_wait3A_139 = arith.constant 128 : i32
    %dma_wait3A_140 = tpu.memref_slice %arg22[%dma_wait3A_139] : memref<512xf32, #tpu.memory_space<vmem>> -> memref<128xf32, #tpu.memory_space<vmem>>
    %dma_wait3A_141 = arith.constant 0 : i32
    %dma_wait3A_142 = tpu.memref_slice %arg14[%dma_wait3A_138, %dma_wait3A_141] : memref<4x128xi32, #tpu.memory_space<vmem>> -> memref<1x128xi32, #tpu.memory_space<vmem>>
    %dma_wait3A_143 = tpu.memref_squeeze %dma_wait3A_142 : memref<1x128xi32, #tpu.memory_space<vmem>> -> memref<128xi32, #tpu.memory_space<vmem>>
    %dma_wait3A_144 = arith.constant 0 : i32
    %dma_wait3A_145 = tpu.memref_slice %arg11[%dma_wait3A_137, %dma_wait3A_144] : memref<1x100000xf32, #tpu.memory_space<hbm>> -> memref<1x100000xf32, #tpu.memory_space<hbm>>
    %dma_wait3A_146 = tpu.memref_squeeze %dma_wait3A_145 : memref<1x100000xf32, #tpu.memory_space<hbm>> -> memref<100000xf32, #tpu.memory_space<hbm>>
    %dma_wait3A_147 = arith.constant 0 : i32
    %dma_wait3A_148 = tpu.memref_slice %dma_wait3A_146[%dma_wait3A_147] : memref<100000xf32, #tpu.memory_space<hbm>> -> memref<100000xf32, #tpu.memory_space<hbm>>
    tpu.wait_indirect_dma semaphore(%arg24 : memref<!tpu.dma_semaphore, #tpu.memory_space<semaphore_mem>>) src(%dma_wait3A_148 : memref<100000xf32, #tpu.memory_space<hbm>>) dst(%dma_wait3A_140 : memref<128xf32, #tpu.memory_space<vmem>>)
    %dma_wait3A_149 = arith.constant 0 : i32
    %dma_wait3A_150 = arith.constant 2 : i32
    %dma_wait3A_151 = arith.constant 256 : i32
    %dma_wait3A_152 = tpu.memref_slice %arg21[%dma_wait3A_151] : memref<512xf32, #tpu.memory_space<vmem>> -> memref<128xf32, #tpu.memory_space<vmem>>
    %dma_wait3A_153 = arith.constant 0 : i32
    %dma_wait3A_154 = tpu.memref_slice %arg13[%dma_wait3A_150, %dma_wait3A_153] : memref<4x128xi32, #tpu.memory_space<vmem>> -> memref<1x128xi32, #tpu.memory_space<vmem>>
    %dma_wait3A_155 = tpu.memref_squeeze %dma_wait3A_154 : memref<1x128xi32, #tpu.memory_space<vmem>> -> memref<128xi32, #tpu.memory_space<vmem>>
    %dma_wait3A_156 = arith.constant 0 : i32
    %dma_wait3A_157 = tpu.memref_slice %arg10[%dma_wait3A_149, %dma_wait3A_156] : memref<1x1000000xf32, #tpu.memory_space<hbm>> -> memref<1x1000000xf32, #tpu.memory_space<hbm>>
    %dma_wait3A_158 = tpu.memref_squeeze %dma_wait3A_157 : memref<1x1000000xf32, #tpu.memory_space<hbm>> -> memref<1000000xf32, #tpu.memory_space<hbm>>
    %dma_wait3A_159 = arith.constant 0 : i32
    %dma_wait3A_160 = tpu.memref_slice %dma_wait3A_158[%dma_wait3A_159] : memref<1000000xf32, #tpu.memory_space<hbm>> -> memref<1000000xf32, #tpu.memory_space<hbm>>
    tpu.wait_indirect_dma semaphore(%arg24 : memref<!tpu.dma_semaphore, #tpu.memory_space<semaphore_mem>>) src(%dma_wait3A_160 : memref<1000000xf32, #tpu.memory_space<hbm>>) dst(%dma_wait3A_152 : memref<128xf32, #tpu.memory_space<vmem>>)
    %dma_wait3A_161 = arith.constant 0 : i32
    %dma_wait3A_162 = arith.constant 2 : i32
    %dma_wait3A_163 = arith.constant 256 : i32
    %dma_wait3A_164 = tpu.memref_slice %arg22[%dma_wait3A_163] : memref<512xf32, #tpu.memory_space<vmem>> -> memref<128xf32, #tpu.memory_space<vmem>>
    %dma_wait3A_165 = arith.constant 0 : i32
    %dma_wait3A_166 = tpu.memref_slice %arg14[%dma_wait3A_162, %dma_wait3A_165] : memref<4x128xi32, #tpu.memory_space<vmem>> -> memref<1x128xi32, #tpu.memory_space<vmem>>
    %dma_wait3A_167 = tpu.memref_squeeze %dma_wait3A_166 : memref<1x128xi32, #tpu.memory_space<vmem>> -> memref<128xi32, #tpu.memory_space<vmem>>
    %dma_wait3A_168 = arith.constant 0 : i32
    %dma_wait3A_169 = tpu.memref_slice %arg11[%dma_wait3A_161, %dma_wait3A_168] : memref<1x100000xf32, #tpu.memory_space<hbm>> -> memref<1x100000xf32, #tpu.memory_space<hbm>>
    %dma_wait3A_170 = tpu.memref_squeeze %dma_wait3A_169 : memref<1x100000xf32, #tpu.memory_space<hbm>> -> memref<100000xf32, #tpu.memory_space<hbm>>
    %dma_wait3A_171 = arith.constant 0 : i32
    %dma_wait3A_172 = tpu.memref_slice %dma_wait3A_170[%dma_wait3A_171] : memref<100000xf32, #tpu.memory_space<hbm>> -> memref<100000xf32, #tpu.memory_space<hbm>>
    tpu.wait_indirect_dma semaphore(%arg24 : memref<!tpu.dma_semaphore, #tpu.memory_space<semaphore_mem>>) src(%dma_wait3A_172 : memref<100000xf32, #tpu.memory_space<hbm>>) dst(%dma_wait3A_164 : memref<128xf32, #tpu.memory_space<vmem>>)
    %dma_wait3A_173 = arith.constant 0 : i32
    %dma_wait3A_174 = arith.constant 3 : i32
    %dma_wait3A_175 = arith.constant 384 : i32
    %dma_wait3A_176 = tpu.memref_slice %arg21[%dma_wait3A_175] : memref<512xf32, #tpu.memory_space<vmem>> -> memref<128xf32, #tpu.memory_space<vmem>>
    %dma_wait3A_177 = arith.constant 0 : i32
    %dma_wait3A_178 = tpu.memref_slice %arg13[%dma_wait3A_174, %dma_wait3A_177] : memref<4x128xi32, #tpu.memory_space<vmem>> -> memref<1x128xi32, #tpu.memory_space<vmem>>
    %dma_wait3A_179 = tpu.memref_squeeze %dma_wait3A_178 : memref<1x128xi32, #tpu.memory_space<vmem>> -> memref<128xi32, #tpu.memory_space<vmem>>
    %dma_wait3A_180 = arith.constant 0 : i32
    %dma_wait3A_181 = tpu.memref_slice %arg10[%dma_wait3A_173, %dma_wait3A_180] : memref<1x1000000xf32, #tpu.memory_space<hbm>> -> memref<1x1000000xf32, #tpu.memory_space<hbm>>
    %dma_wait3A_182 = tpu.memref_squeeze %dma_wait3A_181 : memref<1x1000000xf32, #tpu.memory_space<hbm>> -> memref<1000000xf32, #tpu.memory_space<hbm>>
    %dma_wait3A_183 = arith.constant 0 : i32
    %dma_wait3A_184 = tpu.memref_slice %dma_wait3A_182[%dma_wait3A_183] : memref<1000000xf32, #tpu.memory_space<hbm>> -> memref<1000000xf32, #tpu.memory_space<hbm>>
    tpu.wait_indirect_dma semaphore(%arg24 : memref<!tpu.dma_semaphore, #tpu.memory_space<semaphore_mem>>) src(%dma_wait3A_184 : memref<1000000xf32, #tpu.memory_space<hbm>>) dst(%dma_wait3A_176 : memref<128xf32, #tpu.memory_space<vmem>>)
    %dma_wait3A_185 = arith.constant 0 : i32
    %dma_wait3A_186 = arith.constant 3 : i32
    %dma_wait3A_187 = arith.constant 384 : i32
    %dma_wait3A_188 = tpu.memref_slice %arg22[%dma_wait3A_187] : memref<512xf32, #tpu.memory_space<vmem>> -> memref<128xf32, #tpu.memory_space<vmem>>
    %dma_wait3A_189 = arith.constant 0 : i32
    %dma_wait3A_190 = tpu.memref_slice %arg14[%dma_wait3A_186, %dma_wait3A_189] : memref<4x128xi32, #tpu.memory_space<vmem>> -> memref<1x128xi32, #tpu.memory_space<vmem>>
    %dma_wait3A_191 = tpu.memref_squeeze %dma_wait3A_190 : memref<1x128xi32, #tpu.memory_space<vmem>> -> memref<128xi32, #tpu.memory_space<vmem>>
    %dma_wait3A_192 = arith.constant 0 : i32
    %dma_wait3A_193 = tpu.memref_slice %arg11[%dma_wait3A_185, %dma_wait3A_192] : memref<1x100000xf32, #tpu.memory_space<hbm>> -> memref<1x100000xf32, #tpu.memory_space<hbm>>
    %dma_wait3A_194 = tpu.memref_squeeze %dma_wait3A_193 : memref<1x100000xf32, #tpu.memory_space<hbm>> -> memref<100000xf32, #tpu.memory_space<hbm>>
    %dma_wait3A_195 = arith.constant 0 : i32
    %dma_wait3A_196 = tpu.memref_slice %dma_wait3A_194[%dma_wait3A_195] : memref<100000xf32, #tpu.memory_space<hbm>> -> memref<100000xf32, #tpu.memory_space<hbm>>
    tpu.wait_indirect_dma semaphore(%arg24 : memref<!tpu.dma_semaphore, #tpu.memory_space<semaphore_mem>>) src(%dma_wait3A_196 : memref<100000xf32, #tpu.memory_space<hbm>>) dst(%dma_wait3A_188 : memref<128xf32, #tpu.memory_space<vmem>>)
    %dma_wait3A_197 = arith.constant 0 : i32
    %dma_wait3A_198 = arith.constant 0 : i32
    %dma_wait3A_199 = tpu.memref_slice %arg2[%dma_wait3A_197, %dma_wait3A_198] : memref<64x1000448xf32, #tpu.memory_space<hbm>> -> memref<64x512xf32, #tpu.memory_space<hbm>>
    %dma_wait3A_200 = arith.constant 0 : i32
    %dma_wait3A_201 = arith.constant 0 : i32
    %dma_wait3A_202 = tpu.memref_slice %arg2[%dma_wait3A_200, %dma_wait3A_201] : memref<64x1000448xf32, #tpu.memory_space<hbm>> -> memref<64x512xf32, #tpu.memory_space<hbm>>
    tpu.wait_dma2 semaphore(%arg24 : memref<!tpu.dma_semaphore, #tpu.memory_space<semaphore_mem>>) src(%dma_wait3A_202 : memref<64x512xf32, #tpu.memory_space<hbm>>) dst(%arg17 : memref<64x512xf32, #tpu.memory_space<vmem>>)
    %dma_wait3A_203 = arith.constant 0 : i32
    %dma_wait3A_204 = arith.constant 0 : i32
    %dma_wait3A_205 = tpu.memref_slice %arg3[%dma_wait3A_203, %dma_wait3A_204] : memref<64x100352xf32, #tpu.memory_space<hbm>> -> memref<64x512xf32, #tpu.memory_space<hbm>>
    %dma_wait3A_206 = arith.constant 0 : i32
    %dma_wait3A_207 = arith.constant 0 : i32
    %dma_wait3A_208 = tpu.memref_slice %arg3[%dma_wait3A_206, %dma_wait3A_207] : memref<64x100352xf32, #tpu.memory_space<hbm>> -> memref<64x512xf32, #tpu.memory_space<hbm>>
    tpu.wait_dma2 semaphore(%arg24 : memref<!tpu.dma_semaphore, #tpu.memory_space<semaphore_mem>>) src(%dma_wait3A_208 : memref<64x512xf32, #tpu.memory_space<hbm>>) dst(%arg18 : memref<64x512xf32, #tpu.memory_space<vmem>>)
    %scan3A_209 = arith.constant 0 : i32
    %scan3A_210 = arith.constant 0 : i32
    %scan3A_211 = arith.constant 32 : i32
    %scan3A_212 = arith.addi %scan3A_210, %scan3A_211 : i32
    %scan3A_213 = arith.constant 1 : i32
    %scan3A_214 = scf.for %scan3A_218 = %scan3A_210 to %scan3A_212 step %scan3A_213 iter_args(%scan3A_219 = %scan3A_209) -> (i32)  : i32 {
      %mul3A_220 = arith.constant 16 : i32
      %mul3A_221 = arith.muli %scan3A_218, %mul3A_220 : i32
      %iota3A = tpu.iota {dimensions = array<i32: 0>} : vector<16xi32>
      %add3A_222 = vector.broadcast %mul3A_221 : i32 to vector<16xi32>
      %add3A_223 = arith.addi %add3A_222, %iota3A : vector<16xi32>
      %mul3A_224 = arith.constant 16 : i32
      %mul3A_225 = arith.muli %scan3A_218, %mul3A_224 : i32
      %gather3A = tpu.vector_load_idx %arg15[%add3A_223] : memref<512xi32, #tpu.memory_space<vmem>>[vector<16xi32>], vector<16xi32>,
      %gather3A_226 = tpu.vector_load_idx %arg16[%add3A_223] : memref<512xi32, #tpu.memory_space<vmem>>[vector<16xi32>], vector<16xi32>,
      %broadcast_in_dim3A = arith.constant 0.000000e+00 : f32
      %broadcast_in_dim3A_227 = vector.broadcast %broadcast_in_dim3A : f32 to vector<16xf32>
      %scan3A_228 = arith.constant 0 : i32
      %scan3A_229 = arith.constant 64 : i32
      %scan3A_230 = arith.addi %scan3A_228, %scan3A_229 : i32
      %scan3A_231 = arith.constant 8 : i32
      %scan3A_232:3 = scf.for %scan3A_319 = %scan3A_228 to %scan3A_230 step %scan3A_231 iter_args(%scan3A_320 = %broadcast_in_dim3A_227, %scan3A_321 = %broadcast_in_dim3A_227, %scan3A_322 = %broadcast_in_dim3A_227) -> (vector<16xf32>, vector<16xf32>, vector<16xf32>)  : i32 {
        %broadcast_in_dim3A_323 = vector.broadcast %scan3A_319 : i32 to vector<16xi32>
        %get3A = arith.index_cast %scan3A_319 : i32 to index
        %get3A_324 = arith.index_cast %mul3A_225 : i32 to index
        %get3A_325 = tpu.vector_load %arg17[%get3A, %get3A_324] {strides = array<i32>} : memref<64x512xf32, #tpu.memory_space<vmem>>, vector<16xf32>,
        %get3A_326 = arith.index_cast %scan3A_319 : i32 to index
        %get3A_327 = arith.index_cast %mul3A_225 : i32 to index
        %get3A_328 = tpu.vector_load %arg18[%get3A_326, %get3A_327] {strides = array<i32>} : memref<64x512xf32, #tpu.memory_space<vmem>>, vector<16xf32>,
        %gather3A_329 = tpu.vector_load_idx %arg19[%broadcast_in_dim3A_323, %gather3A] : memref<64x20xf32, #tpu.memory_space<vmem>>[vector<16xi32>, vector<16xi32>], vector<16xf32>,
        %gather3A_330 = tpu.vector_load_idx %arg20[%broadcast_in_dim3A_323, %gather3A_226] : memref<64x100xf32, #tpu.memory_space<vmem>>[vector<16xi32>, vector<16xi32>], vector<16xf32>,
        %add3A_331 = arith.addf %get3A_328, %gather3A_329 : vector<16xf32>
        %add3A_332 = arith.addf %add3A_331, %gather3A_330 : vector<16xf32>
        %mul3A_333 = arith.mulf %get3A_325, %add3A_332 : vector<16xf32>
        %add3A_334 = arith.addf %scan3A_320, %mul3A_333 : vector<16xf32>
        %mul3A_335 = arith.mulf %get3A_325, %get3A_325 : vector<16xf32>
        %add3A_336 = arith.addf %scan3A_321, %mul3A_335 : vector<16xf32>
        %mul3A_337 = arith.mulf %add3A_332, %add3A_332 : vector<16xf32>
        %add3A_338 = arith.addf %scan3A_322, %mul3A_337 : vector<16xf32>
        %scan3A_339 = arith.constant 1 : i32
        %scan3A_340 = arith.addi %scan3A_319, %scan3A_339 : i32
        %broadcast_in_dim3A_341 = vector.broadcast %scan3A_340 : i32 to vector<16xi32>
        %get3A_342 = arith.index_cast %scan3A_340 : i32 to index
        %get3A_343 = arith.index_cast %mul3A_225 : i32 to index
        %get3A_344 = tpu.vector_load %arg17[%get3A_342, %get3A_343] {strides = array<i32>} : memref<64x512xf32, #tpu.memory_space<vmem>>, vector<16xf32>,
        %get3A_345 = arith.index_cast %scan3A_340 : i32 to index
        %get3A_346 = arith.index_cast %mul3A_225 : i32 to index
        %get3A_347 = tpu.vector_load %arg18[%get3A_345, %get3A_346] {strides = array<i32>} : memref<64x512xf32, #tpu.memory_space<vmem>>, vector<16xf32>,
        %gather3A_348 = tpu.vector_load_idx %arg19[%broadcast_in_dim3A_341, %gather3A] : memref<64x20xf32, #tpu.memory_space<vmem>>[vector<16xi32>, vector<16xi32>], vector<16xf32>,
        %gather3A_349 = tpu.vector_load_idx %arg20[%broadcast_in_dim3A_341, %gather3A_226] : memref<64x100xf32, #tpu.memory_space<vmem>>[vector<16xi32>, vector<16xi32>], vector<16xf32>,
        %add3A_350 = arith.addf %get3A_347, %gather3A_348 : vector<16xf32>
        %add3A_351 = arith.addf %add3A_350, %gather3A_349 : vector<16xf32>
        %mul3A_352 = arith.mulf %get3A_344, %add3A_351 : vector<16xf32>
        %add3A_353 = arith.addf %add3A_334, %mul3A_352 : vector<16xf32>
        %mul3A_354 = arith.mulf %get3A_344, %get3A_344 : vector<16xf32>
        %add3A_355 = arith.addf %add3A_336, %mul3A_354 : vector<16xf32>
        %mul3A_356 = arith.mulf %add3A_351, %add3A_351 : vector<16xf32>
        %add3A_357 = arith.addf %add3A_338, %mul3A_356 : vector<16xf32>
        %scan3A_358 = arith.constant 2 : i32
        %scan3A_359 = arith.addi %scan3A_319, %scan3A_358 : i32
        %broadcast_in_dim3A_360 = vector.broadcast %scan3A_359 : i32 to vector<16xi32>
        %get3A_361 = arith.index_cast %scan3A_359 : i32 to index
        %get3A_362 = arith.index_cast %mul3A_225 : i32 to index
        %get3A_363 = tpu.vector_load %arg17[%get3A_361, %get3A_362] {strides = array<i32>} : memref<64x512xf32, #tpu.memory_space<vmem>>, vector<16xf32>,
        %get3A_364 = arith.index_cast %scan3A_359 : i32 to index
        %get3A_365 = arith.index_cast %mul3A_225 : i32 to index
        %get3A_366 = tpu.vector_load %arg18[%get3A_364, %get3A_365] {strides = array<i32>} : memref<64x512xf32, #tpu.memory_space<vmem>>, vector<16xf32>,
        %gather3A_367 = tpu.vector_load_idx %arg19[%broadcast_in_dim3A_360, %gather3A] : memref<64x20xf32, #tpu.memory_space<vmem>>[vector<16xi32>, vector<16xi32>], vector<16xf32>,
        %gather3A_368 = tpu.vector_load_idx %arg20[%broadcast_in_dim3A_360, %gather3A_226] : memref<64x100xf32, #tpu.memory_space<vmem>>[vector<16xi32>, vector<16xi32>], vector<16xf32>,
        %add3A_369 = arith.addf %get3A_366, %gather3A_367 : vector<16xf32>
        %add3A_370 = arith.addf %add3A_369, %gather3A_368 : vector<16xf32>
        %mul3A_371 = arith.mulf %get3A_363, %add3A_370 : vector<16xf32>
        %add3A_372 = arith.addf %add3A_353, %mul3A_371 : vector<16xf32>
        %mul3A_373 = arith.mulf %get3A_363, %get3A_363 : vector<16xf32>
        %add3A_374 = arith.addf %add3A_355, %mul3A_373 : vector<16xf32>
        %mul3A_375 = arith.mulf %add3A_370, %add3A_370 : vector<16xf32>
        %add3A_376 = arith.addf %add3A_357, %mul3A_375 : vector<16xf32>
        %scan3A_377 = arith.constant 3 : i32
        %scan3A_378 = arith.addi %scan3A_319, %scan3A_377 : i32
        %broadcast_in_dim3A_379 = vector.broadcast %scan3A_378 : i32 to vector<16xi32>
        %get3A_380 = arith.index_cast %scan3A_378 : i32 to index
        %get3A_381 = arith.index_cast %mul3A_225 : i32 to index
        %get3A_382 = tpu.vector_load %arg17[%get3A_380, %get3A_381] {strides = array<i32>} : memref<64x512xf32, #tpu.memory_space<vmem>>, vector<16xf32>,
        %get3A_383 = arith.index_cast %scan3A_378 : i32 to index
        %get3A_384 = arith.index_cast %mul3A_225 : i32 to index
        %get3A_385 = tpu.vector_load %arg18[%get3A_383, %get3A_384] {strides = array<i32>} : memref<64x512xf32, #tpu.memory_space<vmem>>, vector<16xf32>,
        %gather3A_386 = tpu.vector_load_idx %arg19[%broadcast_in_dim3A_379, %gather3A] : memref<64x20xf32, #tpu.memory_space<vmem>>[vector<16xi32>, vector<16xi32>], vector<16xf32>,
        %gather3A_387 = tpu.vector_load_idx %arg20[%broadcast_in_dim3A_379, %gather3A_226] : memref<64x100xf32, #tpu.memory_space<vmem>>[vector<16xi32>, vector<16xi32>], vector<16xf32>,
        %add3A_388 = arith.addf %get3A_385, %gather3A_386 : vector<16xf32>
        %add3A_389 = arith.addf %add3A_388, %gather3A_387 : vector<16xf32>
        %mul3A_390 = arith.mulf %get3A_382, %add3A_389 : vector<16xf32>
        %add3A_391 = arith.addf %add3A_372, %mul3A_390 : vector<16xf32>
        %mul3A_392 = arith.mulf %get3A_382, %get3A_382 : vector<16xf32>
        %add3A_393 = arith.addf %add3A_374, %mul3A_392 : vector<16xf32>
        %mul3A_394 = arith.mulf %add3A_389, %add3A_389 : vector<16xf32>
        %add3A_395 = arith.addf %add3A_376, %mul3A_394 : vector<16xf32>
        %scan3A_396 = arith.constant 4 : i32
        %scan3A_397 = arith.addi %scan3A_319, %scan3A_396 : i32
        %broadcast_in_dim3A_398 = vector.broadcast %scan3A_397 : i32 to vector<16xi32>
        %get3A_399 = arith.index_cast %scan3A_397 : i32 to index
        %get3A_400 = arith.index_cast %mul3A_225 : i32 to index
        %get3A_401 = tpu.vector_load %arg17[%get3A_399, %get3A_400] {strides = array<i32>} : memref<64x512xf32, #tpu.memory_space<vmem>>, vector<16xf32>,
        %get3A_402 = arith.index_cast %scan3A_397 : i32 to index
        %get3A_403 = arith.index_cast %mul3A_225 : i32 to index
        %get3A_404 = tpu.vector_load %arg18[%get3A_402, %get3A_403] {strides = array<i32>} : memref<64x512xf32, #tpu.memory_space<vmem>>, vector<16xf32>,
        %gather3A_405 = tpu.vector_load_idx %arg19[%broadcast_in_dim3A_398, %gather3A] : memref<64x20xf32, #tpu.memory_space<vmem>>[vector<16xi32>, vector<16xi32>], vector<16xf32>,
        %gather3A_406 = tpu.vector_load_idx %arg20[%broadcast_in_dim3A_398, %gather3A_226] : memref<64x100xf32, #tpu.memory_space<vmem>>[vector<16xi32>, vector<16xi32>], vector<16xf32>,
        %add3A_407 = arith.addf %get3A_404, %gather3A_405 : vector<16xf32>
        %add3A_408 = arith.addf %add3A_407, %gather3A_406 : vector<16xf32>
        %mul3A_409 = arith.mulf %get3A_401, %add3A_408 : vector<16xf32>
        %add3A_410 = arith.addf %add3A_391, %mul3A_409 : vector<16xf32>
        %mul3A_411 = arith.mulf %get3A_401, %get3A_401 : vector<16xf32>
        %add3A_412 = arith.addf %add3A_393, %mul3A_411 : vector<16xf32>
        %mul3A_413 = arith.mulf %add3A_408, %add3A_408 : vector<16xf32>
        %add3A_414 = arith.addf %add3A_395, %mul3A_413 : vector<16xf32>
        %scan3A_415 = arith.constant 5 : i32
        %scan3A_416 = arith.addi %scan3A_319, %scan3A_415 : i32
        %broadcast_in_dim3A_417 = vector.broadcast %scan3A_416 : i32 to vector<16xi32>
        %get3A_418 = arith.index_cast %scan3A_416 : i32 to index
        %get3A_419 = arith.index_cast %mul3A_225 : i32 to index
        %get3A_420 = tpu.vector_load %arg17[%get3A_418, %get3A_419] {strides = array<i32>} : memref<64x512xf32, #tpu.memory_space<vmem>>, vector<16xf32>,
        %get3A_421 = arith.index_cast %scan3A_416 : i32 to index
        %get3A_422 = arith.index_cast %mul3A_225 : i32 to index
        %get3A_423 = tpu.vector_load %arg18[%get3A_421, %get3A_422] {strides = array<i32>} : memref<64x512xf32, #tpu.memory_space<vmem>>, vector<16xf32>,
        %gather3A_424 = tpu.vector_load_idx %arg19[%broadcast_in_dim3A_417, %gather3A] : memref<64x20xf32, #tpu.memory_space<vmem>>[vector<16xi32>, vector<16xi32>], vector<16xf32>,
        %gather3A_425 = tpu.vector_load_idx %arg20[%broadcast_in_dim3A_417, %gather3A_226] : memref<64x100xf32, #tpu.memory_space<vmem>>[vector<16xi32>, vector<16xi32>], vector<16xf32>,
        %add3A_426 = arith.addf %get3A_423, %gather3A_424 : vector<16xf32>
        %add3A_427 = arith.addf %add3A_426, %gather3A_425 : vector<16xf32>
        %mul3A_428 = arith.mulf %get3A_420, %add3A_427 : vector<16xf32>
        %add3A_429 = arith.addf %add3A_410, %mul3A_428 : vector<16xf32>
        %mul3A_430 = arith.mulf %get3A_420, %get3A_420 : vector<16xf32>
        %add3A_431 = arith.addf %add3A_412, %mul3A_430 : vector<16xf32>
        %mul3A_432 = arith.mulf %add3A_427, %add3A_427 : vector<16xf32>
        %add3A_433 = arith.addf %add3A_414, %mul3A_432 : vector<16xf32>
        %scan3A_434 = arith.constant 6 : i32
        %scan3A_435 = arith.addi %scan3A_319, %scan3A_434 : i32
        %broadcast_in_dim3A_436 = vector.broadcast %scan3A_435 : i32 to vector<16xi32>
        %get3A_437 = arith.index_cast %scan3A_435 : i32 to index
        %get3A_438 = arith.index_cast %mul3A_225 : i32 to index
        %get3A_439 = tpu.vector_load %arg17[%get3A_437, %get3A_438] {strides = array<i32>} : memref<64x512xf32, #tpu.memory_space<vmem>>, vector<16xf32>,
        %get3A_440 = arith.index_cast %scan3A_435 : i32 to index
        %get3A_441 = arith.index_cast %mul3A_225 : i32 to index
        %get3A_442 = tpu.vector_load %arg18[%get3A_440, %get3A_441] {strides = array<i32>} : memref<64x512xf32, #tpu.memory_space<vmem>>, vector<16xf32>,
        %gather3A_443 = tpu.vector_load_idx %arg19[%broadcast_in_dim3A_436, %gather3A] : memref<64x20xf32, #tpu.memory_space<vmem>>[vector<16xi32>, vector<16xi32>], vector<16xf32>,
        %gather3A_444 = tpu.vector_load_idx %arg20[%broadcast_in_dim3A_436, %gather3A_226] : memref<64x100xf32, #tpu.memory_space<vmem>>[vector<16xi32>, vector<16xi32>], vector<16xf32>,
        %add3A_445 = arith.addf %get3A_442, %gather3A_443 : vector<16xf32>
        %add3A_446 = arith.addf %add3A_445, %gather3A_444 : vector<16xf32>
        %mul3A_447 = arith.mulf %get3A_439, %add3A_446 : vector<16xf32>
        %add3A_448 = arith.addf %add3A_429, %mul3A_447 : vector<16xf32>
        %mul3A_449 = arith.mulf %get3A_439, %get3A_439 : vector<16xf32>
        %add3A_450 = arith.addf %add3A_431, %mul3A_449 : vector<16xf32>
        %mul3A_451 = arith.mulf %add3A_446, %add3A_446 : vector<16xf32>
        %add3A_452 = arith.addf %add3A_433, %mul3A_451 : vector<16xf32>
        %scan3A_453 = arith.constant 7 : i32
        %scan3A_454 = arith.addi %scan3A_319, %scan3A_453 : i32
        %broadcast_in_dim3A_455 = vector.broadcast %scan3A_454 : i32 to vector<16xi32>
        %get3A_456 = arith.index_cast %scan3A_454 : i32 to index
        %get3A_457 = arith.index_cast %mul3A_225 : i32 to index
        %get3A_458 = tpu.vector_load %arg17[%get3A_456, %get3A_457] {strides = array<i32>} : memref<64x512xf32, #tpu.memory_space<vmem>>, vector<16xf32>,
        %get3A_459 = arith.index_cast %scan3A_454 : i32 to index
        %get3A_460 = arith.index_cast %mul3A_225 : i32 to index
        %get3A_461 = tpu.vector_load %arg18[%get3A_459, %get3A_460] {strides = array<i32>} : memref<64x512xf32, #tpu.memory_space<vmem>>, vector<16xf32>,
        %gather3A_462 = tpu.vector_load_idx %arg19[%broadcast_in_dim3A_455, %gather3A] : memref<64x20xf32, #tpu.memory_space<vmem>>[vector<16xi32>, vector<16xi32>], vector<16xf32>,
        %gather3A_463 = tpu.vector_load_idx %arg20[%broadcast_in_dim3A_455, %gather3A_226] : memref<64x100xf32, #tpu.memory_space<vmem>>[vector<16xi32>, vector<16xi32>], vector<16xf32>,
        %add3A_464 = arith.addf %get3A_461, %gather3A_462 : vector<16xf32>
        %add3A_465 = arith.addf %add3A_464, %gather3A_463 : vector<16xf32>
        %mul3A_466 = arith.mulf %get3A_458, %add3A_465 : vector<16xf32>
        %add3A_467 = arith.addf %add3A_448, %mul3A_466 : vector<16xf32>
        %mul3A_468 = arith.mulf %get3A_458, %get3A_458 : vector<16xf32>
        %add3A_469 = arith.addf %add3A_450, %mul3A_468 : vector<16xf32>
        %mul3A_470 = arith.mulf %add3A_465, %add3A_465 : vector<16xf32>
        %add3A_471 = arith.addf %add3A_452, %mul3A_470 : vector<16xf32>
        scf.yield %add3A_467, %add3A_469, %add3A_471 : vector<16xf32>, vector<16xf32>, vector<16xf32>
      }
      %scan3A_233 = arith.constant 64 : i32
      %max3A = arith.constant 1.000000e-16 : f32
      %max3A_234 = vector.broadcast %max3A : f32 to vector<16xf32>
      %max3A_235 = arith.maximumf %scan3A_232#1, %max3A_234 : vector<16xf32>
      %bitcast3A = vector.bitcast %max3A_235 : vector<16xf32> to vector<16xi32>
      %shift_right_arithmetic3A = arith.constant 1 : i32
      %shift_right_arithmetic3A_236 = vector.broadcast %shift_right_arithmetic3A : i32 to vector<16xi32>
      %shift_right_arithmetic3A_237 = arith.shrsi %bitcast3A, %shift_right_arithmetic3A_236 : vector<16xi32>
      %sub3A = arith.constant 1597463007 : i32
      %sub3A_238 = vector.broadcast %sub3A : i32 to vector<16xi32>
      %sub3A_239 = arith.subi %sub3A_238, %shift_right_arithmetic3A_237 : vector<16xi32>
      %bitcast3A_240 = vector.bitcast %sub3A_239 : vector<16xi32> to vector<16xf32>
      %mul3A_241 = arith.constant 5.000000e-01 : f32
      %mul3A_242 = vector.broadcast %mul3A_241 : f32 to vector<16xf32>
      %mul3A_243 = arith.mulf %mul3A_242, %max3A_235 : vector<16xf32>
      %mul3A_244 = arith.mulf %mul3A_243, %bitcast3A_240 : vector<16xf32>
      %mul3A_245 = arith.mulf %mul3A_244, %bitcast3A_240 : vector<16xf32>
      %sub3A_246 = arith.constant 1.500000e+00 : f32
      %sub3A_247 = vector.broadcast %sub3A_246 : f32 to vector<16xf32>
      %sub3A_248 = arith.subf %sub3A_247, %mul3A_245 : vector<16xf32>
      %mul3A_249 = arith.mulf %bitcast3A_240, %sub3A_248 : vector<16xf32>
      %mul3A_250 = arith.constant 5.000000e-01 : f32
      %mul3A_251 = vector.broadcast %mul3A_250 : f32 to vector<16xf32>
      %mul3A_252 = arith.mulf %mul3A_251, %max3A_235 : vector<16xf32>
      %mul3A_253 = arith.mulf %mul3A_252, %mul3A_249 : vector<16xf32>
      %mul3A_254 = arith.mulf %mul3A_253, %mul3A_249 : vector<16xf32>
      %sub3A_255 = arith.constant 1.500000e+00 : f32
      %sub3A_256 = vector.broadcast %sub3A_255 : f32 to vector<16xf32>
      %sub3A_257 = arith.subf %sub3A_256, %mul3A_254 : vector<16xf32>
      %mul3A_258 = arith.mulf %mul3A_249, %sub3A_257 : vector<16xf32>
      %mul3A_259 = arith.constant 5.000000e-01 : f32
      %mul3A_260 = vector.broadcast %mul3A_259 : f32 to vector<16xf32>
      %mul3A_261 = arith.mulf %mul3A_260, %max3A_235 : vector<16xf32>
      %mul3A_262 = arith.mulf %mul3A_261, %mul3A_258 : vector<16xf32>
      %mul3A_263 = arith.mulf %mul3A_262, %mul3A_258 : vector<16xf32>
      %sub3A_264 = arith.constant 1.500000e+00 : f32
      %sub3A_265 = vector.broadcast %sub3A_264 : f32 to vector<16xf32>
      %sub3A_266 = arith.subf %sub3A_265, %mul3A_263 : vector<16xf32>
      %mul3A_267 = arith.mulf %mul3A_258, %sub3A_266 : vector<16xf32>
      %max3A_268 = arith.constant 1.000000e-16 : f32
      %max3A_269 = vector.broadcast %max3A_268 : f32 to vector<16xf32>
      %max3A_270 = arith.maximumf %scan3A_232#2, %max3A_269 : vector<16xf32>
      %bitcast3A_271 = vector.bitcast %max3A_270 : vector<16xf32> to vector<16xi32>
      %shift_right_arithmetic3A_272 = arith.constant 1 : i32
      %shift_right_arithmetic3A_273 = vector.broadcast %shift_right_arithmetic3A_272 : i32 to vector<16xi32>
      %shift_right_arithmetic3A_274 = arith.shrsi %bitcast3A_271, %shift_right_arithmetic3A_273 : vector<16xi32>
      %sub3A_275 = arith.constant 1597463007 : i32
      %sub3A_276 = vector.broadcast %sub3A_275 : i32 to vector<16xi32>
      %sub3A_277 = arith.subi %sub3A_276, %shift_right_arithmetic3A_274 : vector<16xi32>
      %bitcast3A_278 = vector.bitcast %sub3A_277 : vector<16xi32> to vector<16xf32>
      %mul3A_279 = arith.constant 5.000000e-01 : f32
      %mul3A_280 = vector.broadcast %mul3A_279 : f32 to vector<16xf32>
      %mul3A_281 = arith.mulf %mul3A_280, %max3A_270 : vector<16xf32>
      %mul3A_282 = arith.mulf %mul3A_281, %bitcast3A_278 : vector<16xf32>
      %mul3A_283 = arith.mulf %mul3A_282, %bitcast3A_278 : vector<16xf32>
      %sub3A_284 = arith.constant 1.500000e+00 : f32
      %sub3A_285 = vector.broadcast %sub3A_284 : f32 to vector<16xf32>
      %sub3A_286 = arith.subf %sub3A_285, %mul3A_283 : vector<16xf32>
      %mul3A_287 = arith.mulf %bitcast3A_278, %sub3A_286 : vector<16xf32>
      %mul3A_288 = arith.constant 5.000000e-01 : f32
      %mul3A_289 = vector.broadcast %mul3A_288 : f32 to vector<16xf32>
      %mul3A_290 = arith.mulf %mul3A_289, %max3A_270 : vector<16xf32>
      %mul3A_291 = arith.mulf %mul3A_290, %mul3A_287 : vector<16xf32>
      %mul3A_292 = arith.mulf %mul3A_291, %mul3A_287 : vector<16xf32>
      %sub3A_293 = arith.constant 1.500000e+00 : f32
      %sub3A_294 = vector.broadcast %sub3A_293 : f32 to vector<16xf32>
      %sub3A_295 = arith.subf %sub3A_294, %mul3A_292 : vector<16xf32>
      %mul3A_296 = arith.mulf %mul3A_287, %sub3A_295 : vector<16xf32>
      %mul3A_297 = arith.constant 5.000000e-01 : f32
      %mul3A_298 = vector.broadcast %mul3A_297 : f32 to vector<16xf32>
      %mul3A_299 = arith.mulf %mul3A_298, %max3A_270 : vector<16xf32>
      %mul3A_300 = arith.mulf %mul3A_299, %mul3A_296 : vector<16xf32>
      %mul3A_301 = arith.mulf %mul3A_300, %mul3A_296 : vector<16xf32>
      %sub3A_302 = arith.constant 1.500000e+00 : f32
      %sub3A_303 = vector.broadcast %sub3A_302 : f32 to vector<16xf32>
      %sub3A_304 = arith.subf %sub3A_303, %mul3A_301 : vector<16xf32>
      %mul3A_305 = arith.mulf %mul3A_296, %sub3A_304 : vector<16xf32>
      %mul3A_306 = arith.mulf %mul3A_267, %mul3A_305 : vector<16xf32>
      %gather3A_307 = tpu.vector_load_idx %arg21[%add3A_223] : memref<512xf32, #tpu.memory_space<vmem>>[vector<16xi32>], vector<16xf32>,
      %gather3A_308 = tpu.vector_load_idx %arg22[%add3A_223] : memref<512xf32, #tpu.memory_space<vmem>>[vector<16xi32>], vector<16xf32>,
      %mul3A_309 = arith.mulf %scan3A_232#0, %mul3A_306 : vector<16xf32>
      %mul3A_310 = arith.constant 2.500000e+00 : f32
      %mul3A_311 = vector.broadcast %mul3A_310 : f32 to vector<16xf32>
      %mul3A_312 = arith.mulf %mul3A_309, %mul3A_311 : vector<16xf32>
      %add3A_313 = arith.constant 2.750000e+00 : f32
      %add3A_314 = vector.broadcast %add3A_313 : f32 to vector<16xf32>
      %add3A_315 = arith.addf %mul3A_312, %add3A_314 : vector<16xf32>
      %add3A_316 = arith.addf %add3A_315, %gather3A_307 : vector<16xf32>
      %add3A_317 = arith.addf %add3A_316, %gather3A_308 : vector<16xf32>
      tpu.vector_store_idx %arg23[%add3A_223], %add3A_317 : memref<512xf32, #tpu.memory_space<vmem>>[vector<16xi32>], vector<16xf32>,
      %scan3A_318 = arith.constant 0 : i32
      scf.yield %scan3A_318 : i32
    }
    %scan3A_215 = arith.constant 32 : i32
    %mul3A_216 = arith.constant 512 : i32
    %mul3A_217 = arith.muli %add3A, %mul3A_216 : i32
    %multiple_of3A = tpu.assume_multiple %mul3A_217, 512 : i32
    "tpu.region"() ({
      %run_scoped3A = tpu.sem_alloc : memref<!tpu.dma_semaphore, #tpu.memory_space<semaphore_mem>>
      %dma_start3A_218 = tpu.memref_slice %arg12[%multiple_of3A] : memref<16384xf32, #tpu.memory_space<hbm>> -> memref<512xf32, #tpu.memory_space<hbm>>
      %dma_start3A_219 = tpu.memref_slice %arg12[%multiple_of3A] : memref<16384xf32, #tpu.memory_space<hbm>> -> memref<512xf32, #tpu.memory_space<hbm>>
      tpu.enqueue_dma source(%arg23 : memref<512xf32, #tpu.memory_space<vmem>>) target(%dma_start3A_219 : memref<512xf32, #tpu.memory_space<hbm>>) target_semaphore(%run_scoped3A : memref<!tpu.dma_semaphore, #tpu.memory_space<semaphore_mem>>)
      %dma_wait3A_220 = tpu.memref_slice %arg12[%multiple_of3A] : memref<16384xf32, #tpu.memory_space<hbm>> -> memref<512xf32, #tpu.memory_space<hbm>>
      %dma_wait3A_221 = tpu.memref_slice %arg12[%multiple_of3A] : memref<16384xf32, #tpu.memory_space<hbm>> -> memref<512xf32, #tpu.memory_space<hbm>>
      tpu.wait_dma2 semaphore(%run_scoped3A : memref<!tpu.dma_semaphore, #tpu.memory_space<semaphore_mem>>) src(%arg23 : memref<512xf32, #tpu.memory_space<vmem>>) dst(%dma_wait3A_221 : memref<512xf32, #tpu.memory_space<hbm>>)
      tpu.yield
    }) : () -> ()
    return
  }
}

module attributes {stable_mosaic.version = 14 : i64} {
  func.func @_detile_body(%arg0: i32, %arg1: i32, %arg2: memref<64x1000000xf32, #tpu.memory_space<any>>, %arg3: memref<64x64xf32, #tpu.memory_space<any>>, %arg4: memref<64028672xf32, #tpu.memory_space<any>>, %arg5: memref<3x8x131072xf32, #tpu.memory_space<vmem>>, %arg6: memref<8x64xf32, #tpu.memory_space<vmem>>, %arg7: memref<8x82944xf32, #tpu.memory_space<vmem>>, %arg8: memref<!tpu.dma_semaphore, #tpu.memory_space<semaphore_mem>>, %arg9: memref<!tpu.dma_semaphore, #tpu.memory_space<semaphore_mem>>) attributes {dimension_semantics = [#tpu.dimension_semantics<arbitrary>, #tpu.dimension_semantics<arbitrary>], iteration_bounds = array<i64: 8, 8>, scalar_prefetch = 0 : i64, scratch_operands = 5 : i64, tpu.core_type = #tpu.core_type<tc>, window_params = [{}, {}, {}]} {
    %eq3A = arith.constant 0 : i32
    %eq3A_0 = arith.cmpi eq, %arg1, %eq3A : i32
    %convert_element_type3A = arith.extui %eq3A_0 : i1 to i32
    %cond3A = arith.constant 0 : i32
    %cond3A_1 = arith.cmpi ne, %convert_element_type3A, %cond3A : i32
    scf.if %cond3A_1 {
      %mul3A = arith.constant 8 : i32
      %mul3A_28 = arith.muli %arg0, %mul3A : i32
      %dma_start3A = arith.constant 0 : i32
      %dma_start3A_29 = arith.constant 0 : i32
      %dma_start3A_30 = arith.constant 0 : i32
      %dma_start3A_31 = tpu.memref_slice %arg5[%dma_start3A, %dma_start3A_29, %dma_start3A_30] : memref<3x8x131072xf32, #tpu.memory_space<vmem>> -> memref<1x8x131072xf32, #tpu.memory_space<vmem>>
      %dma_start3A_32 = tpu.memref_squeeze %dma_start3A_31 : memref<1x8x131072xf32, #tpu.memory_space<vmem>> -> memref<8x131072xf32, #tpu.memory_space<vmem>>
      %dma_start3A_33 = arith.constant 0 : i32
      %dma_start3A_34 = tpu.memref_slice %arg2[%mul3A_28, %dma_start3A_33] : memref<64x1000000xf32, #tpu.memory_space<any>> -> memref<8x131072xf32, #tpu.memory_space<any>>
      tpu.enqueue_dma source(%dma_start3A_34 : memref<8x131072xf32, #tpu.memory_space<any>>) target(%dma_start3A_32 : memref<8x131072xf32, #tpu.memory_space<vmem>>) target_semaphore(%arg8 : memref<!tpu.dma_semaphore, #tpu.memory_space<semaphore_mem>>)
      %mul3A_35 = arith.constant 8 : i32
      %mul3A_36 = arith.muli %arg0, %mul3A_35 : i32
      %dma_start3A_37 = arith.constant 1 : i32
      %dma_start3A_38 = arith.constant 0 : i32
      %dma_start3A_39 = arith.constant 0 : i32
      %dma_start3A_40 = tpu.memref_slice %arg5[%dma_start3A_37, %dma_start3A_38, %dma_start3A_39] : memref<3x8x131072xf32, #tpu.memory_space<vmem>> -> memref<1x8x131072xf32, #tpu.memory_space<vmem>>
      %dma_start3A_41 = tpu.memref_squeeze %dma_start3A_40 : memref<1x8x131072xf32, #tpu.memory_space<vmem>> -> memref<8x131072xf32, #tpu.memory_space<vmem>>
      %dma_start3A_42 = arith.constant 131072 : i32
      %dma_start3A_43 = tpu.memref_slice %arg2[%mul3A_36, %dma_start3A_42] : memref<64x1000000xf32, #tpu.memory_space<any>> -> memref<8x131072xf32, #tpu.memory_space<any>>
      tpu.enqueue_dma source(%dma_start3A_43 : memref<8x131072xf32, #tpu.memory_space<any>>) target(%dma_start3A_41 : memref<8x131072xf32, #tpu.memory_space<vmem>>) target_semaphore(%arg8 : memref<!tpu.dma_semaphore, #tpu.memory_space<semaphore_mem>>)
    } else {
    }
    %ge3A = arith.constant 1 : i32
    %ge3A_2 = arith.cmpi sge, %arg1, %ge3A : i32
    %convert_element_type3A_3 = arith.extui %ge3A_2 : i1 to i32
    %cond3A_4 = arith.constant 0 : i32
    %cond3A_5 = arith.cmpi ne, %convert_element_type3A_3, %cond3A_4 : i32
    scf.if %cond3A_5 {
      %dma_wait3A = arith.constant 0 : i32
      %dma_wait3A_28 = arith.constant 0 : i32
      %dma_wait3A_29 = arith.constant 0 : i32
      %dma_wait3A_30 = tpu.memref_slice %arg4[%dma_wait3A_29] : memref<64028672xf32, #tpu.memory_space<any>> -> memref<131072xf32, #tpu.memory_space<any>>
      %dma_wait3A_31 = arith.constant 0 : i32
      %dma_wait3A_32 = arith.constant 0 : i32
      %dma_wait3A_33 = tpu.memref_slice %arg5[%dma_wait3A, %dma_wait3A_31, %dma_wait3A_32] : memref<3x8x131072xf32, #tpu.memory_space<vmem>> -> memref<1x8x131072xf32, #tpu.memory_space<vmem>>
      %dma_wait3A_34 = tpu.memref_squeeze %dma_wait3A_33 : memref<1x8x131072xf32, #tpu.memory_space<vmem>> -> memref<8x131072xf32, #tpu.memory_space<vmem>>
      %dma_wait3A_35 = arith.constant 0 : i32
      %dma_wait3A_36 = tpu.memref_slice %dma_wait3A_34[%dma_wait3A_28, %dma_wait3A_35] : memref<8x131072xf32, #tpu.memory_space<vmem>> -> memref<1x131072xf32, #tpu.memory_space<vmem>>
      %dma_wait3A_37 = tpu.memref_squeeze %dma_wait3A_36 : memref<1x131072xf32, #tpu.memory_space<vmem>> -> memref<131072xf32, #tpu.memory_space<vmem>>
      tpu.wait_dma2 semaphore(%arg9 : memref<!tpu.dma_semaphore, #tpu.memory_space<semaphore_mem>>) src(%dma_wait3A_37 : memref<131072xf32, #tpu.memory_space<vmem>>) dst(%dma_wait3A_30 : memref<131072xf32, #tpu.memory_space<any>>)
      %dma_wait3A_38 = arith.constant 0 : i32
      %dma_wait3A_39 = arith.constant 1 : i32
      %dma_wait3A_40 = arith.constant 0 : i32
      %dma_wait3A_41 = tpu.memref_slice %arg4[%dma_wait3A_40] : memref<64028672xf32, #tpu.memory_space<any>> -> memref<131072xf32, #tpu.memory_space<any>>
      %dma_wait3A_42 = arith.constant 0 : i32
      %dma_wait3A_43 = arith.constant 0 : i32
      %dma_wait3A_44 = tpu.memref_slice %arg5[%dma_wait3A_38, %dma_wait3A_42, %dma_wait3A_43] : memref<3x8x131072xf32, #tpu.memory_space<vmem>> -> memref<1x8x131072xf32, #tpu.memory_space<vmem>>
      %dma_wait3A_45 = tpu.memref_squeeze %dma_wait3A_44 : memref<1x8x131072xf32, #tpu.memory_space<vmem>> -> memref<8x131072xf32, #tpu.memory_space<vmem>>
      %dma_wait3A_46 = arith.constant 0 : i32
      %dma_wait3A_47 = tpu.memref_slice %dma_wait3A_45[%dma_wait3A_39, %dma_wait3A_46] : memref<8x131072xf32, #tpu.memory_space<vmem>> -> memref<1x131072xf32, #tpu.memory_space<vmem>>
      %dma_wait3A_48 = tpu.memref_squeeze %dma_wait3A_47 : memref<1x131072xf32, #tpu.memory_space<vmem>> -> memref<131072xf32, #tpu.memory_space<vmem>>
      tpu.wait_dma2 semaphore(%arg9 : memref<!tpu.dma_semaphore, #tpu.memory_space<semaphore_mem>>) src(%dma_wait3A_48 : memref<131072xf32, #tpu.memory_space<vmem>>) dst(%dma_wait3A_41 : memref<131072xf32, #tpu.memory_space<any>>)
      %dma_wait3A_49 = arith.constant 0 : i32
      %dma_wait3A_50 = arith.constant 2 : i32
      %dma_wait3A_51 = arith.constant 0 : i32
      %dma_wait3A_52 = tpu.memref_slice %arg4[%dma_wait3A_51] : memref<64028672xf32, #tpu.memory_space<any>> -> memref<131072xf32, #tpu.memory_space<any>>
      %dma_wait3A_53 = arith.constant 0 : i32
      %dma_wait3A_54 = arith.constant 0 : i32
      %dma_wait3A_55 = tpu.memref_slice %arg5[%dma_wait3A_49, %dma_wait3A_53, %dma_wait3A_54] : memref<3x8x131072xf32, #tpu.memory_space<vmem>> -> memref<1x8x131072xf32, #tpu.memory_space<vmem>>
      %dma_wait3A_56 = tpu.memref_squeeze %dma_wait3A_55 : memref<1x8x131072xf32, #tpu.memory_space<vmem>> -> memref<8x131072xf32, #tpu.memory_space<vmem>>
      %dma_wait3A_57 = arith.constant 0 : i32
      %dma_wait3A_58 = tpu.memref_slice %dma_wait3A_56[%dma_wait3A_50, %dma_wait3A_57] : memref<8x131072xf32, #tpu.memory_space<vmem>> -> memref<1x131072xf32, #tpu.memory_space<vmem>>
      %dma_wait3A_59 = tpu.memref_squeeze %dma_wait3A_58 : memref<1x131072xf32, #tpu.memory_space<vmem>> -> memref<131072xf32, #tpu.memory_space<vmem>>
      tpu.wait_dma2 semaphore(%arg9 : memref<!tpu.dma_semaphore, #tpu.memory_space<semaphore_mem>>) src(%dma_wait3A_59 : memref<131072xf32, #tpu.memory_space<vmem>>) dst(%dma_wait3A_52 : memref<131072xf32, #tpu.memory_space<any>>)
      %dma_wait3A_60 = arith.constant 0 : i32
      %dma_wait3A_61 = arith.constant 3 : i32
      %dma_wait3A_62 = arith.constant 0 : i32
      %dma_wait3A_63 = tpu.memref_slice %arg4[%dma_wait3A_62] : memref<64028672xf32, #tpu.memory_space<any>> -> memref<131072xf32, #tpu.memory_space<any>>
      %dma_wait3A_64 = arith.constant 0 : i32
      %dma_wait3A_65 = arith.constant 0 : i32
      %dma_wait3A_66 = tpu.memref_slice %arg5[%dma_wait3A_60, %dma_wait3A_64, %dma_wait3A_65] : memref<3x8x131072xf32, #tpu.memory_space<vmem>> -> memref<1x8x131072xf32, #tpu.memory_space<vmem>>
      %dma_wait3A_67 = tpu.memref_squeeze %dma_wait3A_66 : memref<1x8x131072xf32, #tpu.memory_space<vmem>> -> memref<8x131072xf32, #tpu.memory_space<vmem>>
      %dma_wait3A_68 = arith.constant 0 : i32
      %dma_wait3A_69 = tpu.memref_slice %dma_wait3A_67[%dma_wait3A_61, %dma_wait3A_68] : memref<8x131072xf32, #tpu.memory_space<vmem>> -> memref<1x131072xf32, #tpu.memory_space<vmem>>
      %dma_wait3A_70 = tpu.memref_squeeze %dma_wait3A_69 : memref<1x131072xf32, #tpu.memory_space<vmem>> -> memref<131072xf32, #tpu.memory_space<vmem>>
      tpu.wait_dma2 semaphore(%arg9 : memref<!tpu.dma_semaphore, #tpu.memory_space<semaphore_mem>>) src(%dma_wait3A_70 : memref<131072xf32, #tpu.memory_space<vmem>>) dst(%dma_wait3A_63 : memref<131072xf32, #tpu.memory_space<any>>)
      %dma_wait3A_71 = arith.constant 0 : i32
      %dma_wait3A_72 = arith.constant 4 : i32
      %dma_wait3A_73 = arith.constant 0 : i32
      %dma_wait3A_74 = tpu.memref_slice %arg4[%dma_wait3A_73] : memref<64028672xf32, #tpu.memory_space<any>> -> memref<131072xf32, #tpu.memory_space<any>>
      %dma_wait3A_75 = arith.constant 0 : i32
      %dma_wait3A_76 = arith.constant 0 : i32
      %dma_wait3A_77 = tpu.memref_slice %arg5[%dma_wait3A_71, %dma_wait3A_75, %dma_wait3A_76] : memref<3x8x131072xf32, #tpu.memory_space<vmem>> -> memref<1x8x131072xf32, #tpu.memory_space<vmem>>
      %dma_wait3A_78 = tpu.memref_squeeze %dma_wait3A_77 : memref<1x8x131072xf32, #tpu.memory_space<vmem>> -> memref<8x131072xf32, #tpu.memory_space<vmem>>
      %dma_wait3A_79 = arith.constant 0 : i32
      %dma_wait3A_80 = tpu.memref_slice %dma_wait3A_78[%dma_wait3A_72, %dma_wait3A_79] : memref<8x131072xf32, #tpu.memory_space<vmem>> -> memref<1x131072xf32, #tpu.memory_space<vmem>>
      %dma_wait3A_81 = tpu.memref_squeeze %dma_wait3A_80 : memref<1x131072xf32, #tpu.memory_space<vmem>> -> memref<131072xf32, #tpu.memory_space<vmem>>
      tpu.wait_dma2 semaphore(%arg9 : memref<!tpu.dma_semaphore, #tpu.memory_space<semaphore_mem>>) src(%dma_wait3A_81 : memref<131072xf32, #tpu.memory_space<vmem>>) dst(%dma_wait3A_74 : memref<131072xf32, #tpu.memory_space<any>>)
      %dma_wait3A_82 = arith.constant 0 : i32
      %dma_wait3A_83 = arith.constant 5 : i32
      %dma_wait3A_84 = arith.constant 0 : i32
      %dma_wait3A_85 = tpu.memref_slice %arg4[%dma_wait3A_84] : memref<64028672xf32, #tpu.memory_space<any>> -> memref<131072xf32, #tpu.memory_space<any>>
      %dma_wait3A_86 = arith.constant 0 : i32
      %dma_wait3A_87 = arith.constant 0 : i32
      %dma_wait3A_88 = tpu.memref_slice %arg5[%dma_wait3A_82, %dma_wait3A_86, %dma_wait3A_87] : memref<3x8x131072xf32, #tpu.memory_space<vmem>> -> memref<1x8x131072xf32, #tpu.memory_space<vmem>>
      %dma_wait3A_89 = tpu.memref_squeeze %dma_wait3A_88 : memref<1x8x131072xf32, #tpu.memory_space<vmem>> -> memref<8x131072xf32, #tpu.memory_space<vmem>>
      %dma_wait3A_90 = arith.constant 0 : i32
      %dma_wait3A_91 = tpu.memref_slice %dma_wait3A_89[%dma_wait3A_83, %dma_wait3A_90] : memref<8x131072xf32, #tpu.memory_space<vmem>> -> memref<1x131072xf32, #tpu.memory_space<vmem>>
      %dma_wait3A_92 = tpu.memref_squeeze %dma_wait3A_91 : memref<1x131072xf32, #tpu.memory_space<vmem>> -> memref<131072xf32, #tpu.memory_space<vmem>>
      tpu.wait_dma2 semaphore(%arg9 : memref<!tpu.dma_semaphore, #tpu.memory_space<semaphore_mem>>) src(%dma_wait3A_92 : memref<131072xf32, #tpu.memory_space<vmem>>) dst(%dma_wait3A_85 : memref<131072xf32, #tpu.memory_space<any>>)
      %dma_wait3A_93 = arith.constant 0 : i32
      %dma_wait3A_94 = arith.constant 6 : i32
      %dma_wait3A_95 = arith.constant 0 : i32
      %dma_wait3A_96 = tpu.memref_slice %arg4[%dma_wait3A_95] : memref<64028672xf32, #tpu.memory_space<any>> -> memref<131072xf32, #tpu.memory_space<any>>
      %dma_wait3A_97 = arith.constant 0 : i32
      %dma_wait3A_98 = arith.constant 0 : i32
      %dma_wait3A_99 = tpu.memref_slice %arg5[%dma_wait3A_93, %dma_wait3A_97, %dma_wait3A_98] : memref<3x8x131072xf32, #tpu.memory_space<vmem>> -> memref<1x8x131072xf32, #tpu.memory_space<vmem>>
      %dma_wait3A_100 = tpu.memref_squeeze %dma_wait3A_99 : memref<1x8x131072xf32, #tpu.memory_space<vmem>> -> memref<8x131072xf32, #tpu.memory_space<vmem>>
      %dma_wait3A_101 = arith.constant 0 : i32
      %dma_wait3A_102 = tpu.memref_slice %dma_wait3A_100[%dma_wait3A_94, %dma_wait3A_101] : memref<8x131072xf32, #tpu.memory_space<vmem>> -> memref<1x131072xf32, #tpu.memory_space<vmem>>
      %dma_wait3A_103 = tpu.memref_squeeze %dma_wait3A_102 : memref<1x131072xf32, #tpu.memory_space<vmem>> -> memref<131072xf32, #tpu.memory_space<vmem>>
      tpu.wait_dma2 semaphore(%arg9 : memref<!tpu.dma_semaphore, #tpu.memory_space<semaphore_mem>>) src(%dma_wait3A_103 : memref<131072xf32, #tpu.memory_space<vmem>>) dst(%dma_wait3A_96 : memref<131072xf32, #tpu.memory_space<any>>)
      %dma_wait3A_104 = arith.constant 0 : i32
      %dma_wait3A_105 = arith.constant 7 : i32
      %dma_wait3A_106 = arith.constant 0 : i32
      %dma_wait3A_107 = tpu.memref_slice %arg4[%dma_wait3A_106] : memref<64028672xf32, #tpu.memory_space<any>> -> memref<131072xf32, #tpu.memory_space<any>>
      %dma_wait3A_108 = arith.constant 0 : i32
      %dma_wait3A_109 = arith.constant 0 : i32
      %dma_wait3A_110 = tpu.memref_slice %arg5[%dma_wait3A_104, %dma_wait3A_108, %dma_wait3A_109] : memref<3x8x131072xf32, #tpu.memory_space<vmem>> -> memref<1x8x131072xf32, #tpu.memory_space<vmem>>
      %dma_wait3A_111 = tpu.memref_squeeze %dma_wait3A_110 : memref<1x8x131072xf32, #tpu.memory_space<vmem>> -> memref<8x131072xf32, #tpu.memory_space<vmem>>
      %dma_wait3A_112 = arith.constant 0 : i32
      %dma_wait3A_113 = tpu.memref_slice %dma_wait3A_111[%dma_wait3A_105, %dma_wait3A_112] : memref<8x131072xf32, #tpu.memory_space<vmem>> -> memref<1x131072xf32, #tpu.memory_space<vmem>>
      %dma_wait3A_114 = tpu.memref_squeeze %dma_wait3A_113 : memref<1x131072xf32, #tpu.memory_space<vmem>> -> memref<131072xf32, #tpu.memory_space<vmem>>
      tpu.wait_dma2 semaphore(%arg9 : memref<!tpu.dma_semaphore, #tpu.memory_space<semaphore_mem>>) src(%dma_wait3A_114 : memref<131072xf32, #tpu.memory_space<vmem>>) dst(%dma_wait3A_107 : memref<131072xf32, #tpu.memory_space<any>>)
    } else {
    }
    %add3A = arith.constant 2 : i32
    %add3A_6 = arith.addi %arg1, %add3A : i32
    %lt3A = arith.constant 7 : i32
    %lt3A_7 = arith.cmpi slt, %add3A_6, %lt3A : i32
    %convert_element_type3A_8 = arith.extui %lt3A_7 : i1 to i32
    %cond3A_9 = arith.constant 0 : i32
    %cond3A_10 = arith.cmpi ne, %convert_element_type3A_8, %cond3A_9 : i32
    scf.if %cond3A_10 {
      %add3A_28 = arith.constant 2 : i32
      %add3A_29 = arith.addi %arg1, %add3A_28 : i32
      %add3A_30 = arith.constant 2 : i32
      %add3A_31 = arith.addi %arg1, %add3A_30 : i32
      %jit3A = arith.constant 3 : i32
      %eq3A_32 = arith.constant 0 : i32
      %eq3A_33 = arith.cmpi eq, %jit3A, %eq3A_32 : i32
      %jit3A_34 = arith.constant 1 : i32
      %select_n3A = arith.select %eq3A_33, %jit3A_34, %jit3A : i32
      %rem3A = arith.remsi %add3A_31, %select_n3A : i32
      %ne3A = arith.constant 0 : i32
      %ne3A_35 = arith.cmpi ne, %rem3A, %ne3A : i32
      %lt3A_36 = arith.constant 0 : i32
      %lt3A_37 = arith.cmpi slt, %rem3A, %lt3A_36 : i32
      %lt3A_38 = arith.constant 0 : i32
      %lt3A_39 = arith.cmpi slt, %select_n3A, %lt3A_38 : i32
      %ne3A_40 = arith.xori %lt3A_37, %lt3A_39 : i1
      %and3A = arith.andi %ne3A_40, %ne3A_35 : i1
      %add3A_41 = arith.addi %rem3A, %select_n3A : i32
      %select_n3A_42 = arith.select %and3A, %add3A_41, %rem3A : i32
      %mul3A = arith.constant 8 : i32
      %mul3A_43 = arith.muli %arg0, %mul3A : i32
      %mul3A_44 = arith.constant 131072 : i32
      %mul3A_45 = arith.muli %add3A_29, %mul3A_44 : i32
      %dma_start3A = arith.constant 0 : i32
      %dma_start3A_46 = arith.constant 0 : i32
      %dma_start3A_47 = tpu.memref_slice %arg5[%select_n3A_42, %dma_start3A, %dma_start3A_46] : memref<3x8x131072xf32, #tpu.memory_space<vmem>> -> memref<1x8x131072xf32, #tpu.memory_space<vmem>>
      %dma_start3A_48 = tpu.memref_squeeze %dma_start3A_47 : memref<1x8x131072xf32, #tpu.memory_space<vmem>> -> memref<8x131072xf32, #tpu.memory_space<vmem>>
      %dma_start3A_49 = tpu.memref_slice %arg2[%mul3A_43, %mul3A_45] : memref<64x1000000xf32, #tpu.memory_space<any>> -> memref<8x131072xf32, #tpu.memory_space<any>>
      tpu.enqueue_dma source(%dma_start3A_49 : memref<8x131072xf32, #tpu.memory_space<any>>) target(%dma_start3A_48 : memref<8x131072xf32, #tpu.memory_space<vmem>>) target_semaphore(%arg8 : memref<!tpu.dma_semaphore, #tpu.memory_space<semaphore_mem>>)
    } else {
    }
    %add3A_11 = arith.constant 1 : i32
    %add3A_12 = arith.addi %arg1, %add3A_11 : i32
    %eq3A_13 = arith.constant 7 : i32
    %eq3A_14 = arith.cmpi eq, %add3A_12, %eq3A_13 : i32
    %convert_element_type3A_15 = arith.extui %eq3A_14 : i1 to i32
    %cond3A_16 = arith.constant 0 : i32
    %cond3A_17 = arith.cmpi ne, %convert_element_type3A_15, %cond3A_16 : i32
    scf.if %cond3A_17 {
      %mul3A = arith.constant 8 : i32
      %mul3A_28 = arith.muli %arg0, %mul3A : i32
      %dma_start3A = arith.constant 0 : i32
      %dma_start3A_29 = arith.constant 0 : i32
      %dma_start3A_30 = tpu.memref_slice %arg7[%dma_start3A, %dma_start3A_29] : memref<8x82944xf32, #tpu.memory_space<vmem>> -> memref<8x82432xf32, #tpu.memory_space<vmem>>
      %dma_start3A_31 = arith.constant 917504 : i32
      %dma_start3A_32 = tpu.memref_slice %arg2[%mul3A_28, %dma_start3A_31] : memref<64x1000000xf32, #tpu.memory_space<any>> -> memref<8x82432xf32, #tpu.memory_space<any>>
      tpu.enqueue_dma source(%dma_start3A_32 : memref<8x82432xf32, #tpu.memory_space<any>>) target(%dma_start3A_30 : memref<8x82432xf32, #tpu.memory_space<vmem>>) target_semaphore(%arg8 : memref<!tpu.dma_semaphore, #tpu.memory_space<semaphore_mem>>)
      %mul3A_33 = arith.constant 8 : i32
      %mul3A_34 = arith.muli %arg0, %mul3A_33 : i32
      %dma_start3A_35 = arith.constant 0 : i32
      %dma_start3A_36 = tpu.memref_slice %arg3[%mul3A_34, %dma_start3A_35] : memref<64x64xf32, #tpu.memory_space<any>> -> memref<8x64xf32, #tpu.memory_space<any>>
      tpu.enqueue_dma source(%dma_start3A_36 : memref<8x64xf32, #tpu.memory_space<any>>) target(%arg6 : memref<8x64xf32, #tpu.memory_space<vmem>>) target_semaphore(%arg8 : memref<!tpu.dma_semaphore, #tpu.memory_space<semaphore_mem>>)
    } else {
    }
    %lt3A_18 = arith.constant 7 : i32
    %lt3A_19 = arith.cmpi slt, %arg1, %lt3A_18 : i32
    %convert_element_type3A_20 = arith.extui %lt3A_19 : i1 to i32
    %cond3A_21 = arith.constant 0 : i32
    %cond3A_22 = arith.cmpi ne, %convert_element_type3A_20, %cond3A_21 : i32
    scf.if %cond3A_22 {
      %jit3A = arith.constant 3 : i32
      %eq3A_28 = arith.constant 0 : i32
      %eq3A_29 = arith.cmpi eq, %jit3A, %eq3A_28 : i32
      %jit3A_30 = arith.constant 1 : i32
      %select_n3A = arith.select %eq3A_29, %jit3A_30, %jit3A : i32
      %rem3A = arith.remsi %arg1, %select_n3A : i32
      %ne3A = arith.constant 0 : i32
      %ne3A_31 = arith.cmpi ne, %rem3A, %ne3A : i32
      %lt3A_32 = arith.constant 0 : i32
      %lt3A_33 = arith.cmpi slt, %rem3A, %lt3A_32 : i32
      %lt3A_34 = arith.constant 0 : i32
      %lt3A_35 = arith.cmpi slt, %select_n3A, %lt3A_34 : i32
      %ne3A_36 = arith.xori %lt3A_33, %lt3A_35 : i1
      %and3A = arith.andi %ne3A_36, %ne3A_31 : i1
      %add3A_37 = arith.addi %rem3A, %select_n3A : i32
      %select_n3A_38 = arith.select %and3A, %add3A_37, %rem3A : i32
      %mul3A = arith.constant 8 : i32
      %mul3A_39 = arith.muli %arg0, %mul3A : i32
      %mul3A_40 = arith.constant 131072 : i32
      %mul3A_41 = arith.muli %arg1, %mul3A_40 : i32
      %dma_wait3A = arith.constant 0 : i32
      %dma_wait3A_42 = arith.constant 0 : i32
      %dma_wait3A_43 = tpu.memref_slice %arg5[%select_n3A_38, %dma_wait3A, %dma_wait3A_42] : memref<3x8x131072xf32, #tpu.memory_space<vmem>> -> memref<1x8x131072xf32, #tpu.memory_space<vmem>>
      %dma_wait3A_44 = tpu.memref_squeeze %dma_wait3A_43 : memref<1x8x131072xf32, #tpu.memory_space<vmem>> -> memref<8x131072xf32, #tpu.memory_space<vmem>>
      %dma_wait3A_45 = tpu.memref_slice %arg2[%mul3A_39, %mul3A_41] : memref<64x1000000xf32, #tpu.memory_space<any>> -> memref<8x131072xf32, #tpu.memory_space<any>>
      tpu.wait_dma2 semaphore(%arg8 : memref<!tpu.dma_semaphore, #tpu.memory_space<semaphore_mem>>) src(%dma_wait3A_45 : memref<8x131072xf32, #tpu.memory_space<any>>) dst(%dma_wait3A_44 : memref<8x131072xf32, #tpu.memory_space<vmem>>)
      %mul3A_46 = arith.constant 8 : i32
      %mul3A_47 = arith.muli %arg0, %mul3A_46 : i32
      %add3A_48 = arith.constant 0 : i32
      %add3A_49 = arith.addi %mul3A_47, %add3A_48 : i32
      %mul3A_50 = arith.constant 1000448 : i32
      %mul3A_51 = arith.muli %add3A_49, %mul3A_50 : i32
      %mul3A_52 = arith.constant 131072 : i32
      %mul3A_53 = arith.muli %arg1, %mul3A_52 : i32
      %add3A_54 = arith.addi %mul3A_51, %mul3A_53 : i32
      %dma_start3A = arith.constant 0 : i32
      %dma_start3A_55 = tpu.memref_slice %arg4[%add3A_54] : memref<64028672xf32, #tpu.memory_space<any>> -> memref<131072xf32, #tpu.memory_space<any>>
      %dma_start3A_56 = arith.constant 0 : i32
      %dma_start3A_57 = arith.constant 0 : i32
      %dma_start3A_58 = tpu.memref_slice %arg5[%select_n3A_38, %dma_start3A_56, %dma_start3A_57] : memref<3x8x131072xf32, #tpu.memory_space<vmem>> -> memref<1x8x131072xf32, #tpu.memory_space<vmem>>
      %dma_start3A_59 = tpu.memref_squeeze %dma_start3A_58 : memref<1x8x131072xf32, #tpu.memory_space<vmem>> -> memref<8x131072xf32, #tpu.memory_space<vmem>>
      %dma_start3A_60 = arith.constant 0 : i32
      %dma_start3A_61 = tpu.memref_slice %dma_start3A_59[%dma_start3A, %dma_start3A_60] : memref<8x131072xf32, #tpu.memory_space<vmem>> -> memref<1x131072xf32, #tpu.memory_space<vmem>>
      %dma_start3A_62 = tpu.memref_squeeze %dma_start3A_61 : memref<1x131072xf32, #tpu.memory_space<vmem>> -> memref<131072xf32, #tpu.memory_space<vmem>>
      tpu.enqueue_dma source(%dma_start3A_62 : memref<131072xf32, #tpu.memory_space<vmem>>) target(%dma_start3A_55 : memref<131072xf32, #tpu.memory_space<any>>) target_semaphore(%arg9 : memref<!tpu.dma_semaphore, #tpu.memory_space<semaphore_mem>>)
      %mul3A_63 = arith.constant 8 : i32
      %mul3A_64 = arith.muli %arg0, %mul3A_63 : i32
      %add3A_65 = arith.constant 1 : i32
      %add3A_66 = arith.addi %mul3A_64, %add3A_65 : i32
      %mul3A_67 = arith.constant 1000448 : i32
      %mul3A_68 = arith.muli %add3A_66, %mul3A_67 : i32
      %mul3A_69 = arith.constant 131072 : i32
      %mul3A_70 = arith.muli %arg1, %mul3A_69 : i32
      %add3A_71 = arith.addi %mul3A_68, %mul3A_70 : i32
      %dma_start3A_72 = arith.constant 1 : i32
      %dma_start3A_73 = tpu.memref_slice %arg4[%add3A_71] : memref<64028672xf32, #tpu.memory_space<any>> -> memref<131072xf32, #tpu.memory_space<any>>
      %dma_start3A_74 = arith.constant 0 : i32
      %dma_start3A_75 = arith.constant 0 : i32
      %dma_start3A_76 = tpu.memref_slice %arg5[%select_n3A_38, %dma_start3A_74, %dma_start3A_75] : memref<3x8x131072xf32, #tpu.memory_space<vmem>> -> memref<1x8x131072xf32, #tpu.memory_space<vmem>>
      %dma_start3A_77 = tpu.memref_squeeze %dma_start3A_76 : memref<1x8x131072xf32, #tpu.memory_space<vmem>> -> memref<8x131072xf32, #tpu.memory_space<vmem>>
      %dma_start3A_78 = arith.constant 0 : i32
      %dma_start3A_79 = tpu.memref_slice %dma_start3A_77[%dma_start3A_72, %dma_start3A_78] : memref<8x131072xf32, #tpu.memory_space<vmem>> -> memref<1x131072xf32, #tpu.memory_space<vmem>>
      %dma_start3A_80 = tpu.memref_squeeze %dma_start3A_79 : memref<1x131072xf32, #tpu.memory_space<vmem>> -> memref<131072xf32, #tpu.memory_space<vmem>>
      tpu.enqueue_dma source(%dma_start3A_80 : memref<131072xf32, #tpu.memory_space<vmem>>) target(%dma_start3A_73 : memref<131072xf32, #tpu.memory_space<any>>) target_semaphore(%arg9 : memref<!tpu.dma_semaphore, #tpu.memory_space<semaphore_mem>>)
      %mul3A_81 = arith.constant 8 : i32
      %mul3A_82 = arith.muli %arg0, %mul3A_81 : i32
      %add3A_83 = arith.constant 2 : i32
      %add3A_84 = arith.addi %mul3A_82, %add3A_83 : i32
      %mul3A_85 = arith.constant 1000448 : i32
      %mul3A_86 = arith.muli %add3A_84, %mul3A_85 : i32
      %mul3A_87 = arith.constant 131072 : i32
      %mul3A_88 = arith.muli %arg1, %mul3A_87 : i32
      %add3A_89 = arith.addi %mul3A_86, %mul3A_88 : i32
      %dma_start3A_90 = arith.constant 2 : i32
      %dma_start3A_91 = tpu.memref_slice %arg4[%add3A_89] : memref<64028672xf32, #tpu.memory_space<any>> -> memref<131072xf32, #tpu.memory_space<any>>
      %dma_start3A_92 = arith.constant 0 : i32
      %dma_start3A_93 = arith.constant 0 : i32
      %dma_start3A_94 = tpu.memref_slice %arg5[%select_n3A_38, %dma_start3A_92, %dma_start3A_93] : memref<3x8x131072xf32, #tpu.memory_space<vmem>> -> memref<1x8x131072xf32, #tpu.memory_space<vmem>>
      %dma_start3A_95 = tpu.memref_squeeze %dma_start3A_94 : memref<1x8x131072xf32, #tpu.memory_space<vmem>> -> memref<8x131072xf32, #tpu.memory_space<vmem>>
      %dma_start3A_96 = arith.constant 0 : i32
      %dma_start3A_97 = tpu.memref_slice %dma_start3A_95[%dma_start3A_90, %dma_start3A_96] : memref<8x131072xf32, #tpu.memory_space<vmem>> -> memref<1x131072xf32, #tpu.memory_space<vmem>>
      %dma_start3A_98 = tpu.memref_squeeze %dma_start3A_97 : memref<1x131072xf32, #tpu.memory_space<vmem>> -> memref<131072xf32, #tpu.memory_space<vmem>>
      tpu.enqueue_dma source(%dma_start3A_98 : memref<131072xf32, #tpu.memory_space<vmem>>) target(%dma_start3A_91 : memref<131072xf32, #tpu.memory_space<any>>) target_semaphore(%arg9 : memref<!tpu.dma_semaphore, #tpu.memory_space<semaphore_mem>>)
      %mul3A_99 = arith.constant 8 : i32
      %mul3A_100 = arith.muli %arg0, %mul3A_99 : i32
      %add3A_101 = arith.constant 3 : i32
      %add3A_102 = arith.addi %mul3A_100, %add3A_101 : i32
      %mul3A_103 = arith.constant 1000448 : i32
      %mul3A_104 = arith.muli %add3A_102, %mul3A_103 : i32
      %mul3A_105 = arith.constant 131072 : i32
      %mul3A_106 = arith.muli %arg1, %mul3A_105 : i32
      %add3A_107 = arith.addi %mul3A_104, %mul3A_106 : i32
      %dma_start3A_108 = arith.constant 3 : i32
      %dma_start3A_109 = tpu.memref_slice %arg4[%add3A_107] : memref<64028672xf32, #tpu.memory_space<any>> -> memref<131072xf32, #tpu.memory_space<any>>
      %dma_start3A_110 = arith.constant 0 : i32
      %dma_start3A_111 = arith.constant 0 : i32
      %dma_start3A_112 = tpu.memref_slice %arg5[%select_n3A_38, %dma_start3A_110, %dma_start3A_111] : memref<3x8x131072xf32, #tpu.memory_space<vmem>> -> memref<1x8x131072xf32, #tpu.memory_space<vmem>>
      %dma_start3A_113 = tpu.memref_squeeze %dma_start3A_112 : memref<1x8x131072xf32, #tpu.memory_space<vmem>> -> memref<8x131072xf32, #tpu.memory_space<vmem>>
      %dma_start3A_114 = arith.constant 0 : i32
      %dma_start3A_115 = tpu.memref_slice %dma_start3A_113[%dma_start3A_108, %dma_start3A_114] : memref<8x131072xf32, #tpu.memory_space<vmem>> -> memref<1x131072xf32, #tpu.memory_space<vmem>>
      %dma_start3A_116 = tpu.memref_squeeze %dma_start3A_115 : memref<1x131072xf32, #tpu.memory_space<vmem>> -> memref<131072xf32, #tpu.memory_space<vmem>>
      tpu.enqueue_dma source(%dma_start3A_116 : memref<131072xf32, #tpu.memory_space<vmem>>) target(%dma_start3A_109 : memref<131072xf32, #tpu.memory_space<any>>) target_semaphore(%arg9 : memref<!tpu.dma_semaphore, #tpu.memory_space<semaphore_mem>>)
      %mul3A_117 = arith.constant 8 : i32
      %mul3A_118 = arith.muli %arg0, %mul3A_117 : i32
      %add3A_119 = arith.constant 4 : i32
      %add3A_120 = arith.addi %mul3A_118, %add3A_119 : i32
      %mul3A_121 = arith.constant 1000448 : i32
      %mul3A_122 = arith.muli %add3A_120, %mul3A_121 : i32
      %mul3A_123 = arith.constant 131072 : i32
      %mul3A_124 = arith.muli %arg1, %mul3A_123 : i32
      %add3A_125 = arith.addi %mul3A_122, %mul3A_124 : i32
      %dma_start3A_126 = arith.constant 4 : i32
      %dma_start3A_127 = tpu.memref_slice %arg4[%add3A_125] : memref<64028672xf32, #tpu.memory_space<any>> -> memref<131072xf32, #tpu.memory_space<any>>
      %dma_start3A_128 = arith.constant 0 : i32
      %dma_start3A_129 = arith.constant 0 : i32
      %dma_start3A_130 = tpu.memref_slice %arg5[%select_n3A_38, %dma_start3A_128, %dma_start3A_129] : memref<3x8x131072xf32, #tpu.memory_space<vmem>> -> memref<1x8x131072xf32, #tpu.memory_space<vmem>>
      %dma_start3A_131 = tpu.memref_squeeze %dma_start3A_130 : memref<1x8x131072xf32, #tpu.memory_space<vmem>> -> memref<8x131072xf32, #tpu.memory_space<vmem>>
      %dma_start3A_132 = arith.constant 0 : i32
      %dma_start3A_133 = tpu.memref_slice %dma_start3A_131[%dma_start3A_126, %dma_start3A_132] : memref<8x131072xf32, #tpu.memory_space<vmem>> -> memref<1x131072xf32, #tpu.memory_space<vmem>>
      %dma_start3A_134 = tpu.memref_squeeze %dma_start3A_133 : memref<1x131072xf32, #tpu.memory_space<vmem>> -> memref<131072xf32, #tpu.memory_space<vmem>>
      tpu.enqueue_dma source(%dma_start3A_134 : memref<131072xf32, #tpu.memory_space<vmem>>) target(%dma_start3A_127 : memref<131072xf32, #tpu.memory_space<any>>) target_semaphore(%arg9 : memref<!tpu.dma_semaphore, #tpu.memory_space<semaphore_mem>>)
      %mul3A_135 = arith.constant 8 : i32
      %mul3A_136 = arith.muli %arg0, %mul3A_135 : i32
      %add3A_137 = arith.constant 5 : i32
      %add3A_138 = arith.addi %mul3A_136, %add3A_137 : i32
      %mul3A_139 = arith.constant 1000448 : i32
      %mul3A_140 = arith.muli %add3A_138, %mul3A_139 : i32
      %mul3A_141 = arith.constant 131072 : i32
      %mul3A_142 = arith.muli %arg1, %mul3A_141 : i32
      %add3A_143 = arith.addi %mul3A_140, %mul3A_142 : i32
      %dma_start3A_144 = arith.constant 5 : i32
      %dma_start3A_145 = tpu.memref_slice %arg4[%add3A_143] : memref<64028672xf32, #tpu.memory_space<any>> -> memref<131072xf32, #tpu.memory_space<any>>
      %dma_start3A_146 = arith.constant 0 : i32
      %dma_start3A_147 = arith.constant 0 : i32
      %dma_start3A_148 = tpu.memref_slice %arg5[%select_n3A_38, %dma_start3A_146, %dma_start3A_147] : memref<3x8x131072xf32, #tpu.memory_space<vmem>> -> memref<1x8x131072xf32, #tpu.memory_space<vmem>>
      %dma_start3A_149 = tpu.memref_squeeze %dma_start3A_148 : memref<1x8x131072xf32, #tpu.memory_space<vmem>> -> memref<8x131072xf32, #tpu.memory_space<vmem>>
      %dma_start3A_150 = arith.constant 0 : i32
      %dma_start3A_151 = tpu.memref_slice %dma_start3A_149[%dma_start3A_144, %dma_start3A_150] : memref<8x131072xf32, #tpu.memory_space<vmem>> -> memref<1x131072xf32, #tpu.memory_space<vmem>>
      %dma_start3A_152 = tpu.memref_squeeze %dma_start3A_151 : memref<1x131072xf32, #tpu.memory_space<vmem>> -> memref<131072xf32, #tpu.memory_space<vmem>>
      tpu.enqueue_dma source(%dma_start3A_152 : memref<131072xf32, #tpu.memory_space<vmem>>) target(%dma_start3A_145 : memref<131072xf32, #tpu.memory_space<any>>) target_semaphore(%arg9 : memref<!tpu.dma_semaphore, #tpu.memory_space<semaphore_mem>>)
      %mul3A_153 = arith.constant 8 : i32
      %mul3A_154 = arith.muli %arg0, %mul3A_153 : i32
      %add3A_155 = arith.constant 6 : i32
      %add3A_156 = arith.addi %mul3A_154, %add3A_155 : i32
      %mul3A_157 = arith.constant 1000448 : i32
      %mul3A_158 = arith.muli %add3A_156, %mul3A_157 : i32
      %mul3A_159 = arith.constant 131072 : i32
      %mul3A_160 = arith.muli %arg1, %mul3A_159 : i32
      %add3A_161 = arith.addi %mul3A_158, %mul3A_160 : i32
      %dma_start3A_162 = arith.constant 6 : i32
      %dma_start3A_163 = tpu.memref_slice %arg4[%add3A_161] : memref<64028672xf32, #tpu.memory_space<any>> -> memref<131072xf32, #tpu.memory_space<any>>
      %dma_start3A_164 = arith.constant 0 : i32
      %dma_start3A_165 = arith.constant 0 : i32
      %dma_start3A_166 = tpu.memref_slice %arg5[%select_n3A_38, %dma_start3A_164, %dma_start3A_165] : memref<3x8x131072xf32, #tpu.memory_space<vmem>> -> memref<1x8x131072xf32, #tpu.memory_space<vmem>>
      %dma_start3A_167 = tpu.memref_squeeze %dma_start3A_166 : memref<1x8x131072xf32, #tpu.memory_space<vmem>> -> memref<8x131072xf32, #tpu.memory_space<vmem>>
      %dma_start3A_168 = arith.constant 0 : i32
      %dma_start3A_169 = tpu.memref_slice %dma_start3A_167[%dma_start3A_162, %dma_start3A_168] : memref<8x131072xf32, #tpu.memory_space<vmem>> -> memref<1x131072xf32, #tpu.memory_space<vmem>>
      %dma_start3A_170 = tpu.memref_squeeze %dma_start3A_169 : memref<1x131072xf32, #tpu.memory_space<vmem>> -> memref<131072xf32, #tpu.memory_space<vmem>>
      tpu.enqueue_dma source(%dma_start3A_170 : memref<131072xf32, #tpu.memory_space<vmem>>) target(%dma_start3A_163 : memref<131072xf32, #tpu.memory_space<any>>) target_semaphore(%arg9 : memref<!tpu.dma_semaphore, #tpu.memory_space<semaphore_mem>>)
      %mul3A_171 = arith.constant 8 : i32
      %mul3A_172 = arith.muli %arg0, %mul3A_171 : i32
      %add3A_173 = arith.constant 7 : i32
      %add3A_174 = arith.addi %mul3A_172, %add3A_173 : i32
      %mul3A_175 = arith.constant 1000448 : i32
      %mul3A_176 = arith.muli %add3A_174, %mul3A_175 : i32
      %mul3A_177 = arith.constant 131072 : i32
      %mul3A_178 = arith.muli %arg1, %mul3A_177 : i32
      %add3A_179 = arith.addi %mul3A_176, %mul3A_178 : i32
      %dma_start3A_180 = arith.constant 7 : i32
      %dma_start3A_181 = tpu.memref_slice %arg4[%add3A_179] : memref<64028672xf32, #tpu.memory_space<any>> -> memref<131072xf32, #tpu.memory_space<any>>
      %dma_start3A_182 = arith.constant 0 : i32
      %dma_start3A_183 = arith.constant 0 : i32
      %dma_start3A_184 = tpu.memref_slice %arg5[%select_n3A_38, %dma_start3A_182, %dma_start3A_183] : memref<3x8x131072xf32, #tpu.memory_space<vmem>> -> memref<1x8x131072xf32, #tpu.memory_space<vmem>>
      %dma_start3A_185 = tpu.memref_squeeze %dma_start3A_184 : memref<1x8x131072xf32, #tpu.memory_space<vmem>> -> memref<8x131072xf32, #tpu.memory_space<vmem>>
      %dma_start3A_186 = arith.constant 0 : i32
      %dma_start3A_187 = tpu.memref_slice %dma_start3A_185[%dma_start3A_180, %dma_start3A_186] : memref<8x131072xf32, #tpu.memory_space<vmem>> -> memref<1x131072xf32, #tpu.memory_space<vmem>>
      %dma_start3A_188 = tpu.memref_squeeze %dma_start3A_187 : memref<1x131072xf32, #tpu.memory_space<vmem>> -> memref<131072xf32, #tpu.memory_space<vmem>>
      tpu.enqueue_dma source(%dma_start3A_188 : memref<131072xf32, #tpu.memory_space<vmem>>) target(%dma_start3A_181 : memref<131072xf32, #tpu.memory_space<any>>) target_semaphore(%arg9 : memref<!tpu.dma_semaphore, #tpu.memory_space<semaphore_mem>>)
    } else {
    }
    %eq3A_23 = arith.constant 7 : i32
    %eq3A_24 = arith.cmpi eq, %arg1, %eq3A_23 : i32
    %convert_element_type3A_25 = arith.extui %eq3A_24 : i1 to i32
    %cond3A_26 = arith.constant 0 : i32
    %cond3A_27 = arith.cmpi ne, %convert_element_type3A_25, %cond3A_26 : i32
    scf.if %cond3A_27 {
      %mul3A = arith.constant 8 : i32
      %mul3A_28 = arith.muli %arg0, %mul3A : i32
      %dma_wait3A = arith.constant 0 : i32
      %dma_wait3A_29 = arith.constant 0 : i32
      %dma_wait3A_30 = tpu.memref_slice %arg7[%dma_wait3A, %dma_wait3A_29] : memref<8x82944xf32, #tpu.memory_space<vmem>> -> memref<8x82432xf32, #tpu.memory_space<vmem>>
      %dma_wait3A_31 = arith.constant 917504 : i32
      %dma_wait3A_32 = tpu.memref_slice %arg2[%mul3A_28, %dma_wait3A_31] : memref<64x1000000xf32, #tpu.memory_space<any>> -> memref<8x82432xf32, #tpu.memory_space<any>>
      tpu.wait_dma2 semaphore(%arg8 : memref<!tpu.dma_semaphore, #tpu.memory_space<semaphore_mem>>) src(%dma_wait3A_32 : memref<8x82432xf32, #tpu.memory_space<any>>) dst(%dma_wait3A_30 : memref<8x82432xf32, #tpu.memory_space<vmem>>)
      %mul3A_33 = arith.constant 8 : i32
      %mul3A_34 = arith.muli %arg0, %mul3A_33 : i32
      %dma_wait3A_35 = arith.constant 0 : i32
      %dma_wait3A_36 = tpu.memref_slice %arg3[%mul3A_34, %dma_wait3A_35] : memref<64x64xf32, #tpu.memory_space<any>> -> memref<8x64xf32, #tpu.memory_space<any>>
      tpu.wait_dma2 semaphore(%arg8 : memref<!tpu.dma_semaphore, #tpu.memory_space<semaphore_mem>>) src(%dma_wait3A_36 : memref<8x64xf32, #tpu.memory_space<any>>) dst(%arg6 : memref<8x64xf32, #tpu.memory_space<vmem>>)
      %get3A = arith.constant 0 : index
      %get3A_37 = arith.constant 0 : index
      %get3A_38 = vector.load %arg6[%get3A, %get3A_37] : memref<8x64xf32, #tpu.memory_space<vmem>>, vector<8x64xf32>
      %swap3A = arith.constant 0 : index
      %swap3A_39 = arith.constant 82432 : index
      %swap3A_40 = vector.load %arg7[%swap3A, %swap3A_39] : memref<8x82944xf32, #tpu.memory_space<vmem>>, vector<8x64xf32>
      tpu.vector_store %arg7[%swap3A, %swap3A_39], %get3A_38 {strides = array<i32>} : memref<8x82944xf32, #tpu.memory_space<vmem>>, vector<8x64xf32>,
      %mul3A_41 = arith.constant 8 : i32
      %mul3A_42 = arith.muli %arg0, %mul3A_41 : i32
      %add3A_43 = arith.constant 0 : i32
      %add3A_44 = arith.addi %mul3A_42, %add3A_43 : i32
      %mul3A_45 = arith.constant 1000448 : i32
      %mul3A_46 = arith.muli %add3A_44, %mul3A_45 : i32
      %add3A_47 = arith.constant 917504 : i32
      %add3A_48 = arith.addi %mul3A_46, %add3A_47 : i32
      %dma_start3A = arith.constant 0 : i32
      %dma_start3A_49 = tpu.memref_slice %arg4[%add3A_48] : memref<64028672xf32, #tpu.memory_space<any>> -> memref<82944xf32, #tpu.memory_space<any>>
      %dma_start3A_50 = arith.constant 0 : i32
      %dma_start3A_51 = tpu.memref_slice %arg7[%dma_start3A, %dma_start3A_50] : memref<8x82944xf32, #tpu.memory_space<vmem>> -> memref<1x82944xf32, #tpu.memory_space<vmem>>
      %dma_start3A_52 = tpu.memref_squeeze %dma_start3A_51 : memref<1x82944xf32, #tpu.memory_space<vmem>> -> memref<82944xf32, #tpu.memory_space<vmem>>
      tpu.enqueue_dma source(%dma_start3A_52 : memref<82944xf32, #tpu.memory_space<vmem>>) target(%dma_start3A_49 : memref<82944xf32, #tpu.memory_space<any>>) target_semaphore(%arg9 : memref<!tpu.dma_semaphore, #tpu.memory_space<semaphore_mem>>)
      %mul3A_53 = arith.constant 8 : i32
      %mul3A_54 = arith.muli %arg0, %mul3A_53 : i32
      %add3A_55 = arith.constant 1 : i32
      %add3A_56 = arith.addi %mul3A_54, %add3A_55 : i32
      %mul3A_57 = arith.constant 1000448 : i32
      %mul3A_58 = arith.muli %add3A_56, %mul3A_57 : i32
      %add3A_59 = arith.constant 917504 : i32
      %add3A_60 = arith.addi %mul3A_58, %add3A_59 : i32
      %dma_start3A_61 = arith.constant 1 : i32
      %dma_start3A_62 = tpu.memref_slice %arg4[%add3A_60] : memref<64028672xf32, #tpu.memory_space<any>> -> memref<82944xf32, #tpu.memory_space<any>>
      %dma_start3A_63 = arith.constant 0 : i32
      %dma_start3A_64 = tpu.memref_slice %arg7[%dma_start3A_61, %dma_start3A_63] : memref<8x82944xf32, #tpu.memory_space<vmem>> -> memref<1x82944xf32, #tpu.memory_space<vmem>>
      %dma_start3A_65 = tpu.memref_squeeze %dma_start3A_64 : memref<1x82944xf32, #tpu.memory_space<vmem>> -> memref<82944xf32, #tpu.memory_space<vmem>>
      tpu.enqueue_dma source(%dma_start3A_65 : memref<82944xf32, #tpu.memory_space<vmem>>) target(%dma_start3A_62 : memref<82944xf32, #tpu.memory_space<any>>) target_semaphore(%arg9 : memref<!tpu.dma_semaphore, #tpu.memory_space<semaphore_mem>>)
      %mul3A_66 = arith.constant 8 : i32
      %mul3A_67 = arith.muli %arg0, %mul3A_66 : i32
      %add3A_68 = arith.constant 2 : i32
      %add3A_69 = arith.addi %mul3A_67, %add3A_68 : i32
      %mul3A_70 = arith.constant 1000448 : i32
      %mul3A_71 = arith.muli %add3A_69, %mul3A_70 : i32
      %add3A_72 = arith.constant 917504 : i32
      %add3A_73 = arith.addi %mul3A_71, %add3A_72 : i32
      %dma_start3A_74 = arith.constant 2 : i32
      %dma_start3A_75 = tpu.memref_slice %arg4[%add3A_73] : memref<64028672xf32, #tpu.memory_space<any>> -> memref<82944xf32, #tpu.memory_space<any>>
      %dma_start3A_76 = arith.constant 0 : i32
      %dma_start3A_77 = tpu.memref_slice %arg7[%dma_start3A_74, %dma_start3A_76] : memref<8x82944xf32, #tpu.memory_space<vmem>> -> memref<1x82944xf32, #tpu.memory_space<vmem>>
      %dma_start3A_78 = tpu.memref_squeeze %dma_start3A_77 : memref<1x82944xf32, #tpu.memory_space<vmem>> -> memref<82944xf32, #tpu.memory_space<vmem>>
      tpu.enqueue_dma source(%dma_start3A_78 : memref<82944xf32, #tpu.memory_space<vmem>>) target(%dma_start3A_75 : memref<82944xf32, #tpu.memory_space<any>>) target_semaphore(%arg9 : memref<!tpu.dma_semaphore, #tpu.memory_space<semaphore_mem>>)
      %mul3A_79 = arith.constant 8 : i32
      %mul3A_80 = arith.muli %arg0, %mul3A_79 : i32
      %add3A_81 = arith.constant 3 : i32
      %add3A_82 = arith.addi %mul3A_80, %add3A_81 : i32
      %mul3A_83 = arith.constant 1000448 : i32
      %mul3A_84 = arith.muli %add3A_82, %mul3A_83 : i32
      %add3A_85 = arith.constant 917504 : i32
      %add3A_86 = arith.addi %mul3A_84, %add3A_85 : i32
      %dma_start3A_87 = arith.constant 3 : i32
      %dma_start3A_88 = tpu.memref_slice %arg4[%add3A_86] : memref<64028672xf32, #tpu.memory_space<any>> -> memref<82944xf32, #tpu.memory_space<any>>
      %dma_start3A_89 = arith.constant 0 : i32
      %dma_start3A_90 = tpu.memref_slice %arg7[%dma_start3A_87, %dma_start3A_89] : memref<8x82944xf32, #tpu.memory_space<vmem>> -> memref<1x82944xf32, #tpu.memory_space<vmem>>
      %dma_start3A_91 = tpu.memref_squeeze %dma_start3A_90 : memref<1x82944xf32, #tpu.memory_space<vmem>> -> memref<82944xf32, #tpu.memory_space<vmem>>
      tpu.enqueue_dma source(%dma_start3A_91 : memref<82944xf32, #tpu.memory_space<vmem>>) target(%dma_start3A_88 : memref<82944xf32, #tpu.memory_space<any>>) target_semaphore(%arg9 : memref<!tpu.dma_semaphore, #tpu.memory_space<semaphore_mem>>)
      %mul3A_92 = arith.constant 8 : i32
      %mul3A_93 = arith.muli %arg0, %mul3A_92 : i32
      %add3A_94 = arith.constant 4 : i32
      %add3A_95 = arith.addi %mul3A_93, %add3A_94 : i32
      %mul3A_96 = arith.constant 1000448 : i32
      %mul3A_97 = arith.muli %add3A_95, %mul3A_96 : i32
      %add3A_98 = arith.constant 917504 : i32
      %add3A_99 = arith.addi %mul3A_97, %add3A_98 : i32
      %dma_start3A_100 = arith.constant 4 : i32
      %dma_start3A_101 = tpu.memref_slice %arg4[%add3A_99] : memref<64028672xf32, #tpu.memory_space<any>> -> memref<82944xf32, #tpu.memory_space<any>>
      %dma_start3A_102 = arith.constant 0 : i32
      %dma_start3A_103 = tpu.memref_slice %arg7[%dma_start3A_100, %dma_start3A_102] : memref<8x82944xf32, #tpu.memory_space<vmem>> -> memref<1x82944xf32, #tpu.memory_space<vmem>>
      %dma_start3A_104 = tpu.memref_squeeze %dma_start3A_103 : memref<1x82944xf32, #tpu.memory_space<vmem>> -> memref<82944xf32, #tpu.memory_space<vmem>>
      tpu.enqueue_dma source(%dma_start3A_104 : memref<82944xf32, #tpu.memory_space<vmem>>) target(%dma_start3A_101 : memref<82944xf32, #tpu.memory_space<any>>) target_semaphore(%arg9 : memref<!tpu.dma_semaphore, #tpu.memory_space<semaphore_mem>>)
      %mul3A_105 = arith.constant 8 : i32
      %mul3A_106 = arith.muli %arg0, %mul3A_105 : i32
      %add3A_107 = arith.constant 5 : i32
      %add3A_108 = arith.addi %mul3A_106, %add3A_107 : i32
      %mul3A_109 = arith.constant 1000448 : i32
      %mul3A_110 = arith.muli %add3A_108, %mul3A_109 : i32
      %add3A_111 = arith.constant 917504 : i32
      %add3A_112 = arith.addi %mul3A_110, %add3A_111 : i32
      %dma_start3A_113 = arith.constant 5 : i32
      %dma_start3A_114 = tpu.memref_slice %arg4[%add3A_112] : memref<64028672xf32, #tpu.memory_space<any>> -> memref<82944xf32, #tpu.memory_space<any>>
      %dma_start3A_115 = arith.constant 0 : i32
      %dma_start3A_116 = tpu.memref_slice %arg7[%dma_start3A_113, %dma_start3A_115] : memref<8x82944xf32, #tpu.memory_space<vmem>> -> memref<1x82944xf32, #tpu.memory_space<vmem>>
      %dma_start3A_117 = tpu.memref_squeeze %dma_start3A_116 : memref<1x82944xf32, #tpu.memory_space<vmem>> -> memref<82944xf32, #tpu.memory_space<vmem>>
      tpu.enqueue_dma source(%dma_start3A_117 : memref<82944xf32, #tpu.memory_space<vmem>>) target(%dma_start3A_114 : memref<82944xf32, #tpu.memory_space<any>>) target_semaphore(%arg9 : memref<!tpu.dma_semaphore, #tpu.memory_space<semaphore_mem>>)
      %mul3A_118 = arith.constant 8 : i32
      %mul3A_119 = arith.muli %arg0, %mul3A_118 : i32
      %add3A_120 = arith.constant 6 : i32
      %add3A_121 = arith.addi %mul3A_119, %add3A_120 : i32
      %mul3A_122 = arith.constant 1000448 : i32
      %mul3A_123 = arith.muli %add3A_121, %mul3A_122 : i32
      %add3A_124 = arith.constant 917504 : i32
      %add3A_125 = arith.addi %mul3A_123, %add3A_124 : i32
      %dma_start3A_126 = arith.constant 6 : i32
      %dma_start3A_127 = tpu.memref_slice %arg4[%add3A_125] : memref<64028672xf32, #tpu.memory_space<any>> -> memref<82944xf32, #tpu.memory_space<any>>
      %dma_start3A_128 = arith.constant 0 : i32
      %dma_start3A_129 = tpu.memref_slice %arg7[%dma_start3A_126, %dma_start3A_128] : memref<8x82944xf32, #tpu.memory_space<vmem>> -> memref<1x82944xf32, #tpu.memory_space<vmem>>
      %dma_start3A_130 = tpu.memref_squeeze %dma_start3A_129 : memref<1x82944xf32, #tpu.memory_space<vmem>> -> memref<82944xf32, #tpu.memory_space<vmem>>
      tpu.enqueue_dma source(%dma_start3A_130 : memref<82944xf32, #tpu.memory_space<vmem>>) target(%dma_start3A_127 : memref<82944xf32, #tpu.memory_space<any>>) target_semaphore(%arg9 : memref<!tpu.dma_semaphore, #tpu.memory_space<semaphore_mem>>)
      %mul3A_131 = arith.constant 8 : i32
      %mul3A_132 = arith.muli %arg0, %mul3A_131 : i32
      %add3A_133 = arith.constant 7 : i32
      %add3A_134 = arith.addi %mul3A_132, %add3A_133 : i32
      %mul3A_135 = arith.constant 1000448 : i32
      %mul3A_136 = arith.muli %add3A_134, %mul3A_135 : i32
      %add3A_137 = arith.constant 917504 : i32
      %add3A_138 = arith.addi %mul3A_136, %add3A_137 : i32
      %dma_start3A_139 = arith.constant 7 : i32
      %dma_start3A_140 = tpu.memref_slice %arg4[%add3A_138] : memref<64028672xf32, #tpu.memory_space<any>> -> memref<82944xf32, #tpu.memory_space<any>>
      %dma_start3A_141 = arith.constant 0 : i32
      %dma_start3A_142 = tpu.memref_slice %arg7[%dma_start3A_139, %dma_start3A_141] : memref<8x82944xf32, #tpu.memory_space<vmem>> -> memref<1x82944xf32, #tpu.memory_space<vmem>>
      %dma_start3A_143 = tpu.memref_squeeze %dma_start3A_142 : memref<1x82944xf32, #tpu.memory_space<vmem>> -> memref<82944xf32, #tpu.memory_space<vmem>>
      tpu.enqueue_dma source(%dma_start3A_143 : memref<82944xf32, #tpu.memory_space<vmem>>) target(%dma_start3A_140 : memref<82944xf32, #tpu.memory_space<any>>) target_semaphore(%arg9 : memref<!tpu.dma_semaphore, #tpu.memory_space<semaphore_mem>>)
      %dma_wait3A_144 = arith.constant 0 : i32
      %dma_wait3A_145 = tpu.memref_slice %arg4[%add3A_48] : memref<64028672xf32, #tpu.memory_space<any>> -> memref<82944xf32, #tpu.memory_space<any>>
      %dma_wait3A_146 = arith.constant 0 : i32
      %dma_wait3A_147 = tpu.memref_slice %arg7[%dma_wait3A_144, %dma_wait3A_146] : memref<8x82944xf32, #tpu.memory_space<vmem>> -> memref<1x82944xf32, #tpu.memory_space<vmem>>
      %dma_wait3A_148 = tpu.memref_squeeze %dma_wait3A_147 : memref<1x82944xf32, #tpu.memory_space<vmem>> -> memref<82944xf32, #tpu.memory_space<vmem>>
      tpu.wait_dma2 semaphore(%arg9 : memref<!tpu.dma_semaphore, #tpu.memory_space<semaphore_mem>>) src(%dma_wait3A_148 : memref<82944xf32, #tpu.memory_space<vmem>>) dst(%dma_wait3A_145 : memref<82944xf32, #tpu.memory_space<any>>)
      %dma_wait3A_149 = arith.constant 1 : i32
      %dma_wait3A_150 = tpu.memref_slice %arg4[%add3A_60] : memref<64028672xf32, #tpu.memory_space<any>> -> memref<82944xf32, #tpu.memory_space<any>>
      %dma_wait3A_151 = arith.constant 0 : i32
      %dma_wait3A_152 = tpu.memref_slice %arg7[%dma_wait3A_149, %dma_wait3A_151] : memref<8x82944xf32, #tpu.memory_space<vmem>> -> memref<1x82944xf32, #tpu.memory_space<vmem>>
      %dma_wait3A_153 = tpu.memref_squeeze %dma_wait3A_152 : memref<1x82944xf32, #tpu.memory_space<vmem>> -> memref<82944xf32, #tpu.memory_space<vmem>>
      tpu.wait_dma2 semaphore(%arg9 : memref<!tpu.dma_semaphore, #tpu.memory_space<semaphore_mem>>) src(%dma_wait3A_153 : memref<82944xf32, #tpu.memory_space<vmem>>) dst(%dma_wait3A_150 : memref<82944xf32, #tpu.memory_space<any>>)
      %dma_wait3A_154 = arith.constant 2 : i32
      %dma_wait3A_155 = tpu.memref_slice %arg4[%add3A_73] : memref<64028672xf32, #tpu.memory_space<any>> -> memref<82944xf32, #tpu.memory_space<any>>
      %dma_wait3A_156 = arith.constant 0 : i32
      %dma_wait3A_157 = tpu.memref_slice %arg7[%dma_wait3A_154, %dma_wait3A_156] : memref<8x82944xf32, #tpu.memory_space<vmem>> -> memref<1x82944xf32, #tpu.memory_space<vmem>>
      %dma_wait3A_158 = tpu.memref_squeeze %dma_wait3A_157 : memref<1x82944xf32, #tpu.memory_space<vmem>> -> memref<82944xf32, #tpu.memory_space<vmem>>
      tpu.wait_dma2 semaphore(%arg9 : memref<!tpu.dma_semaphore, #tpu.memory_space<semaphore_mem>>) src(%dma_wait3A_158 : memref<82944xf32, #tpu.memory_space<vmem>>) dst(%dma_wait3A_155 : memref<82944xf32, #tpu.memory_space<any>>)
      %dma_wait3A_159 = arith.constant 3 : i32
      %dma_wait3A_160 = tpu.memref_slice %arg4[%add3A_86] : memref<64028672xf32, #tpu.memory_space<any>> -> memref<82944xf32, #tpu.memory_space<any>>
      %dma_wait3A_161 = arith.constant 0 : i32
      %dma_wait3A_162 = tpu.memref_slice %arg7[%dma_wait3A_159, %dma_wait3A_161] : memref<8x82944xf32, #tpu.memory_space<vmem>> -> memref<1x82944xf32, #tpu.memory_space<vmem>>
      %dma_wait3A_163 = tpu.memref_squeeze %dma_wait3A_162 : memref<1x82944xf32, #tpu.memory_space<vmem>> -> memref<82944xf32, #tpu.memory_space<vmem>>
      tpu.wait_dma2 semaphore(%arg9 : memref<!tpu.dma_semaphore, #tpu.memory_space<semaphore_mem>>) src(%dma_wait3A_163 : memref<82944xf32, #tpu.memory_space<vmem>>) dst(%dma_wait3A_160 : memref<82944xf32, #tpu.memory_space<any>>)
      %dma_wait3A_164 = arith.constant 4 : i32
      %dma_wait3A_165 = tpu.memref_slice %arg4[%add3A_99] : memref<64028672xf32, #tpu.memory_space<any>> -> memref<82944xf32, #tpu.memory_space<any>>
      %dma_wait3A_166 = arith.constant 0 : i32
      %dma_wait3A_167 = tpu.memref_slice %arg7[%dma_wait3A_164, %dma_wait3A_166] : memref<8x82944xf32, #tpu.memory_space<vmem>> -> memref<1x82944xf32, #tpu.memory_space<vmem>>
      %dma_wait3A_168 = tpu.memref_squeeze %dma_wait3A_167 : memref<1x82944xf32, #tpu.memory_space<vmem>> -> memref<82944xf32, #tpu.memory_space<vmem>>
      tpu.wait_dma2 semaphore(%arg9 : memref<!tpu.dma_semaphore, #tpu.memory_space<semaphore_mem>>) src(%dma_wait3A_168 : memref<82944xf32, #tpu.memory_space<vmem>>) dst(%dma_wait3A_165 : memref<82944xf32, #tpu.memory_space<any>>)
      %dma_wait3A_169 = arith.constant 5 : i32
      %dma_wait3A_170 = tpu.memref_slice %arg4[%add3A_112] : memref<64028672xf32, #tpu.memory_space<any>> -> memref<82944xf32, #tpu.memory_space<any>>
      %dma_wait3A_171 = arith.constant 0 : i32
      %dma_wait3A_172 = tpu.memref_slice %arg7[%dma_wait3A_169, %dma_wait3A_171] : memref<8x82944xf32, #tpu.memory_space<vmem>> -> memref<1x82944xf32, #tpu.memory_space<vmem>>
      %dma_wait3A_173 = tpu.memref_squeeze %dma_wait3A_172 : memref<1x82944xf32, #tpu.memory_space<vmem>> -> memref<82944xf32, #tpu.memory_space<vmem>>
      tpu.wait_dma2 semaphore(%arg9 : memref<!tpu.dma_semaphore, #tpu.memory_space<semaphore_mem>>) src(%dma_wait3A_173 : memref<82944xf32, #tpu.memory_space<vmem>>) dst(%dma_wait3A_170 : memref<82944xf32, #tpu.memory_space<any>>)
      %dma_wait3A_174 = arith.constant 6 : i32
      %dma_wait3A_175 = tpu.memref_slice %arg4[%add3A_125] : memref<64028672xf32, #tpu.memory_space<any>> -> memref<82944xf32, #tpu.memory_space<any>>
      %dma_wait3A_176 = arith.constant 0 : i32
      %dma_wait3A_177 = tpu.memref_slice %arg7[%dma_wait3A_174, %dma_wait3A_176] : memref<8x82944xf32, #tpu.memory_space<vmem>> -> memref<1x82944xf32, #tpu.memory_space<vmem>>
      %dma_wait3A_178 = tpu.memref_squeeze %dma_wait3A_177 : memref<1x82944xf32, #tpu.memory_space<vmem>> -> memref<82944xf32, #tpu.memory_space<vmem>>
      tpu.wait_dma2 semaphore(%arg9 : memref<!tpu.dma_semaphore, #tpu.memory_space<semaphore_mem>>) src(%dma_wait3A_178 : memref<82944xf32, #tpu.memory_space<vmem>>) dst(%dma_wait3A_175 : memref<82944xf32, #tpu.memory_space<any>>)
      %dma_wait3A_179 = arith.constant 7 : i32
      %dma_wait3A_180 = tpu.memref_slice %arg4[%add3A_138] : memref<64028672xf32, #tpu.memory_space<any>> -> memref<82944xf32, #tpu.memory_space<any>>
      %dma_wait3A_181 = arith.constant 0 : i32
      %dma_wait3A_182 = tpu.memref_slice %arg7[%dma_wait3A_179, %dma_wait3A_181] : memref<8x82944xf32, #tpu.memory_space<vmem>> -> memref<1x82944xf32, #tpu.memory_space<vmem>>
      %dma_wait3A_183 = tpu.memref_squeeze %dma_wait3A_182 : memref<1x82944xf32, #tpu.memory_space<vmem>> -> memref<82944xf32, #tpu.memory_space<vmem>>
      tpu.wait_dma2 semaphore(%arg9 : memref<!tpu.dma_semaphore, #tpu.memory_space<semaphore_mem>>) src(%dma_wait3A_183 : memref<82944xf32, #tpu.memory_space<vmem>>) dst(%dma_wait3A_180 : memref<82944xf32, #tpu.memory_space<any>>)
    } else {
    }
    return
  }
}

module attributes {stable_mosaic.version = 14 : i64} {
  func.func @_detile_body(%arg0: i32, %arg1: i32, %arg2: memref<64x100000xf32, #tpu.memory_space<any>>, %arg3: memref<64x32xf32, #tpu.memory_space<any>>, %arg4: memref<6422528xf32, #tpu.memory_space<any>>, %arg5: memref<3x8x65536xf32, #tpu.memory_space<vmem>>, %arg6: memref<8x32xf32, #tpu.memory_space<vmem>>, %arg7: memref<8x34816xf32, #tpu.memory_space<vmem>>, %arg8: memref<!tpu.dma_semaphore, #tpu.memory_space<semaphore_mem>>, %arg9: memref<!tpu.dma_semaphore, #tpu.memory_space<semaphore_mem>>) attributes {dimension_semantics = [#tpu.dimension_semantics<arbitrary>, #tpu.dimension_semantics<arbitrary>], iteration_bounds = array<i64: 8, 2>, scalar_prefetch = 0 : i64, scratch_operands = 5 : i64, tpu.core_type = #tpu.core_type<tc>, window_params = [{}, {}, {}]} {
    %eq3A = arith.constant 0 : i32
    %eq3A_0 = arith.cmpi eq, %arg1, %eq3A : i32
    %convert_element_type3A = arith.extui %eq3A_0 : i1 to i32
    %cond3A = arith.constant 0 : i32
    %cond3A_1 = arith.cmpi ne, %convert_element_type3A, %cond3A : i32
    scf.if %cond3A_1 {
      %mul3A = arith.constant 8 : i32
      %mul3A_28 = arith.muli %arg0, %mul3A : i32
      %dma_start3A = arith.constant 0 : i32
      %dma_start3A_29 = arith.constant 0 : i32
      %dma_start3A_30 = arith.constant 0 : i32
      %dma_start3A_31 = tpu.memref_slice %arg5[%dma_start3A, %dma_start3A_29, %dma_start3A_30] : memref<3x8x65536xf32, #tpu.memory_space<vmem>> -> memref<1x8x65536xf32, #tpu.memory_space<vmem>>
      %dma_start3A_32 = tpu.memref_squeeze %dma_start3A_31 : memref<1x8x65536xf32, #tpu.memory_space<vmem>> -> memref<8x65536xf32, #tpu.memory_space<vmem>>
      %dma_start3A_33 = arith.constant 0 : i32
      %dma_start3A_34 = tpu.memref_slice %arg2[%mul3A_28, %dma_start3A_33] : memref<64x100000xf32, #tpu.memory_space<any>> -> memref<8x65536xf32, #tpu.memory_space<any>>
      tpu.enqueue_dma source(%dma_start3A_34 : memref<8x65536xf32, #tpu.memory_space<any>>) target(%dma_start3A_32 : memref<8x65536xf32, #tpu.memory_space<vmem>>) target_semaphore(%arg8 : memref<!tpu.dma_semaphore, #tpu.memory_space<semaphore_mem>>)
    } else {
    }
    %ge3A = arith.constant 1 : i32
    %ge3A_2 = arith.cmpi sge, %arg1, %ge3A : i32
    %convert_element_type3A_3 = arith.extui %ge3A_2 : i1 to i32
    %cond3A_4 = arith.constant 0 : i32
    %cond3A_5 = arith.cmpi ne, %convert_element_type3A_3, %cond3A_4 : i32
    scf.if %cond3A_5 {
      %dma_wait3A = arith.constant 0 : i32
      %dma_wait3A_28 = arith.constant 0 : i32
      %dma_wait3A_29 = arith.constant 0 : i32
      %dma_wait3A_30 = tpu.memref_slice %arg4[%dma_wait3A_29] : memref<6422528xf32, #tpu.memory_space<any>> -> memref<65536xf32, #tpu.memory_space<any>>
      %dma_wait3A_31 = arith.constant 0 : i32
      %dma_wait3A_32 = arith.constant 0 : i32
      %dma_wait3A_33 = tpu.memref_slice %arg5[%dma_wait3A, %dma_wait3A_31, %dma_wait3A_32] : memref<3x8x65536xf32, #tpu.memory_space<vmem>> -> memref<1x8x65536xf32, #tpu.memory_space<vmem>>
      %dma_wait3A_34 = tpu.memref_squeeze %dma_wait3A_33 : memref<1x8x65536xf32, #tpu.memory_space<vmem>> -> memref<8x65536xf32, #tpu.memory_space<vmem>>
      %dma_wait3A_35 = arith.constant 0 : i32
      %dma_wait3A_36 = tpu.memref_slice %dma_wait3A_34[%dma_wait3A_28, %dma_wait3A_35] : memref<8x65536xf32, #tpu.memory_space<vmem>> -> memref<1x65536xf32, #tpu.memory_space<vmem>>
      %dma_wait3A_37 = tpu.memref_squeeze %dma_wait3A_36 : memref<1x65536xf32, #tpu.memory_space<vmem>> -> memref<65536xf32, #tpu.memory_space<vmem>>
      tpu.wait_dma2 semaphore(%arg9 : memref<!tpu.dma_semaphore, #tpu.memory_space<semaphore_mem>>) src(%dma_wait3A_37 : memref<65536xf32, #tpu.memory_space<vmem>>) dst(%dma_wait3A_30 : memref<65536xf32, #tpu.memory_space<any>>)
      %dma_wait3A_38 = arith.constant 0 : i32
      %dma_wait3A_39 = arith.constant 1 : i32
      %dma_wait3A_40 = arith.constant 0 : i32
      %dma_wait3A_41 = tpu.memref_slice %arg4[%dma_wait3A_40] : memref<6422528xf32, #tpu.memory_space<any>> -> memref<65536xf32, #tpu.memory_space<any>>
      %dma_wait3A_42 = arith.constant 0 : i32
      %dma_wait3A_43 = arith.constant 0 : i32
      %dma_wait3A_44 = tpu.memref_slice %arg5[%dma_wait3A_38, %dma_wait3A_42, %dma_wait3A_43] : memref<3x8x65536xf32, #tpu.memory_space<vmem>> -> memref<1x8x65536xf32, #tpu.memory_space<vmem>>
      %dma_wait3A_45 = tpu.memref_squeeze %dma_wait3A_44 : memref<1x8x65536xf32, #tpu.memory_space<vmem>> -> memref<8x65536xf32, #tpu.memory_space<vmem>>
      %dma_wait3A_46 = arith.constant 0 : i32
      %dma_wait3A_47 = tpu.memref_slice %dma_wait3A_45[%dma_wait3A_39, %dma_wait3A_46] : memref<8x65536xf32, #tpu.memory_space<vmem>> -> memref<1x65536xf32, #tpu.memory_space<vmem>>
      %dma_wait3A_48 = tpu.memref_squeeze %dma_wait3A_47 : memref<1x65536xf32, #tpu.memory_space<vmem>> -> memref<65536xf32, #tpu.memory_space<vmem>>
      tpu.wait_dma2 semaphore(%arg9 : memref<!tpu.dma_semaphore, #tpu.memory_space<semaphore_mem>>) src(%dma_wait3A_48 : memref<65536xf32, #tpu.memory_space<vmem>>) dst(%dma_wait3A_41 : memref<65536xf32, #tpu.memory_space<any>>)
      %dma_wait3A_49 = arith.constant 0 : i32
      %dma_wait3A_50 = arith.constant 2 : i32
      %dma_wait3A_51 = arith.constant 0 : i32
      %dma_wait3A_52 = tpu.memref_slice %arg4[%dma_wait3A_51] : memref<6422528xf32, #tpu.memory_space<any>> -> memref<65536xf32, #tpu.memory_space<any>>
      %dma_wait3A_53 = arith.constant 0 : i32
      %dma_wait3A_54 = arith.constant 0 : i32
      %dma_wait3A_55 = tpu.memref_slice %arg5[%dma_wait3A_49, %dma_wait3A_53, %dma_wait3A_54] : memref<3x8x65536xf32, #tpu.memory_space<vmem>> -> memref<1x8x65536xf32, #tpu.memory_space<vmem>>
      %dma_wait3A_56 = tpu.memref_squeeze %dma_wait3A_55 : memref<1x8x65536xf32, #tpu.memory_space<vmem>> -> memref<8x65536xf32, #tpu.memory_space<vmem>>
      %dma_wait3A_57 = arith.constant 0 : i32
      %dma_wait3A_58 = tpu.memref_slice %dma_wait3A_56[%dma_wait3A_50, %dma_wait3A_57] : memref<8x65536xf32, #tpu.memory_space<vmem>> -> memref<1x65536xf32, #tpu.memory_space<vmem>>
      %dma_wait3A_59 = tpu.memref_squeeze %dma_wait3A_58 : memref<1x65536xf32, #tpu.memory_space<vmem>> -> memref<65536xf32, #tpu.memory_space<vmem>>
      tpu.wait_dma2 semaphore(%arg9 : memref<!tpu.dma_semaphore, #tpu.memory_space<semaphore_mem>>) src(%dma_wait3A_59 : memref<65536xf32, #tpu.memory_space<vmem>>) dst(%dma_wait3A_52 : memref<65536xf32, #tpu.memory_space<any>>)
      %dma_wait3A_60 = arith.constant 0 : i32
      %dma_wait3A_61 = arith.constant 3 : i32
      %dma_wait3A_62 = arith.constant 0 : i32
      %dma_wait3A_63 = tpu.memref_slice %arg4[%dma_wait3A_62] : memref<6422528xf32, #tpu.memory_space<any>> -> memref<65536xf32, #tpu.memory_space<any>>
      %dma_wait3A_64 = arith.constant 0 : i32
      %dma_wait3A_65 = arith.constant 0 : i32
      %dma_wait3A_66 = tpu.memref_slice %arg5[%dma_wait3A_60, %dma_wait3A_64, %dma_wait3A_65] : memref<3x8x65536xf32, #tpu.memory_space<vmem>> -> memref<1x8x65536xf32, #tpu.memory_space<vmem>>
      %dma_wait3A_67 = tpu.memref_squeeze %dma_wait3A_66 : memref<1x8x65536xf32, #tpu.memory_space<vmem>> -> memref<8x65536xf32, #tpu.memory_space<vmem>>
      %dma_wait3A_68 = arith.constant 0 : i32
      %dma_wait3A_69 = tpu.memref_slice %dma_wait3A_67[%dma_wait3A_61, %dma_wait3A_68] : memref<8x65536xf32, #tpu.memory_space<vmem>> -> memref<1x65536xf32, #tpu.memory_space<vmem>>
      %dma_wait3A_70 = tpu.memref_squeeze %dma_wait3A_69 : memref<1x65536xf32, #tpu.memory_space<vmem>> -> memref<65536xf32, #tpu.memory_space<vmem>>
      tpu.wait_dma2 semaphore(%arg9 : memref<!tpu.dma_semaphore, #tpu.memory_space<semaphore_mem>>) src(%dma_wait3A_70 : memref<65536xf32, #tpu.memory_space<vmem>>) dst(%dma_wait3A_63 : memref<65536xf32, #tpu.memory_space<any>>)
      %dma_wait3A_71 = arith.constant 0 : i32
      %dma_wait3A_72 = arith.constant 4 : i32
      %dma_wait3A_73 = arith.constant 0 : i32
      %dma_wait3A_74 = tpu.memref_slice %arg4[%dma_wait3A_73] : memref<6422528xf32, #tpu.memory_space<any>> -> memref<65536xf32, #tpu.memory_space<any>>
      %dma_wait3A_75 = arith.constant 0 : i32
      %dma_wait3A_76 = arith.constant 0 : i32
      %dma_wait3A_77 = tpu.memref_slice %arg5[%dma_wait3A_71, %dma_wait3A_75, %dma_wait3A_76] : memref<3x8x65536xf32, #tpu.memory_space<vmem>> -> memref<1x8x65536xf32, #tpu.memory_space<vmem>>
      %dma_wait3A_78 = tpu.memref_squeeze %dma_wait3A_77 : memref<1x8x65536xf32, #tpu.memory_space<vmem>> -> memref<8x65536xf32, #tpu.memory_space<vmem>>
      %dma_wait3A_79 = arith.constant 0 : i32
      %dma_wait3A_80 = tpu.memref_slice %dma_wait3A_78[%dma_wait3A_72, %dma_wait3A_79] : memref<8x65536xf32, #tpu.memory_space<vmem>> -> memref<1x65536xf32, #tpu.memory_space<vmem>>
      %dma_wait3A_81 = tpu.memref_squeeze %dma_wait3A_80 : memref<1x65536xf32, #tpu.memory_space<vmem>> -> memref<65536xf32, #tpu.memory_space<vmem>>
      tpu.wait_dma2 semaphore(%arg9 : memref<!tpu.dma_semaphore, #tpu.memory_space<semaphore_mem>>) src(%dma_wait3A_81 : memref<65536xf32, #tpu.memory_space<vmem>>) dst(%dma_wait3A_74 : memref<65536xf32, #tpu.memory_space<any>>)
      %dma_wait3A_82 = arith.constant 0 : i32
      %dma_wait3A_83 = arith.constant 5 : i32
      %dma_wait3A_84 = arith.constant 0 : i32
      %dma_wait3A_85 = tpu.memref_slice %arg4[%dma_wait3A_84] : memref<6422528xf32, #tpu.memory_space<any>> -> memref<65536xf32, #tpu.memory_space<any>>
      %dma_wait3A_86 = arith.constant 0 : i32
      %dma_wait3A_87 = arith.constant 0 : i32
      %dma_wait3A_88 = tpu.memref_slice %arg5[%dma_wait3A_82, %dma_wait3A_86, %dma_wait3A_87] : memref<3x8x65536xf32, #tpu.memory_space<vmem>> -> memref<1x8x65536xf32, #tpu.memory_space<vmem>>
      %dma_wait3A_89 = tpu.memref_squeeze %dma_wait3A_88 : memref<1x8x65536xf32, #tpu.memory_space<vmem>> -> memref<8x65536xf32, #tpu.memory_space<vmem>>
      %dma_wait3A_90 = arith.constant 0 : i32
      %dma_wait3A_91 = tpu.memref_slice %dma_wait3A_89[%dma_wait3A_83, %dma_wait3A_90] : memref<8x65536xf32, #tpu.memory_space<vmem>> -> memref<1x65536xf32, #tpu.memory_space<vmem>>
      %dma_wait3A_92 = tpu.memref_squeeze %dma_wait3A_91 : memref<1x65536xf32, #tpu.memory_space<vmem>> -> memref<65536xf32, #tpu.memory_space<vmem>>
      tpu.wait_dma2 semaphore(%arg9 : memref<!tpu.dma_semaphore, #tpu.memory_space<semaphore_mem>>) src(%dma_wait3A_92 : memref<65536xf32, #tpu.memory_space<vmem>>) dst(%dma_wait3A_85 : memref<65536xf32, #tpu.memory_space<any>>)
      %dma_wait3A_93 = arith.constant 0 : i32
      %dma_wait3A_94 = arith.constant 6 : i32
      %dma_wait3A_95 = arith.constant 0 : i32
      %dma_wait3A_96 = tpu.memref_slice %arg4[%dma_wait3A_95] : memref<6422528xf32, #tpu.memory_space<any>> -> memref<65536xf32, #tpu.memory_space<any>>
      %dma_wait3A_97 = arith.constant 0 : i32
      %dma_wait3A_98 = arith.constant 0 : i32
      %dma_wait3A_99 = tpu.memref_slice %arg5[%dma_wait3A_93, %dma_wait3A_97, %dma_wait3A_98] : memref<3x8x65536xf32, #tpu.memory_space<vmem>> -> memref<1x8x65536xf32, #tpu.memory_space<vmem>>
      %dma_wait3A_100 = tpu.memref_squeeze %dma_wait3A_99 : memref<1x8x65536xf32, #tpu.memory_space<vmem>> -> memref<8x65536xf32, #tpu.memory_space<vmem>>
      %dma_wait3A_101 = arith.constant 0 : i32
      %dma_wait3A_102 = tpu.memref_slice %dma_wait3A_100[%dma_wait3A_94, %dma_wait3A_101] : memref<8x65536xf32, #tpu.memory_space<vmem>> -> memref<1x65536xf32, #tpu.memory_space<vmem>>
      %dma_wait3A_103 = tpu.memref_squeeze %dma_wait3A_102 : memref<1x65536xf32, #tpu.memory_space<vmem>> -> memref<65536xf32, #tpu.memory_space<vmem>>
      tpu.wait_dma2 semaphore(%arg9 : memref<!tpu.dma_semaphore, #tpu.memory_space<semaphore_mem>>) src(%dma_wait3A_103 : memref<65536xf32, #tpu.memory_space<vmem>>) dst(%dma_wait3A_96 : memref<65536xf32, #tpu.memory_space<any>>)
      %dma_wait3A_104 = arith.constant 0 : i32
      %dma_wait3A_105 = arith.constant 7 : i32
      %dma_wait3A_106 = arith.constant 0 : i32
      %dma_wait3A_107 = tpu.memref_slice %arg4[%dma_wait3A_106] : memref<6422528xf32, #tpu.memory_space<any>> -> memref<65536xf32, #tpu.memory_space<any>>
      %dma_wait3A_108 = arith.constant 0 : i32
      %dma_wait3A_109 = arith.constant 0 : i32
      %dma_wait3A_110 = tpu.memref_slice %arg5[%dma_wait3A_104, %dma_wait3A_108, %dma_wait3A_109] : memref<3x8x65536xf32, #tpu.memory_space<vmem>> -> memref<1x8x65536xf32, #tpu.memory_space<vmem>>
      %dma_wait3A_111 = tpu.memref_squeeze %dma_wait3A_110 : memref<1x8x65536xf32, #tpu.memory_space<vmem>> -> memref<8x65536xf32, #tpu.memory_space<vmem>>
      %dma_wait3A_112 = arith.constant 0 : i32
      %dma_wait3A_113 = tpu.memref_slice %dma_wait3A_111[%dma_wait3A_105, %dma_wait3A_112] : memref<8x65536xf32, #tpu.memory_space<vmem>> -> memref<1x65536xf32, #tpu.memory_space<vmem>>
      %dma_wait3A_114 = tpu.memref_squeeze %dma_wait3A_113 : memref<1x65536xf32, #tpu.memory_space<vmem>> -> memref<65536xf32, #tpu.memory_space<vmem>>
      tpu.wait_dma2 semaphore(%arg9 : memref<!tpu.dma_semaphore, #tpu.memory_space<semaphore_mem>>) src(%dma_wait3A_114 : memref<65536xf32, #tpu.memory_space<vmem>>) dst(%dma_wait3A_107 : memref<65536xf32, #tpu.memory_space<any>>)
    } else {
    }
    %add3A = arith.constant 2 : i32
    %add3A_6 = arith.addi %arg1, %add3A : i32
    %lt3A = arith.constant 1 : i32
    %lt3A_7 = arith.cmpi slt, %add3A_6, %lt3A : i32
    %convert_element_type3A_8 = arith.extui %lt3A_7 : i1 to i32
    %cond3A_9 = arith.constant 0 : i32
    %cond3A_10 = arith.cmpi ne, %convert_element_type3A_8, %cond3A_9 : i32
    scf.if %cond3A_10 {
      %add3A_28 = arith.constant 2 : i32
      %add3A_29 = arith.addi %arg1, %add3A_28 : i32
      %add3A_30 = arith.constant 2 : i32
      %add3A_31 = arith.addi %arg1, %add3A_30 : i32
      %jit3A = arith.constant 3 : i32
      %eq3A_32 = arith.constant 0 : i32
      %eq3A_33 = arith.cmpi eq, %jit3A, %eq3A_32 : i32
      %jit3A_34 = arith.constant 1 : i32
      %select_n3A = arith.select %eq3A_33, %jit3A_34, %jit3A : i32
      %rem3A = arith.remsi %add3A_31, %select_n3A : i32
      %ne3A = arith.constant 0 : i32
      %ne3A_35 = arith.cmpi ne, %rem3A, %ne3A : i32
      %lt3A_36 = arith.constant 0 : i32
      %lt3A_37 = arith.cmpi slt, %rem3A, %lt3A_36 : i32
      %lt3A_38 = arith.constant 0 : i32
      %lt3A_39 = arith.cmpi slt, %select_n3A, %lt3A_38 : i32
      %ne3A_40 = arith.xori %lt3A_37, %lt3A_39 : i1
      %and3A = arith.andi %ne3A_40, %ne3A_35 : i1
      %add3A_41 = arith.addi %rem3A, %select_n3A : i32
      %select_n3A_42 = arith.select %and3A, %add3A_41, %rem3A : i32
      %mul3A = arith.constant 8 : i32
      %mul3A_43 = arith.muli %arg0, %mul3A : i32
      %mul3A_44 = arith.constant 65536 : i32
      %mul3A_45 = arith.muli %add3A_29, %mul3A_44 : i32
      %dma_start3A = arith.constant 0 : i32
      %dma_start3A_46 = arith.constant 0 : i32
      %dma_start3A_47 = tpu.memref_slice %arg5[%select_n3A_42, %dma_start3A, %dma_start3A_46] : memref<3x8x65536xf32, #tpu.memory_space<vmem>> -> memref<1x8x65536xf32, #tpu.memory_space<vmem>>
      %dma_start3A_48 = tpu.memref_squeeze %dma_start3A_47 : memref<1x8x65536xf32, #tpu.memory_space<vmem>> -> memref<8x65536xf32, #tpu.memory_space<vmem>>
      %dma_start3A_49 = tpu.memref_slice %arg2[%mul3A_43, %mul3A_45] : memref<64x100000xf32, #tpu.memory_space<any>> -> memref<8x65536xf32, #tpu.memory_space<any>>
      tpu.enqueue_dma source(%dma_start3A_49 : memref<8x65536xf32, #tpu.memory_space<any>>) target(%dma_start3A_48 : memref<8x65536xf32, #tpu.memory_space<vmem>>) target_semaphore(%arg8 : memref<!tpu.dma_semaphore, #tpu.memory_space<semaphore_mem>>)
    } else {
    }
    %add3A_11 = arith.constant 1 : i32
    %add3A_12 = arith.addi %arg1, %add3A_11 : i32
    %eq3A_13 = arith.constant 1 : i32
    %eq3A_14 = arith.cmpi eq, %add3A_12, %eq3A_13 : i32
    %convert_element_type3A_15 = arith.extui %eq3A_14 : i1 to i32
    %cond3A_16 = arith.constant 0 : i32
    %cond3A_17 = arith.cmpi ne, %convert_element_type3A_15, %cond3A_16 : i32
    scf.if %cond3A_17 {
      %mul3A = arith.constant 8 : i32
      %mul3A_28 = arith.muli %arg0, %mul3A : i32
      %dma_start3A = arith.constant 0 : i32
      %dma_start3A_29 = arith.constant 0 : i32
      %dma_start3A_30 = tpu.memref_slice %arg7[%dma_start3A, %dma_start3A_29] : memref<8x34816xf32, #tpu.memory_space<vmem>> -> memref<8x34432xf32, #tpu.memory_space<vmem>>
      %dma_start3A_31 = arith.constant 65536 : i32
      %dma_start3A_32 = tpu.memref_slice %arg2[%mul3A_28, %dma_start3A_31] : memref<64x100000xf32, #tpu.memory_space<any>> -> memref<8x34432xf32, #tpu.memory_space<any>>
      tpu.enqueue_dma source(%dma_start3A_32 : memref<8x34432xf32, #tpu.memory_space<any>>) target(%dma_start3A_30 : memref<8x34432xf32, #tpu.memory_space<vmem>>) target_semaphore(%arg8 : memref<!tpu.dma_semaphore, #tpu.memory_space<semaphore_mem>>)
      %mul3A_33 = arith.constant 8 : i32
      %mul3A_34 = arith.muli %arg0, %mul3A_33 : i32
      %dma_start3A_35 = arith.constant 0 : i32
      %dma_start3A_36 = tpu.memref_slice %arg3[%mul3A_34, %dma_start3A_35] : memref<64x32xf32, #tpu.memory_space<any>> -> memref<8x32xf32, #tpu.memory_space<any>>
      tpu.enqueue_dma source(%dma_start3A_36 : memref<8x32xf32, #tpu.memory_space<any>>) target(%arg6 : memref<8x32xf32, #tpu.memory_space<vmem>>) target_semaphore(%arg8 : memref<!tpu.dma_semaphore, #tpu.memory_space<semaphore_mem>>)
    } else {
    }
    %lt3A_18 = arith.constant 1 : i32
    %lt3A_19 = arith.cmpi slt, %arg1, %lt3A_18 : i32
    %convert_element_type3A_20 = arith.extui %lt3A_19 : i1 to i32
    %cond3A_21 = arith.constant 0 : i32
    %cond3A_22 = arith.cmpi ne, %convert_element_type3A_20, %cond3A_21 : i32
    scf.if %cond3A_22 {
      %jit3A = arith.constant 3 : i32
      %eq3A_28 = arith.constant 0 : i32
      %eq3A_29 = arith.cmpi eq, %jit3A, %eq3A_28 : i32
      %jit3A_30 = arith.constant 1 : i32
      %select_n3A = arith.select %eq3A_29, %jit3A_30, %jit3A : i32
      %rem3A = arith.remsi %arg1, %select_n3A : i32
      %ne3A = arith.constant 0 : i32
      %ne3A_31 = arith.cmpi ne, %rem3A, %ne3A : i32
      %lt3A_32 = arith.constant 0 : i32
      %lt3A_33 = arith.cmpi slt, %rem3A, %lt3A_32 : i32
      %lt3A_34 = arith.constant 0 : i32
      %lt3A_35 = arith.cmpi slt, %select_n3A, %lt3A_34 : i32
      %ne3A_36 = arith.xori %lt3A_33, %lt3A_35 : i1
      %and3A = arith.andi %ne3A_36, %ne3A_31 : i1
      %add3A_37 = arith.addi %rem3A, %select_n3A : i32
      %select_n3A_38 = arith.select %and3A, %add3A_37, %rem3A : i32
      %mul3A = arith.constant 8 : i32
      %mul3A_39 = arith.muli %arg0, %mul3A : i32
      %mul3A_40 = arith.constant 65536 : i32
      %mul3A_41 = arith.muli %arg1, %mul3A_40 : i32
      %dma_wait3A = arith.constant 0 : i32
      %dma_wait3A_42 = arith.constant 0 : i32
      %dma_wait3A_43 = tpu.memref_slice %arg5[%select_n3A_38, %dma_wait3A, %dma_wait3A_42] : memref<3x8x65536xf32, #tpu.memory_space<vmem>> -> memref<1x8x65536xf32, #tpu.memory_space<vmem>>
      %dma_wait3A_44 = tpu.memref_squeeze %dma_wait3A_43 : memref<1x8x65536xf32, #tpu.memory_space<vmem>> -> memref<8x65536xf32, #tpu.memory_space<vmem>>
      %dma_wait3A_45 = tpu.memref_slice %arg2[%mul3A_39, %mul3A_41] : memref<64x100000xf32, #tpu.memory_space<any>> -> memref<8x65536xf32, #tpu.memory_space<any>>
      tpu.wait_dma2 semaphore(%arg8 : memref<!tpu.dma_semaphore, #tpu.memory_space<semaphore_mem>>) src(%dma_wait3A_45 : memref<8x65536xf32, #tpu.memory_space<any>>) dst(%dma_wait3A_44 : memref<8x65536xf32, #tpu.memory_space<vmem>>)
      %mul3A_46 = arith.constant 8 : i32
      %mul3A_47 = arith.muli %arg0, %mul3A_46 : i32
      %add3A_48 = arith.constant 0 : i32
      %add3A_49 = arith.addi %mul3A_47, %add3A_48 : i32
      %mul3A_50 = arith.constant 100352 : i32
      %mul3A_51 = arith.muli %add3A_49, %mul3A_50 : i32
      %mul3A_52 = arith.constant 65536 : i32
      %mul3A_53 = arith.muli %arg1, %mul3A_52 : i32
      %add3A_54 = arith.addi %mul3A_51, %mul3A_53 : i32
      %dma_start3A = arith.constant 0 : i32
      %dma_start3A_55 = tpu.memref_slice %arg4[%add3A_54] : memref<6422528xf32, #tpu.memory_space<any>> -> memref<65536xf32, #tpu.memory_space<any>>
      %dma_start3A_56 = arith.constant 0 : i32
      %dma_start3A_57 = arith.constant 0 : i32
      %dma_start3A_58 = tpu.memref_slice %arg5[%select_n3A_38, %dma_start3A_56, %dma_start3A_57] : memref<3x8x65536xf32, #tpu.memory_space<vmem>> -> memref<1x8x65536xf32, #tpu.memory_space<vmem>>
      %dma_start3A_59 = tpu.memref_squeeze %dma_start3A_58 : memref<1x8x65536xf32, #tpu.memory_space<vmem>> -> memref<8x65536xf32, #tpu.memory_space<vmem>>
      %dma_start3A_60 = arith.constant 0 : i32
      %dma_start3A_61 = tpu.memref_slice %dma_start3A_59[%dma_start3A, %dma_start3A_60] : memref<8x65536xf32, #tpu.memory_space<vmem>> -> memref<1x65536xf32, #tpu.memory_space<vmem>>
      %dma_start3A_62 = tpu.memref_squeeze %dma_start3A_61 : memref<1x65536xf32, #tpu.memory_space<vmem>> -> memref<65536xf32, #tpu.memory_space<vmem>>
      tpu.enqueue_dma source(%dma_start3A_62 : memref<65536xf32, #tpu.memory_space<vmem>>) target(%dma_start3A_55 : memref<65536xf32, #tpu.memory_space<any>>) target_semaphore(%arg9 : memref<!tpu.dma_semaphore, #tpu.memory_space<semaphore_mem>>)
      %mul3A_63 = arith.constant 8 : i32
      %mul3A_64 = arith.muli %arg0, %mul3A_63 : i32
      %add3A_65 = arith.constant 1 : i32
      %add3A_66 = arith.addi %mul3A_64, %add3A_65 : i32
      %mul3A_67 = arith.constant 100352 : i32
      %mul3A_68 = arith.muli %add3A_66, %mul3A_67 : i32
      %mul3A_69 = arith.constant 65536 : i32
      %mul3A_70 = arith.muli %arg1, %mul3A_69 : i32
      %add3A_71 = arith.addi %mul3A_68, %mul3A_70 : i32
      %dma_start3A_72 = arith.constant 1 : i32
      %dma_start3A_73 = tpu.memref_slice %arg4[%add3A_71] : memref<6422528xf32, #tpu.memory_space<any>> -> memref<65536xf32, #tpu.memory_space<any>>
      %dma_start3A_74 = arith.constant 0 : i32
      %dma_start3A_75 = arith.constant 0 : i32
      %dma_start3A_76 = tpu.memref_slice %arg5[%select_n3A_38, %dma_start3A_74, %dma_start3A_75] : memref<3x8x65536xf32, #tpu.memory_space<vmem>> -> memref<1x8x65536xf32, #tpu.memory_space<vmem>>
      %dma_start3A_77 = tpu.memref_squeeze %dma_start3A_76 : memref<1x8x65536xf32, #tpu.memory_space<vmem>> -> memref<8x65536xf32, #tpu.memory_space<vmem>>
      %dma_start3A_78 = arith.constant 0 : i32
      %dma_start3A_79 = tpu.memref_slice %dma_start3A_77[%dma_start3A_72, %dma_start3A_78] : memref<8x65536xf32, #tpu.memory_space<vmem>> -> memref<1x65536xf32, #tpu.memory_space<vmem>>
      %dma_start3A_80 = tpu.memref_squeeze %dma_start3A_79 : memref<1x65536xf32, #tpu.memory_space<vmem>> -> memref<65536xf32, #tpu.memory_space<vmem>>
      tpu.enqueue_dma source(%dma_start3A_80 : memref<65536xf32, #tpu.memory_space<vmem>>) target(%dma_start3A_73 : memref<65536xf32, #tpu.memory_space<any>>) target_semaphore(%arg9 : memref<!tpu.dma_semaphore, #tpu.memory_space<semaphore_mem>>)
      %mul3A_81 = arith.constant 8 : i32
      %mul3A_82 = arith.muli %arg0, %mul3A_81 : i32
      %add3A_83 = arith.constant 2 : i32
      %add3A_84 = arith.addi %mul3A_82, %add3A_83 : i32
      %mul3A_85 = arith.constant 100352 : i32
      %mul3A_86 = arith.muli %add3A_84, %mul3A_85 : i32
      %mul3A_87 = arith.constant 65536 : i32
      %mul3A_88 = arith.muli %arg1, %mul3A_87 : i32
      %add3A_89 = arith.addi %mul3A_86, %mul3A_88 : i32
      %dma_start3A_90 = arith.constant 2 : i32
      %dma_start3A_91 = tpu.memref_slice %arg4[%add3A_89] : memref<6422528xf32, #tpu.memory_space<any>> -> memref<65536xf32, #tpu.memory_space<any>>
      %dma_start3A_92 = arith.constant 0 : i32
      %dma_start3A_93 = arith.constant 0 : i32
      %dma_start3A_94 = tpu.memref_slice %arg5[%select_n3A_38, %dma_start3A_92, %dma_start3A_93] : memref<3x8x65536xf32, #tpu.memory_space<vmem>> -> memref<1x8x65536xf32, #tpu.memory_space<vmem>>
      %dma_start3A_95 = tpu.memref_squeeze %dma_start3A_94 : memref<1x8x65536xf32, #tpu.memory_space<vmem>> -> memref<8x65536xf32, #tpu.memory_space<vmem>>
      %dma_start3A_96 = arith.constant 0 : i32
      %dma_start3A_97 = tpu.memref_slice %dma_start3A_95[%dma_start3A_90, %dma_start3A_96] : memref<8x65536xf32, #tpu.memory_space<vmem>> -> memref<1x65536xf32, #tpu.memory_space<vmem>>
      %dma_start3A_98 = tpu.memref_squeeze %dma_start3A_97 : memref<1x65536xf32, #tpu.memory_space<vmem>> -> memref<65536xf32, #tpu.memory_space<vmem>>
      tpu.enqueue_dma source(%dma_start3A_98 : memref<65536xf32, #tpu.memory_space<vmem>>) target(%dma_start3A_91 : memref<65536xf32, #tpu.memory_space<any>>) target_semaphore(%arg9 : memref<!tpu.dma_semaphore, #tpu.memory_space<semaphore_mem>>)
      %mul3A_99 = arith.constant 8 : i32
      %mul3A_100 = arith.muli %arg0, %mul3A_99 : i32
      %add3A_101 = arith.constant 3 : i32
      %add3A_102 = arith.addi %mul3A_100, %add3A_101 : i32
      %mul3A_103 = arith.constant 100352 : i32
      %mul3A_104 = arith.muli %add3A_102, %mul3A_103 : i32
      %mul3A_105 = arith.constant 65536 : i32
      %mul3A_106 = arith.muli %arg1, %mul3A_105 : i32
      %add3A_107 = arith.addi %mul3A_104, %mul3A_106 : i32
      %dma_start3A_108 = arith.constant 3 : i32
      %dma_start3A_109 = tpu.memref_slice %arg4[%add3A_107] : memref<6422528xf32, #tpu.memory_space<any>> -> memref<65536xf32, #tpu.memory_space<any>>
      %dma_start3A_110 = arith.constant 0 : i32
      %dma_start3A_111 = arith.constant 0 : i32
      %dma_start3A_112 = tpu.memref_slice %arg5[%select_n3A_38, %dma_start3A_110, %dma_start3A_111] : memref<3x8x65536xf32, #tpu.memory_space<vmem>> -> memref<1x8x65536xf32, #tpu.memory_space<vmem>>
      %dma_start3A_113 = tpu.memref_squeeze %dma_start3A_112 : memref<1x8x65536xf32, #tpu.memory_space<vmem>> -> memref<8x65536xf32, #tpu.memory_space<vmem>>
      %dma_start3A_114 = arith.constant 0 : i32
      %dma_start3A_115 = tpu.memref_slice %dma_start3A_113[%dma_start3A_108, %dma_start3A_114] : memref<8x65536xf32, #tpu.memory_space<vmem>> -> memref<1x65536xf32, #tpu.memory_space<vmem>>
      %dma_start3A_116 = tpu.memref_squeeze %dma_start3A_115 : memref<1x65536xf32, #tpu.memory_space<vmem>> -> memref<65536xf32, #tpu.memory_space<vmem>>
      tpu.enqueue_dma source(%dma_start3A_116 : memref<65536xf32, #tpu.memory_space<vmem>>) target(%dma_start3A_109 : memref<65536xf32, #tpu.memory_space<any>>) target_semaphore(%arg9 : memref<!tpu.dma_semaphore, #tpu.memory_space<semaphore_mem>>)
      %mul3A_117 = arith.constant 8 : i32
      %mul3A_118 = arith.muli %arg0, %mul3A_117 : i32
      %add3A_119 = arith.constant 4 : i32
      %add3A_120 = arith.addi %mul3A_118, %add3A_119 : i32
      %mul3A_121 = arith.constant 100352 : i32
      %mul3A_122 = arith.muli %add3A_120, %mul3A_121 : i32
      %mul3A_123 = arith.constant 65536 : i32
      %mul3A_124 = arith.muli %arg1, %mul3A_123 : i32
      %add3A_125 = arith.addi %mul3A_122, %mul3A_124 : i32
      %dma_start3A_126 = arith.constant 4 : i32
      %dma_start3A_127 = tpu.memref_slice %arg4[%add3A_125] : memref<6422528xf32, #tpu.memory_space<any>> -> memref<65536xf32, #tpu.memory_space<any>>
      %dma_start3A_128 = arith.constant 0 : i32
      %dma_start3A_129 = arith.constant 0 : i32
      %dma_start3A_130 = tpu.memref_slice %arg5[%select_n3A_38, %dma_start3A_128, %dma_start3A_129] : memref<3x8x65536xf32, #tpu.memory_space<vmem>> -> memref<1x8x65536xf32, #tpu.memory_space<vmem>>
      %dma_start3A_131 = tpu.memref_squeeze %dma_start3A_130 : memref<1x8x65536xf32, #tpu.memory_space<vmem>> -> memref<8x65536xf32, #tpu.memory_space<vmem>>
      %dma_start3A_132 = arith.constant 0 : i32
      %dma_start3A_133 = tpu.memref_slice %dma_start3A_131[%dma_start3A_126, %dma_start3A_132] : memref<8x65536xf32, #tpu.memory_space<vmem>> -> memref<1x65536xf32, #tpu.memory_space<vmem>>
      %dma_start3A_134 = tpu.memref_squeeze %dma_start3A_133 : memref<1x65536xf32, #tpu.memory_space<vmem>> -> memref<65536xf32, #tpu.memory_space<vmem>>
      tpu.enqueue_dma source(%dma_start3A_134 : memref<65536xf32, #tpu.memory_space<vmem>>) target(%dma_start3A_127 : memref<65536xf32, #tpu.memory_space<any>>) target_semaphore(%arg9 : memref<!tpu.dma_semaphore, #tpu.memory_space<semaphore_mem>>)
      %mul3A_135 = arith.constant 8 : i32
      %mul3A_136 = arith.muli %arg0, %mul3A_135 : i32
      %add3A_137 = arith.constant 5 : i32
      %add3A_138 = arith.addi %mul3A_136, %add3A_137 : i32
      %mul3A_139 = arith.constant 100352 : i32
      %mul3A_140 = arith.muli %add3A_138, %mul3A_139 : i32
      %mul3A_141 = arith.constant 65536 : i32
      %mul3A_142 = arith.muli %arg1, %mul3A_141 : i32
      %add3A_143 = arith.addi %mul3A_140, %mul3A_142 : i32
      %dma_start3A_144 = arith.constant 5 : i32
      %dma_start3A_145 = tpu.memref_slice %arg4[%add3A_143] : memref<6422528xf32, #tpu.memory_space<any>> -> memref<65536xf32, #tpu.memory_space<any>>
      %dma_start3A_146 = arith.constant 0 : i32
      %dma_start3A_147 = arith.constant 0 : i32
      %dma_start3A_148 = tpu.memref_slice %arg5[%select_n3A_38, %dma_start3A_146, %dma_start3A_147] : memref<3x8x65536xf32, #tpu.memory_space<vmem>> -> memref<1x8x65536xf32, #tpu.memory_space<vmem>>
      %dma_start3A_149 = tpu.memref_squeeze %dma_start3A_148 : memref<1x8x65536xf32, #tpu.memory_space<vmem>> -> memref<8x65536xf32, #tpu.memory_space<vmem>>
      %dma_start3A_150 = arith.constant 0 : i32
      %dma_start3A_151 = tpu.memref_slice %dma_start3A_149[%dma_start3A_144, %dma_start3A_150] : memref<8x65536xf32, #tpu.memory_space<vmem>> -> memref<1x65536xf32, #tpu.memory_space<vmem>>
      %dma_start3A_152 = tpu.memref_squeeze %dma_start3A_151 : memref<1x65536xf32, #tpu.memory_space<vmem>> -> memref<65536xf32, #tpu.memory_space<vmem>>
      tpu.enqueue_dma source(%dma_start3A_152 : memref<65536xf32, #tpu.memory_space<vmem>>) target(%dma_start3A_145 : memref<65536xf32, #tpu.memory_space<any>>) target_semaphore(%arg9 : memref<!tpu.dma_semaphore, #tpu.memory_space<semaphore_mem>>)
      %mul3A_153 = arith.constant 8 : i32
      %mul3A_154 = arith.muli %arg0, %mul3A_153 : i32
      %add3A_155 = arith.constant 6 : i32
      %add3A_156 = arith.addi %mul3A_154, %add3A_155 : i32
      %mul3A_157 = arith.constant 100352 : i32
      %mul3A_158 = arith.muli %add3A_156, %mul3A_157 : i32
      %mul3A_159 = arith.constant 65536 : i32
      %mul3A_160 = arith.muli %arg1, %mul3A_159 : i32
      %add3A_161 = arith.addi %mul3A_158, %mul3A_160 : i32
      %dma_start3A_162 = arith.constant 6 : i32
      %dma_start3A_163 = tpu.memref_slice %arg4[%add3A_161] : memref<6422528xf32, #tpu.memory_space<any>> -> memref<65536xf32, #tpu.memory_space<any>>
      %dma_start3A_164 = arith.constant 0 : i32
      %dma_start3A_165 = arith.constant 0 : i32
      %dma_start3A_166 = tpu.memref_slice %arg5[%select_n3A_38, %dma_start3A_164, %dma_start3A_165] : memref<3x8x65536xf32, #tpu.memory_space<vmem>> -> memref<1x8x65536xf32, #tpu.memory_space<vmem>>
      %dma_start3A_167 = tpu.memref_squeeze %dma_start3A_166 : memref<1x8x65536xf32, #tpu.memory_space<vmem>> -> memref<8x65536xf32, #tpu.memory_space<vmem>>
      %dma_start3A_168 = arith.constant 0 : i32
      %dma_start3A_169 = tpu.memref_slice %dma_start3A_167[%dma_start3A_162, %dma_start3A_168] : memref<8x65536xf32, #tpu.memory_space<vmem>> -> memref<1x65536xf32, #tpu.memory_space<vmem>>
      %dma_start3A_170 = tpu.memref_squeeze %dma_start3A_169 : memref<1x65536xf32, #tpu.memory_space<vmem>> -> memref<65536xf32, #tpu.memory_space<vmem>>
      tpu.enqueue_dma source(%dma_start3A_170 : memref<65536xf32, #tpu.memory_space<vmem>>) target(%dma_start3A_163 : memref<65536xf32, #tpu.memory_space<any>>) target_semaphore(%arg9 : memref<!tpu.dma_semaphore, #tpu.memory_space<semaphore_mem>>)
      %mul3A_171 = arith.constant 8 : i32
      %mul3A_172 = arith.muli %arg0, %mul3A_171 : i32
      %add3A_173 = arith.constant 7 : i32
      %add3A_174 = arith.addi %mul3A_172, %add3A_173 : i32
      %mul3A_175 = arith.constant 100352 : i32
      %mul3A_176 = arith.muli %add3A_174, %mul3A_175 : i32
      %mul3A_177 = arith.constant 65536 : i32
      %mul3A_178 = arith.muli %arg1, %mul3A_177 : i32
      %add3A_179 = arith.addi %mul3A_176, %mul3A_178 : i32
      %dma_start3A_180 = arith.constant 7 : i32
      %dma_start3A_181 = tpu.memref_slice %arg4[%add3A_179] : memref<6422528xf32, #tpu.memory_space<any>> -> memref<65536xf32, #tpu.memory_space<any>>
      %dma_start3A_182 = arith.constant 0 : i32
      %dma_start3A_183 = arith.constant 0 : i32
      %dma_start3A_184 = tpu.memref_slice %arg5[%select_n3A_38, %dma_start3A_182, %dma_start3A_183] : memref<3x8x65536xf32, #tpu.memory_space<vmem>> -> memref<1x8x65536xf32, #tpu.memory_space<vmem>>
      %dma_start3A_185 = tpu.memref_squeeze %dma_start3A_184 : memref<1x8x65536xf32, #tpu.memory_space<vmem>> -> memref<8x65536xf32, #tpu.memory_space<vmem>>
      %dma_start3A_186 = arith.constant 0 : i32
      %dma_start3A_187 = tpu.memref_slice %dma_start3A_185[%dma_start3A_180, %dma_start3A_186] : memref<8x65536xf32, #tpu.memory_space<vmem>> -> memref<1x65536xf32, #tpu.memory_space<vmem>>
      %dma_start3A_188 = tpu.memref_squeeze %dma_start3A_187 : memref<1x65536xf32, #tpu.memory_space<vmem>> -> memref<65536xf32, #tpu.memory_space<vmem>>
      tpu.enqueue_dma source(%dma_start3A_188 : memref<65536xf32, #tpu.memory_space<vmem>>) target(%dma_start3A_181 : memref<65536xf32, #tpu.memory_space<any>>) target_semaphore(%arg9 : memref<!tpu.dma_semaphore, #tpu.memory_space<semaphore_mem>>)
    } else {
    }
    %eq3A_23 = arith.constant 1 : i32
    %eq3A_24 = arith.cmpi eq, %arg1, %eq3A_23 : i32
    %convert_element_type3A_25 = arith.extui %eq3A_24 : i1 to i32
    %cond3A_26 = arith.constant 0 : i32
    %cond3A_27 = arith.cmpi ne, %convert_element_type3A_25, %cond3A_26 : i32
    scf.if %cond3A_27 {
      %mul3A = arith.constant 8 : i32
      %mul3A_28 = arith.muli %arg0, %mul3A : i32
      %dma_wait3A = arith.constant 0 : i32
      %dma_wait3A_29 = arith.constant 0 : i32
      %dma_wait3A_30 = tpu.memref_slice %arg7[%dma_wait3A, %dma_wait3A_29] : memref<8x34816xf32, #tpu.memory_space<vmem>> -> memref<8x34432xf32, #tpu.memory_space<vmem>>
      %dma_wait3A_31 = arith.constant 65536 : i32
      %dma_wait3A_32 = tpu.memref_slice %arg2[%mul3A_28, %dma_wait3A_31] : memref<64x100000xf32, #tpu.memory_space<any>> -> memref<8x34432xf32, #tpu.memory_space<any>>
      tpu.wait_dma2 semaphore(%arg8 : memref<!tpu.dma_semaphore, #tpu.memory_space<semaphore_mem>>) src(%dma_wait3A_32 : memref<8x34432xf32, #tpu.memory_space<any>>) dst(%dma_wait3A_30 : memref<8x34432xf32, #tpu.memory_space<vmem>>)
      %mul3A_33 = arith.constant 8 : i32
      %mul3A_34 = arith.muli %arg0, %mul3A_33 : i32
      %dma_wait3A_35 = arith.constant 0 : i32
      %dma_wait3A_36 = tpu.memref_slice %arg3[%mul3A_34, %dma_wait3A_35] : memref<64x32xf32, #tpu.memory_space<any>> -> memref<8x32xf32, #tpu.memory_space<any>>
      tpu.wait_dma2 semaphore(%arg8 : memref<!tpu.dma_semaphore, #tpu.memory_space<semaphore_mem>>) src(%dma_wait3A_36 : memref<8x32xf32, #tpu.memory_space<any>>) dst(%arg6 : memref<8x32xf32, #tpu.memory_space<vmem>>)
      %get3A = arith.constant 0 : index
      %get3A_37 = arith.constant 0 : index
      %get3A_38 = vector.load %arg6[%get3A, %get3A_37] : memref<8x32xf32, #tpu.memory_space<vmem>>, vector<8x32xf32>
      %swap3A = arith.constant 0 : index
      %swap3A_39 = arith.constant 34432 : index
      %swap3A_40 = vector.load %arg7[%swap3A, %swap3A_39] : memref<8x34816xf32, #tpu.memory_space<vmem>>, vector<8x32xf32>
      tpu.vector_store %arg7[%swap3A, %swap3A_39], %get3A_38 {strides = array<i32>} : memref<8x34816xf32, #tpu.memory_space<vmem>>, vector<8x32xf32>,
      %mul3A_41 = arith.constant 8 : i32
      %mul3A_42 = arith.muli %arg0, %mul3A_41 : i32
      %add3A_43 = arith.constant 0 : i32
      %add3A_44 = arith.addi %mul3A_42, %add3A_43 : i32
      %mul3A_45 = arith.constant 100352 : i32
      %mul3A_46 = arith.muli %add3A_44, %mul3A_45 : i32
      %add3A_47 = arith.constant 65536 : i32
      %add3A_48 = arith.addi %mul3A_46, %add3A_47 : i32
      %dma_start3A = arith.constant 0 : i32
      %dma_start3A_49 = tpu.memref_slice %arg4[%add3A_48] : memref<6422528xf32, #tpu.memory_space<any>> -> memref<34816xf32, #tpu.memory_space<any>>
      %dma_start3A_50 = arith.constant 0 : i32
      %dma_start3A_51 = tpu.memref_slice %arg7[%dma_start3A, %dma_start3A_50] : memref<8x34816xf32, #tpu.memory_space<vmem>> -> memref<1x34816xf32, #tpu.memory_space<vmem>>
      %dma_start3A_52 = tpu.memref_squeeze %dma_start3A_51 : memref<1x34816xf32, #tpu.memory_space<vmem>> -> memref<34816xf32, #tpu.memory_space<vmem>>
      tpu.enqueue_dma source(%dma_start3A_52 : memref<34816xf32, #tpu.memory_space<vmem>>) target(%dma_start3A_49 : memref<34816xf32, #tpu.memory_space<any>>) target_semaphore(%arg9 : memref<!tpu.dma_semaphore, #tpu.memory_space<semaphore_mem>>)
      %mul3A_53 = arith.constant 8 : i32
      %mul3A_54 = arith.muli %arg0, %mul3A_53 : i32
      %add3A_55 = arith.constant 1 : i32
      %add3A_56 = arith.addi %mul3A_54, %add3A_55 : i32
      %mul3A_57 = arith.constant 100352 : i32
      %mul3A_58 = arith.muli %add3A_56, %mul3A_57 : i32
      %add3A_59 = arith.constant 65536 : i32
      %add3A_60 = arith.addi %mul3A_58, %add3A_59 : i32
      %dma_start3A_61 = arith.constant 1 : i32
      %dma_start3A_62 = tpu.memref_slice %arg4[%add3A_60] : memref<6422528xf32, #tpu.memory_space<any>> -> memref<34816xf32, #tpu.memory_space<any>>
      %dma_start3A_63 = arith.constant 0 : i32
      %dma_start3A_64 = tpu.memref_slice %arg7[%dma_start3A_61, %dma_start3A_63] : memref<8x34816xf32, #tpu.memory_space<vmem>> -> memref<1x34816xf32, #tpu.memory_space<vmem>>
      %dma_start3A_65 = tpu.memref_squeeze %dma_start3A_64 : memref<1x34816xf32, #tpu.memory_space<vmem>> -> memref<34816xf32, #tpu.memory_space<vmem>>
      tpu.enqueue_dma source(%dma_start3A_65 : memref<34816xf32, #tpu.memory_space<vmem>>) target(%dma_start3A_62 : memref<34816xf32, #tpu.memory_space<any>>) target_semaphore(%arg9 : memref<!tpu.dma_semaphore, #tpu.memory_space<semaphore_mem>>)
      %mul3A_66 = arith.constant 8 : i32
      %mul3A_67 = arith.muli %arg0, %mul3A_66 : i32
      %add3A_68 = arith.constant 2 : i32
      %add3A_69 = arith.addi %mul3A_67, %add3A_68 : i32
      %mul3A_70 = arith.constant 100352 : i32
      %mul3A_71 = arith.muli %add3A_69, %mul3A_70 : i32
      %add3A_72 = arith.constant 65536 : i32
      %add3A_73 = arith.addi %mul3A_71, %add3A_72 : i32
      %dma_start3A_74 = arith.constant 2 : i32
      %dma_start3A_75 = tpu.memref_slice %arg4[%add3A_73] : memref<6422528xf32, #tpu.memory_space<any>> -> memref<34816xf32, #tpu.memory_space<any>>
      %dma_start3A_76 = arith.constant 0 : i32
      %dma_start3A_77 = tpu.memref_slice %arg7[%dma_start3A_74, %dma_start3A_76] : memref<8x34816xf32, #tpu.memory_space<vmem>> -> memref<1x34816xf32, #tpu.memory_space<vmem>>
      %dma_start3A_78 = tpu.memref_squeeze %dma_start3A_77 : memref<1x34816xf32, #tpu.memory_space<vmem>> -> memref<34816xf32, #tpu.memory_space<vmem>>
      tpu.enqueue_dma source(%dma_start3A_78 : memref<34816xf32, #tpu.memory_space<vmem>>) target(%dma_start3A_75 : memref<34816xf32, #tpu.memory_space<any>>) target_semaphore(%arg9 : memref<!tpu.dma_semaphore, #tpu.memory_space<semaphore_mem>>)
      %mul3A_79 = arith.constant 8 : i32
      %mul3A_80 = arith.muli %arg0, %mul3A_79 : i32
      %add3A_81 = arith.constant 3 : i32
      %add3A_82 = arith.addi %mul3A_80, %add3A_81 : i32
      %mul3A_83 = arith.constant 100352 : i32
      %mul3A_84 = arith.muli %add3A_82, %mul3A_83 : i32
      %add3A_85 = arith.constant 65536 : i32
      %add3A_86 = arith.addi %mul3A_84, %add3A_85 : i32
      %dma_start3A_87 = arith.constant 3 : i32
      %dma_start3A_88 = tpu.memref_slice %arg4[%add3A_86] : memref<6422528xf32, #tpu.memory_space<any>> -> memref<34816xf32, #tpu.memory_space<any>>
      %dma_start3A_89 = arith.constant 0 : i32
      %dma_start3A_90 = tpu.memref_slice %arg7[%dma_start3A_87, %dma_start3A_89] : memref<8x34816xf32, #tpu.memory_space<vmem>> -> memref<1x34816xf32, #tpu.memory_space<vmem>>
      %dma_start3A_91 = tpu.memref_squeeze %dma_start3A_90 : memref<1x34816xf32, #tpu.memory_space<vmem>> -> memref<34816xf32, #tpu.memory_space<vmem>>
      tpu.enqueue_dma source(%dma_start3A_91 : memref<34816xf32, #tpu.memory_space<vmem>>) target(%dma_start3A_88 : memref<34816xf32, #tpu.memory_space<any>>) target_semaphore(%arg9 : memref<!tpu.dma_semaphore, #tpu.memory_space<semaphore_mem>>)
      %mul3A_92 = arith.constant 8 : i32
      %mul3A_93 = arith.muli %arg0, %mul3A_92 : i32
      %add3A_94 = arith.constant 4 : i32
      %add3A_95 = arith.addi %mul3A_93, %add3A_94 : i32
      %mul3A_96 = arith.constant 100352 : i32
      %mul3A_97 = arith.muli %add3A_95, %mul3A_96 : i32
      %add3A_98 = arith.constant 65536 : i32
      %add3A_99 = arith.addi %mul3A_97, %add3A_98 : i32
      %dma_start3A_100 = arith.constant 4 : i32
      %dma_start3A_101 = tpu.memref_slice %arg4[%add3A_99] : memref<6422528xf32, #tpu.memory_space<any>> -> memref<34816xf32, #tpu.memory_space<any>>
      %dma_start3A_102 = arith.constant 0 : i32
      %dma_start3A_103 = tpu.memref_slice %arg7[%dma_start3A_100, %dma_start3A_102] : memref<8x34816xf32, #tpu.memory_space<vmem>> -> memref<1x34816xf32, #tpu.memory_space<vmem>>
      %dma_start3A_104 = tpu.memref_squeeze %dma_start3A_103 : memref<1x34816xf32, #tpu.memory_space<vmem>> -> memref<34816xf32, #tpu.memory_space<vmem>>
      tpu.enqueue_dma source(%dma_start3A_104 : memref<34816xf32, #tpu.memory_space<vmem>>) target(%dma_start3A_101 : memref<34816xf32, #tpu.memory_space<any>>) target_semaphore(%arg9 : memref<!tpu.dma_semaphore, #tpu.memory_space<semaphore_mem>>)
      %mul3A_105 = arith.constant 8 : i32
      %mul3A_106 = arith.muli %arg0, %mul3A_105 : i32
      %add3A_107 = arith.constant 5 : i32
      %add3A_108 = arith.addi %mul3A_106, %add3A_107 : i32
      %mul3A_109 = arith.constant 100352 : i32
      %mul3A_110 = arith.muli %add3A_108, %mul3A_109 : i32
      %add3A_111 = arith.constant 65536 : i32
      %add3A_112 = arith.addi %mul3A_110, %add3A_111 : i32
      %dma_start3A_113 = arith.constant 5 : i32
      %dma_start3A_114 = tpu.memref_slice %arg4[%add3A_112] : memref<6422528xf32, #tpu.memory_space<any>> -> memref<34816xf32, #tpu.memory_space<any>>
      %dma_start3A_115 = arith.constant 0 : i32
      %dma_start3A_116 = tpu.memref_slice %arg7[%dma_start3A_113, %dma_start3A_115] : memref<8x34816xf32, #tpu.memory_space<vmem>> -> memref<1x34816xf32, #tpu.memory_space<vmem>>
      %dma_start3A_117 = tpu.memref_squeeze %dma_start3A_116 : memref<1x34816xf32, #tpu.memory_space<vmem>> -> memref<34816xf32, #tpu.memory_space<vmem>>
      tpu.enqueue_dma source(%dma_start3A_117 : memref<34816xf32, #tpu.memory_space<vmem>>) target(%dma_start3A_114 : memref<34816xf32, #tpu.memory_space<any>>) target_semaphore(%arg9 : memref<!tpu.dma_semaphore, #tpu.memory_space<semaphore_mem>>)
      %mul3A_118 = arith.constant 8 : i32
      %mul3A_119 = arith.muli %arg0, %mul3A_118 : i32
      %add3A_120 = arith.constant 6 : i32
      %add3A_121 = arith.addi %mul3A_119, %add3A_120 : i32
      %mul3A_122 = arith.constant 100352 : i32
      %mul3A_123 = arith.muli %add3A_121, %mul3A_122 : i32
      %add3A_124 = arith.constant 65536 : i32
      %add3A_125 = arith.addi %mul3A_123, %add3A_124 : i32
      %dma_start3A_126 = arith.constant 6 : i32
      %dma_start3A_127 = tpu.memref_slice %arg4[%add3A_125] : memref<6422528xf32, #tpu.memory_space<any>> -> memref<34816xf32, #tpu.memory_space<any>>
      %dma_start3A_128 = arith.constant 0 : i32
      %dma_start3A_129 = tpu.memref_slice %arg7[%dma_start3A_126, %dma_start3A_128] : memref<8x34816xf32, #tpu.memory_space<vmem>> -> memref<1x34816xf32, #tpu.memory_space<vmem>>
      %dma_start3A_130 = tpu.memref_squeeze %dma_start3A_129 : memref<1x34816xf32, #tpu.memory_space<vmem>> -> memref<34816xf32, #tpu.memory_space<vmem>>
      tpu.enqueue_dma source(%dma_start3A_130 : memref<34816xf32, #tpu.memory_space<vmem>>) target(%dma_start3A_127 : memref<34816xf32, #tpu.memory_space<any>>) target_semaphore(%arg9 : memref<!tpu.dma_semaphore, #tpu.memory_space<semaphore_mem>>)
      %mul3A_131 = arith.constant 8 : i32
      %mul3A_132 = arith.muli %arg0, %mul3A_131 : i32
      %add3A_133 = arith.constant 7 : i32
      %add3A_134 = arith.addi %mul3A_132, %add3A_133 : i32
      %mul3A_135 = arith.constant 100352 : i32
      %mul3A_136 = arith.muli %add3A_134, %mul3A_135 : i32
      %add3A_137 = arith.constant 65536 : i32
      %add3A_138 = arith.addi %mul3A_136, %add3A_137 : i32
      %dma_start3A_139 = arith.constant 7 : i32
      %dma_start3A_140 = tpu.memref_slice %arg4[%add3A_138] : memref<6422528xf32, #tpu.memory_space<any>> -> memref<34816xf32, #tpu.memory_space<any>>
      %dma_start3A_141 = arith.constant 0 : i32
      %dma_start3A_142 = tpu.memref_slice %arg7[%dma_start3A_139, %dma_start3A_141] : memref<8x34816xf32, #tpu.memory_space<vmem>> -> memref<1x34816xf32, #tpu.memory_space<vmem>>
      %dma_start3A_143 = tpu.memref_squeeze %dma_start3A_142 : memref<1x34816xf32, #tpu.memory_space<vmem>> -> memref<34816xf32, #tpu.memory_space<vmem>>
      tpu.enqueue_dma source(%dma_start3A_143 : memref<34816xf32, #tpu.memory_space<vmem>>) target(%dma_start3A_140 : memref<34816xf32, #tpu.memory_space<any>>) target_semaphore(%arg9 : memref<!tpu.dma_semaphore, #tpu.memory_space<semaphore_mem>>)
      %dma_wait3A_144 = arith.constant 0 : i32
      %dma_wait3A_145 = tpu.memref_slice %arg4[%add3A_48] : memref<6422528xf32, #tpu.memory_space<any>> -> memref<34816xf32, #tpu.memory_space<any>>
      %dma_wait3A_146 = arith.constant 0 : i32
      %dma_wait3A_147 = tpu.memref_slice %arg7[%dma_wait3A_144, %dma_wait3A_146] : memref<8x34816xf32, #tpu.memory_space<vmem>> -> memref<1x34816xf32, #tpu.memory_space<vmem>>
      %dma_wait3A_148 = tpu.memref_squeeze %dma_wait3A_147 : memref<1x34816xf32, #tpu.memory_space<vmem>> -> memref<34816xf32, #tpu.memory_space<vmem>>
      tpu.wait_dma2 semaphore(%arg9 : memref<!tpu.dma_semaphore, #tpu.memory_space<semaphore_mem>>) src(%dma_wait3A_148 : memref<34816xf32, #tpu.memory_space<vmem>>) dst(%dma_wait3A_145 : memref<34816xf32, #tpu.memory_space<any>>)
      %dma_wait3A_149 = arith.constant 1 : i32
      %dma_wait3A_150 = tpu.memref_slice %arg4[%add3A_60] : memref<6422528xf32, #tpu.memory_space<any>> -> memref<34816xf32, #tpu.memory_space<any>>
      %dma_wait3A_151 = arith.constant 0 : i32
      %dma_wait3A_152 = tpu.memref_slice %arg7[%dma_wait3A_149, %dma_wait3A_151] : memref<8x34816xf32, #tpu.memory_space<vmem>> -> memref<1x34816xf32, #tpu.memory_space<vmem>>
      %dma_wait3A_153 = tpu.memref_squeeze %dma_wait3A_152 : memref<1x34816xf32, #tpu.memory_space<vmem>> -> memref<34816xf32, #tpu.memory_space<vmem>>
      tpu.wait_dma2 semaphore(%arg9 : memref<!tpu.dma_semaphore, #tpu.memory_space<semaphore_mem>>) src(%dma_wait3A_153 : memref<34816xf32, #tpu.memory_space<vmem>>) dst(%dma_wait3A_150 : memref<34816xf32, #tpu.memory_space<any>>)
      %dma_wait3A_154 = arith.constant 2 : i32
      %dma_wait3A_155 = tpu.memref_slice %arg4[%add3A_73] : memref<6422528xf32, #tpu.memory_space<any>> -> memref<34816xf32, #tpu.memory_space<any>>
      %dma_wait3A_156 = arith.constant 0 : i32
      %dma_wait3A_157 = tpu.memref_slice %arg7[%dma_wait3A_154, %dma_wait3A_156] : memref<8x34816xf32, #tpu.memory_space<vmem>> -> memref<1x34816xf32, #tpu.memory_space<vmem>>
      %dma_wait3A_158 = tpu.memref_squeeze %dma_wait3A_157 : memref<1x34816xf32, #tpu.memory_space<vmem>> -> memref<34816xf32, #tpu.memory_space<vmem>>
      tpu.wait_dma2 semaphore(%arg9 : memref<!tpu.dma_semaphore, #tpu.memory_space<semaphore_mem>>) src(%dma_wait3A_158 : memref<34816xf32, #tpu.memory_space<vmem>>) dst(%dma_wait3A_155 : memref<34816xf32, #tpu.memory_space<any>>)
      %dma_wait3A_159 = arith.constant 3 : i32
      %dma_wait3A_160 = tpu.memref_slice %arg4[%add3A_86] : memref<6422528xf32, #tpu.memory_space<any>> -> memref<34816xf32, #tpu.memory_space<any>>
      %dma_wait3A_161 = arith.constant 0 : i32
      %dma_wait3A_162 = tpu.memref_slice %arg7[%dma_wait3A_159, %dma_wait3A_161] : memref<8x34816xf32, #tpu.memory_space<vmem>> -> memref<1x34816xf32, #tpu.memory_space<vmem>>
      %dma_wait3A_163 = tpu.memref_squeeze %dma_wait3A_162 : memref<1x34816xf32, #tpu.memory_space<vmem>> -> memref<34816xf32, #tpu.memory_space<vmem>>
      tpu.wait_dma2 semaphore(%arg9 : memref<!tpu.dma_semaphore, #tpu.memory_space<semaphore_mem>>) src(%dma_wait3A_163 : memref<34816xf32, #tpu.memory_space<vmem>>) dst(%dma_wait3A_160 : memref<34816xf32, #tpu.memory_space<any>>)
      %dma_wait3A_164 = arith.constant 4 : i32
      %dma_wait3A_165 = tpu.memref_slice %arg4[%add3A_99] : memref<6422528xf32, #tpu.memory_space<any>> -> memref<34816xf32, #tpu.memory_space<any>>
      %dma_wait3A_166 = arith.constant 0 : i32
      %dma_wait3A_167 = tpu.memref_slice %arg7[%dma_wait3A_164, %dma_wait3A_166] : memref<8x34816xf32, #tpu.memory_space<vmem>> -> memref<1x34816xf32, #tpu.memory_space<vmem>>
      %dma_wait3A_168 = tpu.memref_squeeze %dma_wait3A_167 : memref<1x34816xf32, #tpu.memory_space<vmem>> -> memref<34816xf32, #tpu.memory_space<vmem>>
      tpu.wait_dma2 semaphore(%arg9 : memref<!tpu.dma_semaphore, #tpu.memory_space<semaphore_mem>>) src(%dma_wait3A_168 : memref<34816xf32, #tpu.memory_space<vmem>>) dst(%dma_wait3A_165 : memref<34816xf32, #tpu.memory_space<any>>)
      %dma_wait3A_169 = arith.constant 5 : i32
      %dma_wait3A_170 = tpu.memref_slice %arg4[%add3A_112] : memref<6422528xf32, #tpu.memory_space<any>> -> memref<34816xf32, #tpu.memory_space<any>>
      %dma_wait3A_171 = arith.constant 0 : i32
      %dma_wait3A_172 = tpu.memref_slice %arg7[%dma_wait3A_169, %dma_wait3A_171] : memref<8x34816xf32, #tpu.memory_space<vmem>> -> memref<1x34816xf32, #tpu.memory_space<vmem>>
      %dma_wait3A_173 = tpu.memref_squeeze %dma_wait3A_172 : memref<1x34816xf32, #tpu.memory_space<vmem>> -> memref<34816xf32, #tpu.memory_space<vmem>>
      tpu.wait_dma2 semaphore(%arg9 : memref<!tpu.dma_semaphore, #tpu.memory_space<semaphore_mem>>) src(%dma_wait3A_173 : memref<34816xf32, #tpu.memory_space<vmem>>) dst(%dma_wait3A_170 : memref<34816xf32, #tpu.memory_space<any>>)
      %dma_wait3A_174 = arith.constant 6 : i32
      %dma_wait3A_175 = tpu.memref_slice %arg4[%add3A_125] : memref<6422528xf32, #tpu.memory_space<any>> -> memref<34816xf32, #tpu.memory_space<any>>
      %dma_wait3A_176 = arith.constant 0 : i32
      %dma_wait3A_177 = tpu.memref_slice %arg7[%dma_wait3A_174, %dma_wait3A_176] : memref<8x34816xf32, #tpu.memory_space<vmem>> -> memref<1x34816xf32, #tpu.memory_space<vmem>>
      %dma_wait3A_178 = tpu.memref_squeeze %dma_wait3A_177 : memref<1x34816xf32, #tpu.memory_space<vmem>> -> memref<34816xf32, #tpu.memory_space<vmem>>
      tpu.wait_dma2 semaphore(%arg9 : memref<!tpu.dma_semaphore, #tpu.memory_space<semaphore_mem>>) src(%dma_wait3A_178 : memref<34816xf32, #tpu.memory_space<vmem>>) dst(%dma_wait3A_175 : memref<34816xf32, #tpu.memory_space<any>>)
      %dma_wait3A_179 = arith.constant 7 : i32
      %dma_wait3A_180 = tpu.memref_slice %arg4[%add3A_138] : memref<6422528xf32, #tpu.memory_space<any>> -> memref<34816xf32, #tpu.memory_space<any>>
      %dma_wait3A_181 = arith.constant 0 : i32
      %dma_wait3A_182 = tpu.memref_slice %arg7[%dma_wait3A_179, %dma_wait3A_181] : memref<8x34816xf32, #tpu.memory_space<vmem>> -> memref<1x34816xf32, #tpu.memory_space<vmem>>
      %dma_wait3A_183 = tpu.memref_squeeze %dma_wait3A_182 : memref<1x34816xf32, #tpu.memory_space<vmem>> -> memref<34816xf32, #tpu.memory_space<vmem>>
      tpu.wait_dma2 semaphore(%arg9 : memref<!tpu.dma_semaphore, #tpu.memory_space<semaphore_mem>>) src(%dma_wait3A_183 : memref<34816xf32, #tpu.memory_space<vmem>>) dst(%dma_wait3A_180 : memref<34816xf32, #tpu.memory_space<any>>)
    } else {
    }
    return
  }
}

</mosaic_0001>

<sc_bundles>
// kernel: kernel.5.cloned.1.call-start
scs
__scs_entry_jumppad:
0x0: {  	(pc) =	sbr.rel $0x88, $3  }
0x1: {  	(tag) =	ssettag $0x0;
	lr =	simm.s32 $0x1  }
0x2: {  	[smem:$0x3F97] =	sst lr;
	_ =	strace $0xD0000000  }
0x3: {  	_ = 	snop  }
0x4: {  	_ = 	snop  }
0x5: {  	_ = 	snop  }
0x6: {  	_ = 	snop  }
0x7: {  	_ = 	snop  }
__scs_overlays_trampoline_lowered:
0x8: {  	[smem:$0x3FA6] =	sst s0  }
0x9: {  	[smem:$0x3FA7] =	sst s1  }
0xa: {  	[smem:$0x3FA8] =	sst s2  }
0xb: {  	[smem:$0x3FA9] =	sst s3  }
0xc: {  	[smem:$0x3FAA] =	sst s4  }
0xd: {  	[smem:$0x3FAB] =	sst s5  }
0xe: {  	[smem:$0x3FAC] =	sst s6  }
0xf: {  	[smem:$0x3FAD] =	sst s7  }
0x10: {  	[smem:$0x3FAE] =	sst s8  }
0x11: {  	[smem:$0x3FAF] =	sst s9;
	s0 =	simm.s32 @!p0 $0x0  }
0x12: {  	s1 =	sld [smem:$0x3F95];
	s0 =	simm.s32 @p0 $0x1  }
0x13: {  	[smem:$0x3FB0] =	sst s0;
	s0 =	simm.s32 @!p1 $0x0  }
0x14: {  	s2 =	sld [smem:$0x3F94];
	s0 =	simm.s32 @p1 $0x1  }
0x15: {  	[smem:$0x3FB1] =	sst s0;
	s0 =	simm.s32 @!p2 $0x0  }
0x16: {  	s3 =	sld [smem:$0x3FDB];
	s0 =	simm.s32 @p2 $0x1  }
0x17: {  	s4 =	simm.s32 $0x1BF5;
	[smem:$0x3FB3] =	sst s0  }
0x18: {  	s0 =	sld [smem:$0x3F96];
	_ =	swait.ge [sflag:s4], $0x0  }
0x19: {  	s7 =	sld [smem:$0x3F97]  }
0x1a: {  	s8 =	sadd.s32 $0xFFFFE003, lr  }
0x1b: {  	s9 =	sadd.s32 $0xFFFFFEF7, lr;
	s5 =	simm.s32 $0xFFFFFFFF;
	p2 =	slt.u32 s8, $0xFFFFF086  }
0x1c: {  	p1 =	slt.u32 s9, $0xF7A;
	s5 =	simm.s32 @!p2 $0x0  }
0x1d: {  	s5 =	simm.s32 @p1 $0x1;
	p0 =	seq.s32 s7, s2  }
0x1e: {  	s7 =	smul.u32 @!p0 $0xF7A, s2;
	p2 =	seq.s32 @!p0 s5, $0x0  }
0x1f: {  	s9 =	smul.u32 $0xF7A, s1;
	s8 =	simm.s32 @!p0 $0x1BF5;
	p2 =	por !p2, p0  }
0x20: {  	[sflag:s8] =	ssyncset.s32 @!p0 $0xFFFFF086;
	s6 =	sadd.s32 @!p0 s3, s7;
	s7 =	simm.s32 @!p0 $0x108  }
0x21: {  	s3 =	sadd.s32 s3, s9;
	s6 =	sadd.s32 @!p0 $0x88, s6;
	s7 =	simm.s32 @p2 $0x1082  }
0x22: {  	[simem:s7], [sflag:s8] =	dma.local @!p0 [hbm:s6], $0xF7A  }
0x23: {  	s9 =	sor.u32 $0xD0000000, s2;
	s6 =	simm.s32 $0x108;
	_ =	swait.ge @!p0 [sflag:s8], $0x0  }
0x24: {  	s3 =	sadd.s32 $0x88, s3;
	s6 =	simm.s32 @!p1 $0x1082;
	[sflag:s4] =	ssyncset.s32 $0xFFFFF086  }
0x25: {  	[simem:s6], [sflag:s4] =	dma.local [hbm:s3], $0xF7A  }
0x26: {  	[smem:$0x3F97] =	sst s1;
	(tag) =	ssettag s2;
	_ =	strace s9  }
0x27: {  	s1 =	sld [smem:$0x3FA7]  }
0x28: {  	s2 =	sld [smem:$0x3FA8]  }
0x29: {  	s4 =	sld [smem:$0x3FAA]  }
0x2a: {  	p0 =	seq.s32 s5, $0x0;
	s5 =	sld [smem:$0x3FAB]  }
0x2b: {  	s6 =	sld [smem:$0x3FAC]  }
0x2c: {  	s7 =	sld [smem:$0x3FAD]  }
0x2d: {  	s3 =	simm.s32 $0x108;
	s8 =	sld [smem:$0x3FAE]  }
0x2e: {  	s3 =	simm.s32 @!p0 $0x1082;
	s9 =	sld [smem:$0x3FAF]  }
0x2f: {  	lr =	sadd.s32 s0, s3;
	s0 =	sld [smem:$0x3FA6]  }
0x30: {  	s3 =	sld [smem:$0x3FA9]  }
0x31: {  	[smem:$0x3FB2] =	sst s10  }
0x32: {  	s10 =	sld [smem:$0x3FB0];
	_ =	sdelay $0x3  }
0x33: {  	p0 =	seq.s32 s10, $0x1;
	s10 =	sld [smem:$0x3FB2];
	_ =	sdelay $0x3  }
0x34: {  	[smem:$0x3FB2] =	sst s10  }
0x35: {  	s10 =	sld [smem:$0x3FB1];
	_ =	sdelay $0x3  }
0x36: {  	p1 =	seq.s32 s10, $0x1;
	s10 =	sld [smem:$0x3FB2];
	_ =	sdelay $0x3  }
0x37: {  	[smem:$0x3FB2] =	sst s10  }
0x38: {  	s10 =	sld [smem:$0x3FB3]  }
0x39: {  	_ = 	snop;
	(pc) =	sbr.ind lr, $3  }
0x3a: {  	_ = 	snop  }
0x3b: {  	_ = 	snop  }
0x3c: {  	p2 =	seq.s32 s10, $0x1;
	s10 =	sld [smem:$0x3FB2]  }
0x3d: {  	_ =	shalt  }
0x3e: {  	_ =	shalt  }
0x3f: {  	_ =	shalt  }
0x40: {  	_ =	shalt  }
0x41: {  	_ =	shalt  }
0x42: {  	_ =	shalt  }
0x43: {  	_ =	shalt  }
0x44: {  	_ =	shalt  }
0x45: {  	_ =	shalt  }
0x46: {  	_ =	shalt  }
0x47: {  	_ =	shalt  }
0x48: {  	_ =	shalt  }
0x49: {  	_ =	shalt  }
0x4a: {  	_ =	shalt  }
0x4b: {  	_ =	shalt  }
0x4c: {  	_ =	shalt  }
0x4d: {  	_ =	shalt  }
0x4e: {  	_ =	shalt  }
0x4f: {  	_ =	shalt  }
0x50: {  	_ =	shalt  }
0x51: {  	_ =	shalt  }
0x52: {  	_ =	shalt  }
0x53: {  	_ =	shalt  }
0x54: {  	_ =	shalt  }
0x55: {  	_ =	shalt  }
0x56: {  	_ =	shalt  }
0x57: {  	_ =	shalt  }
0x58: {  	_ =	shalt  }
0x59: {  	_ =	shalt  }
0x5a: {  	_ =	shalt  }
0x5b: {  	_ =	shalt  }
0x5c: {  	_ =	shalt  }
0x5d: {  	_ =	shalt  }
0x5e: {  	_ =	shalt  }
0x5f: {  	_ =	shalt  }
0x60: {  	_ =	shalt  }
0x61: {  	_ =	shalt  }
0x62: {  	_ =	shalt  }
0x63: {  	_ =	shalt  }
0x64: {  	_ =	shalt  }
0x65: {  	_ =	shalt  }
0x66: {  	_ =	shalt  }
0x67: {  	_ =	shalt  }
0x68: {  	_ =	shalt  }
0x69: {  	_ =	shalt  }
0x6a: {  	_ =	shalt  }
0x6b: {  	_ =	shalt  }
0x6c: {  	_ =	shalt  }
0x6d: {  	_ =	shalt  }
0x6e: {  	_ =	shalt  }
0x6f: {  	_ =	shalt  }
0x70: {  	_ =	shalt  }
0x71: {  	_ =	shalt  }
0x72: {  	_ =	shalt  }
0x73: {  	_ =	shalt  }
0x74: {  	_ =	shalt  }
0x75: {  	_ =	shalt  }
0x76: {  	_ =	shalt  }
0x77: {  	_ =	shalt  }
0x78: {  	_ =	shalt  }
0x79: {  	_ =	shalt  }
0x7a: {  	_ =	shalt  }
0x7b: {  	_ =	shalt  }
0x7c: {  	_ =	shalt  }
0x7d: {  	_ =	shalt  }
0x7e: {  	_ =	shalt  }
0x7f: {  	_ =	shalt  }
0x80: {  	_ =	shalt  }
0x81: {  	_ =	shalt  }
0x82: {  	_ =	shalt  }
0x83: {  	_ =	shalt  }
0x84: {  	_ =	shalt  }
0x85: {  	_ =	shalt  }
0x86: {  	_ =	shalt  }
0x87: {  	_ =	shalt  }
.Lfunc_end0:
.L_simem_size_0:
called_computation_lowered:
.L_overlay_start_0:
0x88: {  	s2 =	sld [smem:$0x3FD9]  }
0x89: {  	s3 =	sld [smem:$0x3FFE];
	_ =	sdelay $0x1  }
0x8a: {  	s1 =	srdreg.scid  }
0x8b: {  	s0 =	sand.u32 $0x1, s1  }
0x8c: {  	s17 =	sshll.u32 s0, $0xA;
	s2 =	sadd.s32 s3, s2  }
0x8d: {  	s2 =	sadd.s32 s2, s17  }
0x8e: {  	[smem:$0x3FBE] =	sst s2  }
0x8f: {  	_ = 	snop  }
0x90: {  	s2 =	sld [smem:$0x3FC9]  }
0x91: {  	s18 =	sld [smem:$0x3FC8]  }
0x92: {  	s4 =	sld [smem:$0x3FC7]  }
0x93: {  	s5 =	sld [smem:$0x3FC6]  }
0x94: {  	s6 =	sld [smem:$0x3FD0];
	(tm) =	ssettm $0x1  }
0x95: {  	s7 =	sld [smem:$0x3FFB];
	_ =	sdelay $0x3  }
0x96: {  	_ =	strace s7  }
0x97: {  	s7 =	sld [smem:$0x3FFC];
	_ =	sdelay $0x3  }
0x98: {  	_ =	strace s7  }
0x99: {  	s7 =	sld [smem:$0x3FFD];
	_ =	sdelay $0x3  }
0x9a: {  	_ =	strace s7  }
0x9b: {  	_ =	strace $0x8FFFFFFF  }
0x9c: {  	s19 =	sld [smem:$0x3FDB];
	_ =	sdelay $0x1  }
0x9d: {  	s8 =	simm.s32 $_scs_section_size  }
0x9e: {  	s9 =	simm.s32 $_size__tile_overlayer_lowered;
	s10 =	simm.s32 $_tile_overlayer_lowered  }
0x9f: {  	s22 =	simm.s32 $0x1BFF;
	s21 =	sshll.u32 s10, $0x1;
	s7 =	sadd.s32 s8, s19  }
0xa0: {  	s11 =	simm.s32 $0x0;
	s20 =	sshll.u32 s9, $0x1;
	s9 =	sadd.s32 s21, s7  }
0xa1: {  	[timem:s11], [sflag:s22] =	dma.local [hbm:s9], s20  }
0xa2: {  	_ =	swait.ge [sflag:s22], s20  }
0xa3: {  	s8 =	ssub.s32 $0x0, s20;
	[sflag:s22] =	ssyncset.done $0x0  }
0xa4: {  	[sflag:s22] =	ssyncadd.s32 s8;
	_ =	sdelay $0x1  }
0xa5: {  	s23 =	simm.s32 $0x1B8B  }
0xa6: {  	_ =	swait.ge [sflag:s23], $0x1  }
0xa7: {  	[sflag:s23] =	ssyncset.done $0x0  }
0xa8: {  	s25 =	simm.s32 $0x1B8E;
	s24 =	sld [smem:$0x3FFE];
	[sflag:s23] =	ssyncadd.s32 $0xFFFFFFFF  }
0xa9: {  	s26 =	simm.s32 $execute0_lowered;
	[smem:$0x3FD2] =	sst s25  }
0xaa: {  	s9 =	sshll.u32 s26, $0x1;
	_ =	strace $0x80000046;
	[dreg:$0x1] =	wrdreg $0xFFFFFFFF  }
0xab: {  	s28 =	simm.s32 $_size_execute0_lowered;
	s7 =	sadd.s32 s7, s9;
	[dreg:$0x0] =	wrdreg $0x0  }
0xac: {  	s9 =	sshll.u32 s28, $0x1;
	[dreg:$0x2] =	wrdreg s7  }
0xad: {  	[dreg:$0x3] =	wrdreg s9  }
0xae: {  	[dreg:$0x4] =	wrdreg $0xC0  }
0xaf: {  	_ =	task [dreg:s11], $0x5FFFF  }
0xb0: {  	[dreg:$0x1] =	wrdreg $0xFFFFFFFF  }
0xb1: {  	[dreg:$0x0] =	wrdreg $0x60  }
0xb2: {  	[dreg:$0x2] =	wrdreg s24  }
0xb3: {  	[dreg:$0x3] =	wrdreg s2  }
0xb4: {  	[dreg:$0x4] =	wrdreg s18  }
0xb5: {  	[dreg:$0x5] =	wrdreg s4  }
0xb6: {  	[dreg:$0x6] =	wrdreg s5  }
0xb7: {  	[dreg:$0x7] =	wrdreg s6  }
0xb8: {  	[dreg:$0x8] =	wrdreg $0x9  }
0xb9: {  	_ =	task.clear_ibuf [dreg:s11], $0x9FFFF;
	_ =	strace $0x90000046  }
0xba: {  	s29 =	simm.s32 $0x9;
	_ =	strace $0x80000048  }
0xbb: {  	_ =	swait.ge [sflag:s29], $0x1  }
0xbc: {  	[sflag:s29] =	ssyncadd.s32 $0xFFFFFFFF  }
0xbd: {  	_ =	strace $0x90000048  }
0xbe: {  	_ =	sfence  }
0xbf: {  	s30 =	sld [smem:$0x0];
	_ =	sdelay $0x2  }
0xc0: {  	s31 =	sshll.u32 s1, $0xD;
	s1 =	sshrl.u32 s1, $0x2  }
0xc1: {  	s3 =	sand.u32 $0x4000, s31;
	s1 =	sadd.s32 s1, s30  }
0xc2: {  	s0 =	sor.u32 s3, s0;
	s1 =	sshll.u32 s1, $0x11  }
0xc3: {  	s0 =	sor.u32 s1, s0  }
0xc4: {  	s0 =	sadd.s32 $0x8F2B, s0  }
0xc5: {  	[sflag:s0] =	ssyncadd.remote.s32 $0x1  }
0xc6: {  	_ =	sfence.sel $0xFFFF  }
0xc7: {  	[dreg:$0x0] =	wrdreg $0xFFFFFFFF;
	(pc) =	sbr.abs _section_cstart, $3  }
0xc8: {  	[dreg:$0x1] =	wrdreg $0xFFFFFFFF  }
0xc9: {  	_ =	task.clear_ibuf [dreg:s11], $0x2FFFF;
	_ =	strace $0x9FFFFFFF  }
0xca: {  	(tm) =	ssettm $0x7FFFFFFF  }
0xcb: {  	_ =	shalt  }
tec
execute0_lowered:
.L_overlay_start_1:
0x0: {  	(tag) =	ssettag $0x1  }
0x1: {  	s7 =	rddreg [dreg:$0x0]  }
0x2: {  	s0 =	rddreg [dreg:$0x1]  }
0x3: {  	s1 =	rddreg [dreg:$0x2]  }
0x4: {  	s4 =	rddreg [dreg:$0x3]  }
0x5: {  	s6 =	rddreg [dreg:$0x4]  }
0x6: {  	s9 =	rddreg [dreg:$0x5];
	s2 =	simm.s32 $0x0;
	s20 =	srdreg.scid  }
0x7: {  	s11 =	stileid.u32;
	s15 =	simm.s32 $0x2;
	s16 =	simm.s32 $0x200  }
0x8: {  	s17 =	simm.s32 $0x400;
	s18 =	simm.s32 $0x600;
	s19 =	simm.s32 $0x10800  }
0x9: {  	s28 =	simm.s32 $0x100;
	s30 =	simm.s32 $0x300;
	s29 =	simm.s32 $0x1  }
0xa: {  	[smem:$0x7FF] =	sst s2;
	s3 =	sadd.s32 $0xE6200, s7;
	s5 =	sadd.s32 $0x22200, s7  }
0xb: {  	s8 =	sadd.s32 $0x200, s7;
	s10 =	sadd.s32 $0x3800, s7;
	s11 =	sshll.u32 s11, $0x7  }
0xc: {  	_ =	strace $0x80000047;
	[dreg:$0x7] =	wrdreg s8;
	s8 =	sand.u32 $0x1, s20  }
0xd: {  	s7 =	sadd.s32 $0x600, s7;
	[dreg:$0x8] =	wrdreg s10;
	s12 =	sshll.u32 s8, $0x6  }
0xe: {  	s31 =	simm.s32 $0x12C00;
	[dreg:$0x9] =	wrdreg s7;
	s11 =	sor.u32 s12, s11  }
0xf: {  	s20 =	simm.s32 $0x10E00;
	s21 =	ssub.s32 $0x2, s8;
	s0 =	sadd.s32 s0, s11  }
0x10: {  	s13 =	sshrl.u32 s21, $0x1;
	s22 =	sadd.s32 s1, s11;
	[dreg:$0xa] =	wrdreg s0  }
0x11: {  	s10 =	ssub.s32 s21, s13;
	s23 =	sadd.s32 s4, s11;
	[dreg:$0xb] =	wrdreg s22  }
0x12: {  	s24 =	sadd.s32 s6, s11;
	s25 =	sadd.s32 s9, s11;
	[dreg:$0xc] =	wrdreg s23  }
0x13: {  	s21 =	simm.s32 $0x80;
	s4 =	simm.s32 $0x0;
	[dreg:$0xd] =	wrdreg s24  }
0x14: {  	[dreg:$0xe] =	wrdreg s25;
	s26 =	smax.u32 s10, $0x1;
	s22 =	simm.s32 $0x12800  }
0x15: {  	s23 =	simm.s32 $0x12A00;
	s25 =	simm.s32 $0x280;
	s0 =	simm.s32 $0x180  }
0x16: {  	v0 =	vlaneseq.u32;
	s24 =	simm.s32 $0x380;
	[dreg:$0xf] =	wrdreg s26;
	s26 =	simm.s32 $0x0  }
.LBB2_1:
0x17: {  	s1 =	rddreg [dreg:$0xa]  }
0x18: {  	[tilespmem:s2], [sflag:$0x2] =	stream.linear.gather [hbm4b:s1+s2], $0x200, $0x38;
	[tilespmem:$0x12E00] =	vst v63  }
0x19: {  	_ =	swait.ge [sflag:s15], $0x200  }
0x1a: {  	[sflag:s15] =	ssyncset.done $0x0  }
0x1b: {  	s14 =	rddreg [dreg:$0xb];
	[sflag:s15] =	ssyncadd.s32 $0xFFFFFE00  }
0x1c: {  	[tilespmem:s16], [sflag:$0x2] =	stream.linear.gather [hbm4b:s14+s2], $0x200, $0x38;
	[tilespmem:$0x12E00] =	vst v63  }
0x1d: {  	_ =	swait.ge [sflag:s15], $0x200  }
0x1e: {  	[sflag:s15] =	ssyncset.done $0x0  }
0x1f: {  	s6 =	rddreg [dreg:$0xc];
	[sflag:s15] =	ssyncadd.s32 $0xFFFFFE00  }
0x20: {  	[tilespmem:s17], [sflag:$0x2] =	stream.linear.gather [hbm4b:s6+s2], $0x200, $0x38;
	[tilespmem:$0x12E00] =	vst v63  }
0x21: {  	_ =	swait.ge [sflag:s15], $0x200  }
0x22: {  	[sflag:s15] =	ssyncset.done $0x0  }
0x23: {  	s7 =	rddreg [dreg:$0xd];
	[sflag:s15] =	ssyncadd.s32 $0xFFFFFE00  }
0x24: {  	[tilespmem:s18], [sflag:$0x2] =	stream.linear.gather [hbm4b:s7+s2], $0x200, $0x38;
	[tilespmem:$0x12E00] =	vst v63  }
0x25: {  	_ =	swait.ge [sflag:s15], $0x200  }
0x26: {  	[sflag:s15] =	ssyncset.done $0x0  }
0x27: {  	[sflag:s15] =	ssyncadd.s32 $0xFFFFFE00  }
0x28: {  	s8 =	rddreg [dreg:$0x0]  }
0x29: {  	[tilespmem:s19], [sflag:$0x1] =	stream.linear.gather [hbm4b:s8+s2], $0x600, $0x38;
	[tilespmem:$0x12E00] =	vst v63  }
0x2a: {  	s9 =	rddreg [dreg:$0x7]  }
0x2b: {  	[tilespmem:s20], [sflag:$0x1] =	stream.linear.gather [hbm4b:s9+s2], $0x1A00, $0x38;
	[tilespmem:$0x12E00] =	vst v63  }
0x2c: {  	s10 =	rddreg [dreg:$0x8]  }
0x2d: {  	[tilespmem:s22], [sflag:$0x1] =	stream.indirect.gather [hbm4b:s10+s21], $0x1, s2, s21, $0xb8;
	[tilespmem:$0x12E00] =	vst v63  }
0x2e: {  	s6 =	rddreg [dreg:$0x9]  }
0x2f: {  	[tilespmem:s23], [sflag:$0x1] =	stream.indirect.gather [hbm4b:s6+s21], $0x1, s16, s21, $0xb8;
	[tilespmem:$0x12E00] =	vst v63  }
0x30: {  	s7 =	simm.s32 $0x12880  }
0x31: {  	[tilespmem:s7], [sflag:$0x1] =	stream.indirect.gather [hbm4b:s10+s21], $0x1, s21, s21, $0xb8;
	[tilespmem:$0x12E00] =	vst v63  }
0x32: {  	s11 =	simm.s32 $0x12A80  }
0x33: {  	[tilespmem:s11], [sflag:$0x1] =	stream.indirect.gather [hbm4b:s6+s21], $0x1, s25, s21, $0xb8;
	[tilespmem:$0x12E00] =	vst v63  }
0x34: {  	s12 =	simm.s32 $0x12900  }
0x35: {  	[tilespmem:s12], [sflag:$0x1] =	stream.indirect.gather [hbm4b:s10+s21], $0x1, s28, s21, $0xb8;
	[tilespmem:$0x12E00] =	vst v63  }
0x36: {  	s13 =	simm.s32 $0x12B00  }
0x37: {  	[tilespmem:s13], [sflag:$0x1] =	stream.indirect.gather [hbm4b:s6+s21], $0x1, s30, s21, $0xb8;
	[tilespmem:$0x12E00] =	vst v63  }
0x38: {  	s14 =	simm.s32 $0x12980  }
0x39: {  	[tilespmem:s14], [sflag:$0x1] =	stream.indirect.gather [hbm4b:s10+s21], $0x1, s0, s21, $0xb8;
	[tilespmem:$0x12E00] =	vst v63  }
0x3a: {  	s7 =	simm.s32 $0x12B80  }
0x3b: {  	[tilespmem:s7], [sflag:$0x1] =	stream.indirect.gather [hbm4b:s6+s21], $0x1, s24, s21, $0xb8;
	[tilespmem:$0x12E00] =	vst v63  }
0x3c: {  	s8 =	simm.s32 $0x800  }
0x3d: {  	[tilespmem:s8], [sflag:$0x1] =	stream.indirect.gather [hbm4b:s3+s21], $0x1, s2, s21, $0xb8;
	[tilespmem:$0x12E00] =	vst v63  }
0x3e: {  	s9 =	simm.s32 $0x8800  }
0x3f: {  	[tilespmem:s9], [sflag:$0x1] =	stream.indirect.gather [hbm4b:s5+s21], $0x1, s16, s21, $0xb8;
	[tilespmem:$0x12E00] =	vst v63  }
0x40: {  	s10 =	simm.s32 $0x880  }
0x41: {  	[tilespmem:s10], [sflag:$0x1] =	stream.indirect.gather [hbm4b:s3+s21], $0x1, s21, s21, $0xb8;
	[tilespmem:$0x12E00] =	vst v63  }
0x42: {  	s11 =	simm.s32 $0x8880  }
0x43: {  	[tilespmem:s11], [sflag:$0x1] =	stream.indirect.gather [hbm4b:s5+s21], $0x1, s25, s21, $0xb8;
	[tilespmem:$0x12E00] =	vst v63  }
0x44: {  	s1 =	sadd.s32 $0x3100, s5;
	s12 =	simm.s32 $0x900;
	s13 =	simm.s32 $0x8900  }
0x45: {  	[tilespmem:s12], [sflag:$0x1] =	stream.indirect.gather [hbm4b:s3+s21], $0x1, s28, s21, $0xb8;
	[tilespmem:$0x12E00] =	vst v63  }
0x46: {  	s14 =	simm.s32 $0x980;
	s6 =	simm.s32 $0x200;
	s9 =	sadd.s32 $0x1E880, s3  }
0x47: {  	[tilespmem:s13], [sflag:$0x1] =	stream.indirect.gather [hbm4b:s5+s21], $0x1, s30, s21, $0xb8;
	[tilespmem:$0x12E00] =	vst v63  }
0x48: {  	s10 =	smov.u32 s5;
	s11 =	simm.s32 $0x1000;
	s12 =	simm.s32 $0x8980  }
0x49: {  	[tilespmem:s14], [sflag:$0x1] =	stream.indirect.gather [hbm4b:s3+s21], $0x1, s0, s21, $0xb8;
	[tilespmem:$0x12E00] =	vst v63  }
.LBB2_2:
0x4a: {  	[tilespmem:s12], [sflag:$0x1] =	stream.indirect.gather [hbm4b:s10+s21], $0x1, s24, s21, $0xb8;
	[tilespmem:$0x12E00] =	vst v63  }
0x4b: {  	s12 =	smov.u32 s6;
	s6 =	smov.u32 s11;
	s10 =	smov.u32 s1  }
0x4c: {  	s13 =	sadd.s32 $0x800, s11;
	s6 =	sshra.s32 s6, $0x2;
	s14 =	sadd.s32 $0x800, s12  }
0x4d: {  	[tilespmem:s14], [sflag:$0x1] =	stream.indirect.gather [hbm4b:s9+s21], $0x1, s2, s21, $0xb8;
	[tilespmem:$0x12E00] =	vst v63  }
0x4e: {  	p0 =	sne.s32 s11, $0x1F800;
	s11 =	sadd.s32 $0x8800, s12  }
0x4f: {  	[tilespmem:s11], [sflag:$0x1] =	stream.indirect.gather [hbm4b:s1+s21], $0x1, s16, s21, $0xb8;
	[tilespmem:$0x12E00] =	vst v63  }
0x50: {  	s11 =	sadd.s32 $0x880, s12  }
0x51: {  	[tilespmem:s11], [sflag:$0x1] =	stream.indirect.gather [hbm4b:s9+s21], $0x1, s21, s21, $0xb8;
	[tilespmem:$0x12E00] =	vst v63  }
0x52: {  	s11 =	sadd.s32 $0x8880, s12  }
0x53: {  	[tilespmem:s11], [sflag:$0x1] =	stream.indirect.gather [hbm4b:s1+s21], $0x1, s25, s21, $0xb8;
	[tilespmem:$0x12E00] =	vst v63  }
0x54: {  	s11 =	sadd.s32 $0x900, s12  }
0x55: {  	[tilespmem:s11], [sflag:$0x1] =	stream.indirect.gather [hbm4b:s9+s21], $0x1, s28, s21, $0xb8;
	[tilespmem:$0x12E00] =	vst v63  }
.Ltmp0:
0x56: {  	s11 =	sadd.s32 $0x8900, s12;
	(pc) =	sbr.rel @p0 .LBB2_2-.Ltmp0, $4  }
0x57: {  	[tilespmem:s11], [sflag:$0x1] =	stream.indirect.gather [hbm4b:s1+s21], $0x1, s30, s21, $0xb8;
	[tilespmem:$0x12E00] =	vst v63  }
0x58: {  	s11 =	sadd.s32 $0x980, s12;
	s12 =	sadd.s32 $0x8980, s12  }
0x59: {  	[tilespmem:s11], [sflag:$0x1] =	stream.indirect.gather [hbm4b:s9+s21], $0x1, s0, s21, $0xb8;
	[tilespmem:$0x12E00] =	vst v63  }
0x5a: {  	s1 =	sadd.s32 $0x3100, s1;
	s9 =	sadd.s32 $0x1E880, s9;
	s11 =	smov.u32 s13  }
0x5b: {  	[tilespmem:s12], [sflag:$0x1] =	stream.indirect.gather [hbm4b:s10+s21], $0x1, s24, s21, $0xb8;
	[tilespmem:$0x12E00] =	vst v63  }
0x5c: {  	s13 =	sadd.s32 $0x800, s6  }
0x5d: {  	[tilespmem:s13], [sflag:$0x1] =	stream.indirect.gather [hbm4b:s9+s21], $0x1, s2, s21, $0xb8;
	[tilespmem:$0x12E00] =	vst v63  }
0x5e: {  	s14 =	sadd.s32 $0x8800, s6  }
0x5f: {  	[tilespmem:s14], [sflag:$0x1] =	stream.indirect.gather [hbm4b:s1+s21], $0x1, s16, s21, $0xb8;
	[tilespmem:$0x12E00] =	vst v63  }
0x60: {  	s7 =	sadd.s32 $0x880, s6  }
0x61: {  	[tilespmem:s7], [sflag:$0x1] =	stream.indirect.gather [hbm4b:s9+s21], $0x1, s21, s21, $0xb8;
	[tilespmem:$0x12E00] =	vst v63  }
0x62: {  	s8 =	sadd.s32 $0x8880, s6  }
0x63: {  	[tilespmem:s8], [sflag:$0x1] =	stream.indirect.gather [hbm4b:s1+s21], $0x1, s25, s21, $0xb8;
	[tilespmem:$0x12E00] =	vst v63  }
0x64: {  	s11 =	sadd.s32 $0x900, s6  }
0x65: {  	[tilespmem:s11], [sflag:$0x1] =	stream.indirect.gather [hbm4b:s9+s21], $0x1, s28, s21, $0xb8;
	[tilespmem:$0x12E00] =	vst v63  }
0x66: {  	s12 =	sadd.s32 $0x8900, s6  }
0x67: {  	[tilespmem:s12], [sflag:$0x1] =	stream.indirect.gather [hbm4b:s1+s21], $0x1, s30, s21, $0xb8;
	[tilespmem:$0x12E00] =	vst v63  }
0x68: {  	s13 =	sadd.s32 $0x980, s6  }
0x69: {  	[tilespmem:s13], [sflag:$0x1] =	stream.indirect.gather [hbm4b:s9+s21], $0x1, s0, s21, $0xb8;
	[tilespmem:$0x12E00] =	vst v63  }
0x6a: {  	s14 =	sadd.s32 $0x8980, s6  }
0x6b: {  	[tilespmem:s14], [sflag:$0x1] =	stream.indirect.gather [hbm4b:s1+s21], $0x1, s24, s21, $0xb8;
	[tilespmem:$0x12E00] =	vst v63  }
0x6c: {  	_ =	swait.ge [sflag:s29], $0x600  }
0x6d: {  	[sflag:s29] =	ssyncset.done $0x0  }
0x6e: {  	[sflag:s29] =	ssyncadd.s32 $0xFFFFFA00  }
0x6f: {  	_ =	swait.ge [sflag:s29], $0x1A00  }
0x70: {  	[sflag:s29] =	ssyncset.done $0x0  }
0x71: {  	[sflag:s29] =	ssyncadd.s32 $0xFFFFE600  }
0x72: {  	_ =	swait.ge [sflag:s29], $0x80  }
0x73: {  	[sflag:s29] =	ssyncset.done $0x0  }
0x74: {  	[sflag:s29] =	ssyncadd.s32 $0xFFFFFF80  }
0x75: {  	_ =	swait.ge [sflag:s29], $0x80  }
0x76: {  	[sflag:s29] =	ssyncset.done $0x0  }
0x77: {  	[sflag:s29] =	ssyncadd.s32 $0xFFFFFF80  }
0x78: {  	_ =	swait.ge [sflag:s29], $0x80  }
0x79: {  	[sflag:s29] =	ssyncset.done $0x0  }
0x7a: {  	[sflag:s29] =	ssyncadd.s32 $0xFFFFFF80  }
0x7b: {  	_ =	swait.ge [sflag:s29], $0x80  }
0x7c: {  	[sflag:s29] =	ssyncset.done $0x0  }
0x7d: {  	[sflag:s29] =	ssyncadd.s32 $0xFFFFFF80  }
0x7e: {  	_ =	swait.ge [sflag:s29], $0x80  }
0x7f: {  	[sflag:s29] =	ssyncset.done $0x0  }
0x80: {  	[sflag:s29] =	ssyncadd.s32 $0xFFFFFF80  }
0x81: {  	_ =	swait.ge [sflag:s29], $0x80  }
0x82: {  	[sflag:s29] =	ssyncset.done $0x0  }
0x83: {  	[sflag:s29] =	ssyncadd.s32 $0xFFFFFF80  }
0x84: {  	_ =	swait.ge [sflag:s29], $0x80  }
0x85: {  	[sflag:s29] =	ssyncset.done $0x0  }
0x86: {  	[sflag:s29] =	ssyncadd.s32 $0xFFFFFF80  }
0x87: {  	_ =	swait.ge [sflag:s29], $0x80  }
0x88: {  	[sflag:s29] =	ssyncset.done $0x0  }
0x89: {  	[sflag:s29] =	ssyncadd.s32 $0xFFFFFF80  }
0x8a: {  	_ =	swait.ge [sflag:s29], $0x8000  }
0x8b: {  	[sflag:s29] =	ssyncset.done $0x0  }
0x8c: {  	[sflag:s29] =	ssyncadd.s32 $0xFFFF8000  }
0x8d: {  	_ =	swait.ge [sflag:s29], $0x8000  }
0x8e: {  	s10 =	simm.s32 $0x1000;
	[sflag:s29] =	ssyncset.done $0x0  }
0x8f: {  	s11 =	simm.s32 $0x9000;
	s9 =	simm.s32 $0x0;
	[sflag:s29] =	ssyncadd.s32 $0xFFFF8000  }
.LBB2_4:
0x90: {  	v2 =	vld [tilespmem:s10+$0x400]  }
0x91: {  	s1 =	sshll.u32 s9, $0x4;
	v4 =	vld [tilespmem:s10+$0x200]  }
0x92: {  	v11 =	vld [tilespmem:s11+$0x600];
	v1 =	vor.u32 s1, v0  }
0x93: {  	v3 =	vld [tilespmem:s10+$0x0]  }
0x94: {  	v13 =	vld [tilespmem:s11+$0x400]  }
0x95: {  	v5 =	vld [tilespmem:s10+$0xFFFFFE00]  }
0x96: {  	v18 =	vld [tilespmem:s11+$0x200]  }
0x97: {  	v7 =	vld.idx.msk [tilespmem:v1+s18+$0x0], $0xffff  }
0x98: {  	v8 =	vld.idx.msk [tilespmem:v1+s17+$0x0], $0xffff  }
0x99: {  	v9 =	vmov s26;
	v6 =	vld [tilespmem:s10+$0xFFFFFC00]  }
0x9a: {  	s13 =	simm.s32 $0x7;
	v10 =	vimm.f32 $0.0e+00;
	s6 =	simm.s32 $0x5;
	v20 =	vld [tilespmem:s11+$0x0];
	v16 =	vmul.u32 $0x68, v9;
	v19 =	vmul.u32 $0x18, v9  }
0x9b: {  	s12 =	simm.s32 $0x6;
	v21 =	vld [tilespmem:s11+$0xFFFFFE00];
	v23 =	vimm.f32 $0.0e+00;
	v12 =	vmov s13;
	v15 =	vmov s6  }
0x9c: {  	s14 =	simm.s32 $0x4;
	v17 =	vld [tilespmem:s10+$0xFFFFF800];
	v14 =	vmov s12;
	v22 =	vmul.u32 $0x18, v12;
	v28 =	vadd.s32 v7, v16  }
0x9d: {  	v24 =	vld [tilespmem:s11+$0xFFFFFC00];
	v27 =	vmov s14;
	s14 =	simm.s32 $0x1;
	s13 =	simm.s32 $0x8;
	v26 =	vmul.u32 $0x18, v14;
	v29 =	vadd.s32 v8, v19  }
0x9e: {  	v9 =	vld [tilespmem:s10+$0xFFFFFA00];
	s1 =	smov.u32 s11;
	s12 =	simm.s32 $0x0;
	s6 =	smov.u32 s10;
	v30 =	vmul.u32 $0x18, v15;
	v25 =	vadd.s32 v8, v22;
	v16 =	vmovc v2;
	v19 =	vmovc v4;
	v22 =	vimm.f32 $0.0e+00  }
.LBB2_5:
0x9f: {  	p0 =	slt.u32 s13, $0x38;
	v31 =	vmov s14;
	v32 =	vld [tilespmem:s1+$0xFFFFFA00];
	v33 =	vmul.u32 $0x18, v27;
	v26 =	vadd.s32 v8, v26  }
0xa0: {  	s14 =	sadd.s32 $0x2, s12;
	v34 =	vld [tilespmem:s1+$0xFFFFF800];
	v35 =	vmul.u32 $0x18, v31;
	v30 =	vadd.s32 v8, v30  }
0xa1: {  	v31 =	vmul.u32 $0x68, v31;
	v36 =	vmov s14;
	s14 =	sadd.s32 $0x3, s12;
	s12 =	smov.u32 s13;
	v28 =	vld.idx.msk [tilespmem:v28+s20+$0x0], $0xffff;
	v33 =	vadd.s32 v8, v33  }
0xa2: {  	v37 =	vmul.u32 $0x18, v36;
	v38 =	vmov s14;
	v29 =	vld.idx.msk [tilespmem:v29+s19+$0x0], $0xffff;
	v35 =	vadd.s32 v8, v35  }
0xa3: {  	v39 =	vmov s13;
	s14 =	sadd.s32 $0x7, s13;
	v31 =	vadd.s32 v7, v31;
	v40 =	vmul.u32 $0x18, v38;
	v41 =	vld.idx.msk [tilespmem:v25+s19+$0x0], $0xffff  }
0xa4: {  	s7 =	sadd.s32 $0x5, s13;
	s8 =	sadd.s32 $0x6, s13;
	v42 =	vmov s14;
	v37 =	vadd.s32 v8, v37;
	v25 =	vmul.u32 $0x68, v36;
	v36 =	vld.idx.msk [tilespmem:v26+s19+$0x0], $0xffff  }
0xa5: {  	v43 =	vmov s7;
	v44 =	vmov s8;
	v40 =	vadd.s32 v8, v40;
	v30 =	vld.idx.msk [tilespmem:v30+s19+$0x0], $0xffff  }
0xa6: {  	v38 =	vmul.u32 $0x68, v38;
	v26 =	vmul.u32 $0x68, v39;
	v45 =	vadd.s32 v7, v25;
	v33 =	vld.idx.msk [tilespmem:v33+s19+$0x0], $0xffff  }
0xa7: {  	v46 =	vmul.u32 $0x68, v12;
	v12 =	vmovc v42;
	v25 =	vmul.u32 $0x18, v39;
	v39 =	vmul.u32 $0x68, v14;
	v14 =	vmovc v44;
	v35 =	vld.idx.msk [tilespmem:v35+s19+$0x0], $0xffff  }
0xa8: {  	v27 =	vmul.u32 $0x68, v27;
	v42 =	vmul.u32 $0x68, v15;
	v15 =	vmovc v43;
	v38 =	vadd.s32 v7, v38;
	v31 =	vld.idx.msk [tilespmem:v31+s20+$0x0], $0xffff  }
0xa9: {  	v43 =	vmul.u32 $0x18, v12;
	v44 =	vadd.s32 v7, v46;
	v39 =	vadd.s32 v7, v39;
	v37 =	vld.idx.msk [tilespmem:v37+s19+$0x0], $0xffff  }
0xaa: {  	v27 =	vadd.s32 v7, v27;
	v42 =	vadd.s32 v7, v42;
	v46 =	vmul.f32 v16, v2;
	v40 =	vld.idx.msk [tilespmem:v40+s19+$0x0], $0xffff  }
0xab: {  	v16 =	vadd.f32 v29, v34;
	v34 =	vmul.f32 v3, v3;
	v29 =	vld.idx.msk [tilespmem:v45+s20+$0x0], $0xffff;
	v45 =	vmul.f32 v19, v4  }
0xac: {  	v47 =	vmul.f32 v6, v6;
	v48 =	vmul.f32 v5, v5;
	v41 =	vadd.f32 v41, v11  }
0xad: {  	v11 =	vadd.f32 v28, v16;
	v19 =	vmul.f32 v9, v9;
	v16 =	vadd.f32 v35, v32;
	v28 =	vld.idx.msk [tilespmem:v38+s20+$0x0], $0xffff  }
0xae: {  	v18 =	vadd.f32 v30, v18;
	v30 =	vadd.f32 v36, v13;
	v32 =	vmul.f32 v17, v17  }
0xaf: {  	v13 =	vmul.f32 v11, v17;
	v16 =	vadd.f32 v31, v16;
	v17 =	vadd.f32 v37, v24;
	v24 =	vld.idx.msk [tilespmem:v27+s20+$0x0], $0xffff  }
0xb0: {  	v11 =	vmul.f32 v11, v11;
	v20 =	vadd.f32 v33, v20;
	v21 =	vadd.f32 v40, v21  }
0xb1: {  	v10 =	vadd.f32 v13, v10;
	v9 =	vmul.f32 v16, v9;
	v13 =	vadd.f32 v29, v17;
	v17 =	vld.idx.msk [tilespmem:v42+s20+$0x0], $0xffff  }
0xb2: {  	v11 =	vadd.f32 v11, v22;
	v23 =	vadd.f32 v32, v23;
	v22 =	vmul.f32 v16, v16;
	v27 =	vld [tilespmem:s6+$0x600]  }
0xb3: {  	v9 =	vadd.f32 v9, v10;
	v6 =	vmul.f32 v13, v6;
	v10 =	vadd.f32 v28, v21;
	s6 =	sadd.s32 $0x1000, s6;
	v21 =	vld.idx.msk [tilespmem:v39+s20+$0x0], $0xffff  }
0xb4: {  	v23 =	vadd.f32 v19, v23;
	v11 =	vadd.f32 v22, v11;
	v13 =	vmul.f32 v13, v13;
	v16 =	vld [tilespmem:s6+$0x400]  }
0xb5: {  	v6 =	vadd.f32 v6, v9;
	v5 =	vmul.f32 v10, v5;
	v9 =	vadd.f32 v24, v20;
	v20 =	vld.idx.msk [tilespmem:v44+s20+$0x0], $0xffff  }
0xb6: {  	s1 =	sadd.s32 $0x1000, s1;
	v22 =	vadd.f32 v47, v23;
	v13 =	vadd.f32 v13, v11;
	v10 =	vmul.f32 v10, v10;
	v19 =	vld [tilespmem:s6+$0x200]  }
0xb7: {  	v5 =	vadd.f32 v5, v6;
	v6 =	vmul.f32 v9, v3;
	v17 =	vadd.f32 v17, v18;
	v11 =	vld [tilespmem:s1+$0x600]  }
0xb8: {  	v18 =	vadd.f32 v48, v22;
	v10 =	vadd.f32 v10, v13;
	v9 =	vmul.f32 v9, v9;
	v3 =	vld [tilespmem:s6+$0x0]  }
0xb9: {  	v6 =	vadd.f32 v6, v5;
	v28 =	vmul.f32 v17, v4;
	v21 =	vadd.f32 v21, v30;
	v13 =	vld [tilespmem:s1+$0x400]  }
0xba: {  	v22 =	vadd.f32 v34, v18;
	v9 =	vadd.f32 v9, v10;
	v10 =	vmul.f32 v17, v17;
	v5 =	vld [tilespmem:s6+$0xFFFFFE00]  }
0xbb: {  	v17 =	vadd.f32 v28, v6;
	v23 =	vmul.f32 v21, v2;
	v24 =	vadd.f32 v20, v41;
	v2 =	vmovc v16;
	v18 =	vld [tilespmem:s1+$0x200]  }
0xbc: {  	v22 =	vadd.f32 v45, v22;
	v10 =	vadd.f32 v10, v9;
	v21 =	vmul.f32 v21, v21;
	v4 =	vmovc v19;
	v6 =	vld [tilespmem:s6+$0xFFFFFC00]  }
.Ltmp1:
0xbd: {  	v17 =	vadd.f32 v23, v17;
	v23 =	vmul.f32 v24, v27;
	v27 =	vmul.f32 v27, v27;
	v20 =	vld [tilespmem:s1+$0x0];
	(pc) =	sbr.rel @p0 .LBB2_5-.Ltmp1, $4  }
0xbe: {  	v22 =	vadd.f32 v46, v22;
	v30 =	vadd.f32 v21, v10;
	v24 =	vmul.f32 v24, v24;
	v9 =	vld [tilespmem:s6+$0xFFFFFA00]  }
0xbf: {  	v28 =	vadd.s32 v7, v26;
	v26 =	vmul.u32 $0x18, v14;
	v10 =	vadd.f32 v23, v17;
	v21 =	vld [tilespmem:s1+$0xFFFFFE00]  }
0xc0: {  	s7 =	sadd.s32 $0x4, s13;
	v29 =	vadd.s32 v8, v25;
	v23 =	vadd.f32 v27, v22;
	v22 =	vadd.f32 v24, v30;
	v17 =	vld [tilespmem:s6+$0xFFFFF800]  }
0xc1: {  	s13 =	sadd.s32 $0x8, s13;
	s14 =	sadd.s32 $0x1, s12;
	v25 =	vadd.s32 v8, v43;
	v27 =	vmov s7;
	v30 =	vmul.u32 $0x18, v15;
	v24 =	vld [tilespmem:s1+$0xFFFFFC00]  }
0xc2: {  	v31 =	vmov s14  }
0xc3: {  	s7 =	sadd.s32 $0x2, s12;
	v32 =	vmul.u32 $0x18, v31  }
0xc4: {  	s14 =	sadd.s32 $0x3, s12;
	v31 =	vmul.u32 $0x68, v31;
	v33 =	vmov s7  }
0xc5: {  	v35 =	vmov s14;
	v34 =	vmul.u32 $0x18, v33;
	v32 =	vadd.s32 v8, v32  }
0xc6: {  	v38 =	vld [tilespmem:s1+$0xFFFFF800];
	v37 =	vmul.u32 $0x18, v35;
	v31 =	vadd.s32 v7, v31  }
0xc7: {  	v29 =	vld.idx.msk [tilespmem:v29+s19+$0x0], $0xffff;
	v33 =	vmul.u32 $0x68, v33;
	v34 =	vadd.s32 v8, v34  }
0xc8: {  	v36 =	vld [tilespmem:s1+$0xFFFFFA00];
	v39 =	vmul.u32 $0x18, v27;
	v37 =	vadd.s32 v8, v37  }
0xc9: {  	v28 =	vld.idx.msk [tilespmem:v28+s20+$0x0], $0xffff;
	v35 =	vmul.u32 $0x68, v35;
	v33 =	vadd.s32 v7, v33  }
0xca: {  	v39 =	vadd.s32 v8, v39;
	v32 =	vld.idx.msk [tilespmem:v32+s19+$0x0], $0xffff  }
0xcb: {  	v48 =	vmul.u32 $0x68, v27;
	v35 =	vadd.s32 v7, v35;
	v31 =	vld.idx.msk [tilespmem:v31+s20+$0x0], $0xffff  }
0xcc: {  	v30 =	vadd.s32 v8, v30;
	v29 =	vadd.f32 v29, v38;
	v34 =	vld.idx.msk [tilespmem:v34+s19+$0x0], $0xffff  }
0xcd: {  	v15 =	vmul.u32 $0x68, v15;
	v27 =	vadd.s32 v7, v48;
	v37 =	vld.idx.msk [tilespmem:v37+s19+$0x0], $0xffff  }
0xce: {  	v49 =	vadd.s32 v8, v26;
	v14 =	vmul.u32 $0x68, v14;
	v28 =	vadd.f32 v28, v29;
	v50 =	vld.idx.msk [tilespmem:v33+s20+$0x0], $0xffff  }
0xcf: {  	v57 =	vmul.f32 v9, v9;
	v15 =	vadd.s32 v7, v15;
	v51 =	vld.idx.msk [tilespmem:v39+s19+$0x0], $0xffff;
	v52 =	vadd.f32 v32, v36  }
0xd0: {  	v12 =	vmul.u32 $0x68, v12;
	v55 =	vmul.f32 v17, v17;
	v54 =	vld.idx.msk [tilespmem:v35+s20+$0x0], $0xffff;
	v56 =	vmul.f32 v28, v28  }
0xd1: {  	v14 =	vadd.s32 v7, v14;
	v30 =	vld.idx.msk [tilespmem:v30+s19+$0x0], $0xffff;
	v24 =	vadd.f32 v34, v24;
	v29 =	vadd.f32 v31, v52  }
0xd2: {  	v53 =	vadd.s32 v7, v12;
	v23 =	vadd.f32 v55, v23;
	v27 =	vld.idx.msk [tilespmem:v27+s20+$0x0], $0xffff;
	v22 =	vadd.f32 v56, v22  }
0xd3: {  	v8 =	vld.idx.msk [tilespmem:v49+s19+$0x0], $0xffff;
	v21 =	vadd.f32 v37, v21;
	v24 =	vadd.f32 v50, v24;
	v58 =	vmul.f32 v29, v29  }
0xd4: {  	v59 =	vmul.f32 v6, v6;
	v15 =	vld.idx.msk [tilespmem:v15+s20+$0x0], $0xffff;
	v23 =	vadd.f32 v57, v23;
	v20 =	vadd.f32 v51, v20  }
0xd5: {  	v25 =	vld.idx.msk [tilespmem:v25+s19+$0x0], $0xffff;
	v12 =	vadd.f32 v54, v21;
	v61 =	vmul.f32 v24, v24;
	v60 =	vadd.f32 v58, v22  }
0xd6: {  	v62 =	vmul.f32 v5, v5;
	v14 =	vld.idx.msk [tilespmem:v14+s20+$0x0], $0xffff;
	v23 =	vadd.f32 v59, v23;
	v18 =	vadd.f32 v30, v18  }
0xd7: {  	v20 =	vadd.f32 v27, v20;
	v63 =	vmul.f32 v12, v12;
	v21 =	vadd.f32 v61, v60  }
0xd8: {  	v7 =	vld.idx.msk [tilespmem:v53+s20+$0x0], $0xffff;
	v8 =	vadd.f32 v8, v13;
	v30 =	vmul.f32 v3, v3;
	v31 =	vadd.f32 v62, v23  }
0xd9: {  	v32 =	vld [tilespmem:s6+$0x600];
	v15 =	vadd.f32 v15, v18;
	v34 =	vmul.f32 v20, v20;
	v33 =	vadd.f32 v63, v21  }
0xda: {  	v19 =	vmul.f32 v19, v4;
	v11 =	vadd.f32 v25, v11;
	v13 =	vadd.f32 v30, v31  }
0xdb: {  	v8 =	vadd.f32 v14, v8;
	v36 =	vmul.f32 v15, v15;
	v35 =	vadd.f32 v34, v33  }
0xdc: {  	v16 =	vmul.f32 v16, v2;
	v13 =	vadd.f32 v19, v13  }
0xdd: {  	v7 =	vadd.f32 v7, v11;
	v38 =	vmul.f32 v8, v8;
	v37 =	vadd.f32 v36, v35  }
0xde: {  	v39 =	vmul.f32 v32, v32;
	v13 =	vadd.f32 v16, v13  }
0xdf: {  	v40 =	vmul.f32 v7, v7;
	v11 =	vadd.f32 v38, v37  }
0xe0: {  	v13 =	vadd.f32 v39, v13  }
0xe1: {  	v11 =	vadd.f32 v40, v11  }
0xe2: {  	v13 =	vmax.f32 v13, $1.000000020e-16  }
0xe3: {  	v41 =	vshra.s32 v13, $0x1;
	v11 =	vmax.f32 v11, $1.000000020e-16  }
0xe4: {  	v13 =	vmul.f32 $5.000000000e-01, v13;
	v42 =	vshra.s32 v11, $0x1;
	v11 =	vmul.f32 $5.000000000e-01, v11  }
0xe5: {  	v14 =	vsub.s32 $0x5F3759DF, v41;
	v16 =	vsub.s32 $0x5F3759DF, v42  }
0xe6: {  	v43 =	vmul.f32 v14, v13;
	v44 =	vmul.f32 v16, v11;
	_ =	sdelay $0x1  }
0xe7: {  	v18 =	vmul.f32 v14, v43;
	v19 =	vmul.f32 v16, v44;
	_ =	sdelay $0x1  }
0xe8: {  	v18 =	vsub.f32 $1.500000000e+00, v18;
	v19 =	vsub.f32 $1.500000000e+00, v19;
	_ =	sdelay $0x1  }
0xe9: {  	v14 =	vmul.f32 v14, v18;
	v16 =	vmul.f32 v16, v19  }
0xea: {  	v45 =	vmul.f32 v28, v17  }
0xeb: {  	v18 =	vmul.f32 v14, v13;
	v19 =	vmul.f32 v16, v11  }
0xec: {  	v10 =	vadd.f32 v45, v10;
	v46 =	vmul.f32 v29, v9  }
0xed: {  	v47 =	vmul.f32 v18, v14;
	v48 =	vmul.f32 v19, v16  }
0xee: {  	v49 =	vmul.f32 v24, v6;
	v9 =	vadd.f32 v46, v10  }
0xef: {  	v50 =	vsub.f32 $1.500000000e+00, v47;
	v51 =	vsub.f32 $1.500000000e+00, v48  }
0xf0: {  	v52 =	vmul.f32 v12, v5;
	v6 =	vadd.f32 v49, v9  }
0xf1: {  	v53 =	vmul.f32 v50, v14;
	v54 =	vmul.f32 v51, v16  }
0xf2: {  	v3 =	vmul.f32 v20, v3;
	v5 =	vadd.f32 v52, v6  }
0xf3: {  	v55 =	vmul.f32 v53, v13;
	v11 =	vmul.f32 v54, v11  }
0xf4: {  	v56 =	vmul.f32 v15, v4;
	v3 =	vadd.f32 v3, v5  }
0xf5: {  	v57 =	vmul.f32 v55, v53;
	v58 =	vmul.f32 v11, v54  }
0xf6: {  	v3 =	vadd.f32 v56, v3  }
0xf7: {  	v2 =	vmul.f32 v8, v2;
	v59 =	vsub.f32 $1.500000000e+00, v57;
	v60 =	vsub.f32 $1.500000000e+00, v58  }
0xf8: {  	v61 =	vmul.f32 v7, v32  }
0xf9: {  	v2 =	vadd.f32 v2, v3;
	v3 =	vmul.f32 v59, v53;
	v62 =	vmul.f32 v60, v54;
	_ =	sdelay $0x1  }
0xfa: {  	v2 =	vadd.f32 v61, v2;
	v3 =	vmul.f32 v62, v3;
	_ =	sdelay $0x1  }
0xfb: {  	v2 =	vmul.f32 v3, v2  }
0xfc: {  	v3 =	vld.idx.msk [tilespmem:v1+s22+$0x0], $0xffff  }
0xfd: {  	v2 =	vmul.f32 $2.500000000e+00, v2  }
0xfe: {  	v63 =	vld.idx.msk [tilespmem:v1+s23+$0x0], $0xffff  }
0xff: {  	s9 =	sadd.s32 $0x1, s9;
	v2 =	vadd.f32 $2.750000000e+00, v2  }
0x100: {  	p0 =	sne.s32 s9, $0x20  }
.Ltmp2:
0x101: {  	v2 =	vadd.f32 v3, v2;
	(pc) =	sbr.rel @p0 .LBB2_4-.Ltmp2, $3  }
0x102: {  	_ = 	snop  }
0x103: {  	v2 =	vadd.f32 v63, v2;
	_ =	sdelay $0x1  }
0x104: {  	s11 =	sadd.s32 $0x10, s11;
	s10 =	sadd.s32 $0x10, s10;
	[tilespmem:v1+s31+$0x0] =	vst.idx.msk $0xffff, v2  }
0x105: {  	s1 =	rddreg [dreg:$0xe]  }
0x106: {  	[hbm4b:s1+s2] =	stream.linear.scatter [tilespmem:s31], [sflag:$0x2], $0x200, $0x38;
	[tilespmem:$0x12E00] =	vst v63  }
0x107: {  	_ =	swait.ge [sflag:s15], $0x200  }
0x108: {  	s4 =	sadd.s32 $0x1, s4;
	s14 =	rddreg [dreg:$0xf]  }
0x109: {  	p0 =	sne.s32 s4, s14  }
.Ltmp3:
0x10a: {  	_ = 	snop;
	(pc) =	sbr.rel @p0 .LBB2_1-.Ltmp3, $3  }
0x10b: {  	_ =	sdelay $0x1  }
0x10c: {  	[sflag:s15] =	ssyncset.done $0x0  }
0x10d: {  	[sflag:s15] =	ssyncadd.s32 $0xFFFFFE00  }
0x10e: {  	_ =	sfence.sel $0x180000  }
0x10f: {  	[bflag:$0x0] =	sbarrier.arrive $0xFFFF  }
0x110: {  	_ =	strace $0x90000047  }
0x111: {  	s0 =	stileid.u32;
	[bflag:$0x2] =	sbarrier.arrive $0xFFFF  }
0x112: {  	p0 =	sne.s32 s0, $0x0;
	s0 =	rddreg [dreg:$0x6]  }
0x113: {  	s0 =	sadd.s32 @!p0 $0x100000, s0  }
0x114: {  	[sflag:s0] =	ssyncadd.tile.s32 @!p0 $0x1;
	_ =	shalt  }
.Lfunc_end2:
_tile_overlayer_lowered:
.L_overlay_start_2:
0x115: {  	(tag) =	ssettag $0x2  }
0x116: {  	s0 =	rddreg [dreg:$0x0];
	s2 =	stileid.u32  }
0x117: {  	s1 =	rddreg [dreg:$0x1];
	p0 =	sne.s32 s2, $0x0  }
0x118: {  	s3 =	rddreg [dreg:$0x2];
	[bflag:$0x3] =	sbarrier.arrive $0xFFFF;
	s2 =	simm.s32 @!p0 $0x1C02  }
0x119: {  	[timem:s3], [sflag:s2] =	dma.local @!p0 [hbm:s0], s1  }
0x11a: {  	s0 =	simm.s32 @!p0 $0x2  }
0x11b: {  	_ =	swait.ge @!p0 [sflag:s0], s1  }
0x11c: {  	s1 =	ssub.s32 @!p0 $0x0, s1;
	[sflag:s0] =	ssyncset.done @!p0 $0x0  }
0x11d: {  	[sflag:s0] =	ssyncadd.s32 @!p0 s1  }
0x11e: {  	[bflag:$0x3] =	sbarrier.arrive $0xFFFF  }
0x11f: {  	_ =	shalt  }

</sc_bundles>
